<compile_context>
chip_gen: v7x
topology: tpu7x:2x2x1
jax: 0.10.2.dev20260603
libtpu: 0.0.44.dev20260713+nightly
codegen_flags: <defaults>
</compile_context>

<pallas_src>
import functools

import jax
import jax.numpy as jnp
from jax import lax
from jax.experimental import pallas as pl
from jax.experimental.pallas import tpu as pltpu
from jax.experimental.pallas import tpu_sc as plsc

NN = 10000
NE = 160000
FIN = 256
HEADS = 8
HID = 8
NCLS = 40

NPAD = 10240
EPAD = 163840
CHUNK = 128
NC, NS = 2, 16
NW = NC * NS
E_PER_W = EPAD // NW
CHUNKS_PER_W = E_PER_W // CHUNK
ROWS_PER_TILE = NPAD // NS

BM = 1024


def _vg(x, idx):
    dnums = lax.GatherDimensionNumbers(
        offset_dims=(), collapsed_slice_dims=(0,), start_index_map=(0,))
    return lax.gather(x, idx[:, None], dnums, (1,),
                      mode=lax.GatherScatterMode.PROMISE_IN_BOUNDS)


def _stage_a_body(x_ref, w1e_ref, w1d_ref, t1_ref, d1_ref):
    x = x_ref[...]
    t = jnp.dot(x, w1e_ref[...], preferred_element_type=jnp.float32)
    col = lax.broadcasted_iota(jnp.int32, (BM, 80), 1)
    ones_cols = jnp.where((col >= 64) & (col < 72), 1.0, 0.0)
    t1_ref[...] = t + ones_cols
    d1_ref[...] = jnp.dot(x, w1d_ref[...], preferred_element_type=jnp.float32)


def _stage_a(x_pad, w1e, w1d):
    return pl.pallas_call(
        _stage_a_body,
        grid=(NPAD // BM,),
        in_specs=[
            pl.BlockSpec((BM, FIN), lambda i: (i, 0)),
            pl.BlockSpec((FIN, 80), lambda i: (0, 0)),
            pl.BlockSpec((FIN, 16), lambda i: (0, 0)),
        ],
        out_specs=[
            pl.BlockSpec((BM, 80), lambda i: (i, 0)),
            pl.BlockSpec((BM, 16), lambda i: (i, 0)),
        ],
        out_shape=[
            jax.ShapeDtypeStruct((NPAD, 80), jnp.float32),
            jax.ShapeDtypeStruct((NPAD, 16), jnp.float32),
        ],
    )(x_pad, w1e, w1d)


def _make_sc_layer(rw, a_off, build_msg):
    mesh = plsc.VectorSubcoreMesh(core_axis_name="c", subcore_axis_name="s",
                                  num_cores=NC, num_subcores=NS)

    @functools.partial(
        pl.kernel,
        out_type=jax.ShapeDtypeStruct((NC * NPAD, rw), jnp.float32),
        mesh=mesh,
        scratch_types=[
            pltpu.VMEM((CHUNKS_PER_W, CHUNK), jnp.int32),
            pltpu.VMEM((CHUNKS_PER_W, CHUNK), jnp.int32),
            pltpu.VMEM((CHUNK, rw), jnp.float32),
            pltpu.VMEM((CHUNK, rw), jnp.float32),
            pltpu.VMEM((CHUNK, 16), jnp.float32),
            pltpu.VMEM((CHUNK, 16), jnp.float32),
            pltpu.VMEM((CHUNK, rw), jnp.float32),
            pltpu.VMEM((CHUNK, rw), jnp.float32),
            pltpu.VMEM((CHUNK, rw), jnp.float32),
            pltpu.VMEM_SHARED((NPAD, rw), jnp.float32),
            pltpu.SemaphoreType.DMA,
            pltpu.SemaphoreType.DMA,
            pltpu.SemaphoreType.DMA,
            pltpu.SemaphoreType.DMA,
            pltpu.SemaphoreType.DMA,
        ],
        compiler_params=pltpu.CompilerParams(use_tc_tiling_on_sc=False, needs_layout_passes=False),
    )
    def sc_layer(t_hbm, d_hbm, src_hbm, dst_hbm, zeros_hbm, out_hbm,
                 srcs, dsts, rowsS0, rowsS1, rowsD0, rowsD1, msg0, msg1,
                 zchunk, acc,
                 isem, gsem0, gsem1, ssem0, ssem1):
        c = lax.axis_index("c")
        s = lax.axis_index("s")
        wid = c * NS + s
        r0 = s * ROWS_PER_TILE
        cp_si = pltpu.async_copy(src_hbm.at[wid], srcs, isem)
        cp_di = pltpu.async_copy(dst_hbm.at[wid], dsts, isem)
        pltpu.sync_copy(zeros_hbm, zchunk)
        for z in range(ROWS_PER_TILE // CHUNK):
            pltpu.sync_copy(zchunk, acc.at[pl.ds(r0 + z * CHUNK, CHUNK)])
        cp_si.wait()
        cp_di.wait()
        plsc.subcore_barrier()

        bufs = (
            (rowsS0, rowsD0, msg0, gsem0, ssem0),
            (rowsS1, rowsD1, msg1, gsem1, ssem1),
        )

        def start_gather(k, b):
            rowsS, rowsD, _, gsem, _ = b
            kc = jnp.minimum(k, CHUNKS_PER_W - 1)
            pltpu.async_copy(t_hbm.at[srcs.at[kc]], rowsS, gsem)
            pltpu.async_copy(d_hbm.at[dsts.at[kc]], rowsD, gsem)

        def wait_gather(k, b):
            rowsS, rowsD, _, gsem, _ = b
            kc = jnp.minimum(k, CHUNKS_PER_W - 1)
            pltpu.make_async_copy(t_hbm.at[srcs.at[kc]], rowsS, gsem).wait()
            pltpu.make_async_copy(d_hbm.at[dsts.at[kc]], rowsD, gsem).wait()

        def compute(b):
            rowsS, rowsD, msg, _, _ = b

            @plsc.parallel_loop(0, CHUNK, unroll=8)
            def edge_body(e):
                a = rowsS[e, pl.ds(a_off, 16)]
                bb = rowsD[e, :]
                t = a + bb
                w = jnp.exp(jnp.maximum(t, 0.2 * t))
                build_msg(e, rowsS, msg, a, w)

        def start_scatter(k, b):
            _, _, msg, _, ssem = b
            pltpu.async_copy(msg, acc.at[dsts.at[k]], ssem, add=True)

        def wait_scatter(k, b):
            _, _, msg, _, ssem = b
            pltpu.make_async_copy(msg, acc.at[dsts.at[k]], ssem).wait()

        start_gather(0, bufs[0])

        def pair_body(j, carry):
            k0 = 2 * j
            start_gather(k0 + 1, bufs[1])
            wait_gather(k0, bufs[0])

            @pl.when(j > 0)
            def _():
                wait_scatter(k0 - 2, bufs[0])

            compute(bufs[0])
            start_scatter(k0, bufs[0])
            start_gather(k0 + 2, bufs[0])
            wait_gather(k0 + 1, bufs[1])

            @pl.when(j > 0)
            def _():
                wait_scatter(k0 - 1, bufs[1])

            compute(bufs[1])
            start_scatter(k0 + 1, bufs[1])
            return carry

        lax.fori_loop(0, CHUNKS_PER_W // 2, pair_body, 0)
        wait_gather(CHUNKS_PER_W, bufs[0])
        wait_scatter(CHUNKS_PER_W - 2, bufs[0])
        wait_scatter(CHUNKS_PER_W - 1, bufs[1])
        plsc.subcore_barrier()
        pltpu.sync_copy(acc.at[pl.ds(r0, ROWS_PER_TILE)],
                        out_hbm.at[pl.ds(c * NPAD + r0, ROWS_PER_TILE)])

    return sc_layer


def _build_msg1(e, rowsS, msg, a, w):
    it = lax.iota(jnp.int32, 16)
    lo = it // 8
    hi = it & 7
    mask8 = jnp.where(it < 8, 1.0, 0.0)
    w01 = _vg(w, 8 + lo)
    w23 = _vg(w, 10 + lo)
    w45 = _vg(w, 12 + lo)
    w67 = _vg(w, 14 + lo)
    wt = _vg(w, 8 + hi) * mask8
    msg[e, pl.ds(0, 16)] = rowsS[e, pl.ds(0, 16)] * w01
    msg[e, pl.ds(16, 16)] = rowsS[e, pl.ds(16, 16)] * w23
    msg[e, pl.ds(32, 16)] = rowsS[e, pl.ds(32, 16)] * w45
    msg[e, pl.ds(48, 16)] = rowsS[e, pl.ds(48, 16)] * w67
    msg[e, pl.ds(64, 16)] = a * wt


def _build_msg2(e, rowsS, msg, a, w):
    it = lax.iota(jnp.int32, 16)
    mask9 = jnp.where(it < 9, 1.0, 0.0)
    wb = _vg(w, jnp.broadcast_to(jnp.int32(9), (16,)))
    msg[e, pl.ds(0, 16)] = rowsS[e, pl.ds(0, 16)] * wb
    msg[e, pl.ds(16, 16)] = rowsS[e, pl.ds(16, 16)] * wb
    msg[e, pl.ds(32, 16)] = a * wb * mask9


@functools.lru_cache(maxsize=None)
def _sc_layers():
    return (_make_sc_layer(80, 64, _build_msg1),
            _make_sc_layer(48, 32, _build_msg2))


def _stage_c_body(t1_ref, d1_ref, accA_ref, accB_ref, b1_ref, w2e_ref,
                  w2d_ref, r8_ref, t2_ref, d2_ref):
    t1 = t1_ref[...]
    h1 = t1[:, 0:64]
    as1 = t1[:, 72:80]
    ad1 = d1_ref[...][:, 8:16]
    sc = as1 + ad1
    wself = jnp.exp(jnp.maximum(sc, 0.2 * sc))
    r8 = r8_ref[...]
    wrep = jnp.dot(wself, r8, preferred_element_type=jnp.float32)
    accA = accA_ref[...]
    accB = accB_ref[...]
    num = accA[:, 0:64] + accB[:, 0:64] + wrep * h1
    den = accA[:, 64:72] + accB[:, 64:72] + wself
    denrep = jnp.dot(den, r8, preferred_element_type=jnp.float32)
    out1 = num / (denrep + 1e-16) + b1_ref[...]
    g = jnp.where(out1 > 0, out1, jnp.exp(jnp.minimum(out1, 0.0)) - 1.0)
    t2 = jnp.dot(g, w2e_ref[...], preferred_element_type=jnp.float32)
    col = lax.broadcasted_iota(jnp.int32, (BM, 48), 1)
    t2_ref[...] = t2 + jnp.where(col == 40, 1.0, 0.0)
    d2_ref[...] = jnp.dot(g, w2d_ref[...], preferred_element_type=jnp.float32)


def _stage_c(t1, d1, acc1, b1row, w2e, w2d, r8):
    nblk = NPAD // BM
    return pl.pallas_call(
        _stage_c_body,
        grid=(nblk,),
        in_specs=[
            pl.BlockSpec((BM, 80), lambda i: (i, 0)),
            pl.BlockSpec((BM, 16), lambda i: (i, 0)),
            pl.BlockSpec((BM, 80), lambda i: (i, 0)),
            pl.BlockSpec((BM, 80), lambda i: (i + NPAD // BM, 0)),
            pl.BlockSpec((1, 64), lambda i: (0, 0)),
            pl.BlockSpec((64, 48), lambda i: (0, 0)),
            pl.BlockSpec((64, 16), lambda i: (0, 0)),
            pl.BlockSpec((8, 64), lambda i: (0, 0)),
        ],
        out_specs=[
            pl.BlockSpec((BM, 48), lambda i: (i, 0)),
            pl.BlockSpec((BM, 16), lambda i: (i, 0)),
        ],
        out_shape=[
            jax.ShapeDtypeStruct((NPAD, 48), jnp.float32),
            jax.ShapeDtypeStruct((NPAD, 16), jnp.float32),
        ],
    )(t1, d1, acc1, acc1, b1row, w2e, w2d, r8)


def _stage_e_body(t2_ref, d2_ref, accA_ref, accB_ref, b2_ref, o_ref):
    t2 = t2_ref[...]
    h2 = t2[:, 0:40]
    as2 = t2[:, 41:42]
    ad2 = d2_ref[...][:, 9:10]
    sc = as2 + ad2
    wself = jnp.exp(jnp.maximum(sc, 0.2 * sc))
    accA = accA_ref[...]
    accB = accB_ref[...]
    num = accA[:, 0:40] + accB[:, 0:40] + wself * h2
    den = accA[:, 40:41] + accB[:, 40:41] + wself
    out = num / (den + 1e-16) + b2_ref[...]
    m = jnp.max(out, axis=1, keepdims=True)
    lse = jnp.log(jnp.sum(jnp.exp(out - m), axis=1, keepdims=True))
    o_ref[...] = out - m - lse


def _stage_e(t2, d2, acc2, b2row):
    return pl.pallas_call(
        _stage_e_body,
        grid=(NPAD // BM,),
        in_specs=[
            pl.BlockSpec((BM, 48), lambda i: (i, 0)),
            pl.BlockSpec((BM, 16), lambda i: (i, 0)),
            pl.BlockSpec((BM, 48), lambda i: (i, 0)),
            pl.BlockSpec((BM, 48), lambda i: (i + NPAD // BM, 0)),
            pl.BlockSpec((1, 40), lambda i: (0, 0)),
        ],
        out_specs=pl.BlockSpec((BM, 40), lambda i: (i, 0)),
        out_shape=jax.ShapeDtypeStruct((NPAD, 40), jnp.float32),
    )(t2, d2, acc2, acc2, b2row)


def kernel(x, edge_index, W1, a_src1, a_dst1, b1, W2, a_src2, a_dst2, b2):
    f32 = jnp.float32
    eye8 = jnp.eye(HEADS, dtype=f32)
    a_s = (a_src1[:, :, None] * eye8[:, None, :]).reshape(HEADS * HID, HEADS)
    a_d = (a_dst1[:, :, None] * eye8[:, None, :]).reshape(HEADS * HID, HEADS)
    w1e = jnp.concatenate(
        [W1, jnp.zeros((FIN, 8), f32), W1 @ a_s], axis=1)
    w1d = jnp.concatenate([jnp.zeros((FIN, 8), f32), W1 @ a_d], axis=1)
    w2e = jnp.concatenate(
        [W2, jnp.zeros((64, 1), f32), W2 @ a_src2.T,
         jnp.zeros((64, 6), f32)], axis=1)
    w2d = jnp.concatenate(
        [jnp.zeros((64, 9), f32), W2 @ a_dst2.T,
         jnp.zeros((64, 6), f32)], axis=1)
    r8 = jnp.kron(jnp.eye(HEADS, dtype=f32), jnp.ones((1, HID), f32))

    x_pad = jnp.concatenate(
        [x, jnp.zeros((NPAD - NN, FIN), f32)], axis=0)
    ei = edge_index.astype(jnp.int32)
    pad_idx = jnp.full((EPAD - NE,), NN, jnp.int32)
    src = jnp.concatenate([ei[0], pad_idx]).reshape(NW, CHUNKS_PER_W, CHUNK)
    dst = jnp.concatenate([ei[1], pad_idx]).reshape(NW, CHUNKS_PER_W, CHUNK)
    z80 = jnp.zeros((CHUNK, 80), f32)
    z48 = jnp.zeros((CHUNK, 48), f32)

    sc1, sc2 = _sc_layers()
    t1, d1 = _stage_a(x_pad, w1e, w1d)
    acc1 = sc1(t1, d1, src, dst, z80)
    t2, d2 = _stage_c(t1, d1, acc1, b1.reshape(1, 64), w2e, w2d, r8)
    acc2 = sc2(t2, d2, src, dst, z48)
    out = _stage_e(t2, d2, acc2, b2.reshape(1, 40))
    return out[:NN]

# --- scband reference (transcript-rebuilt; emitter-appended) ---
"""Pipeline reference for scband-gat-8615704396306 (READ-ONLY COPY).

The authoritative reference and input builder live on the scoring server;
editing this copy changes nothing except your own understanding.
"""

import jax, jax.numpy as jnp
import numpy as np

N = 10000
E = 160000
F_IN = 256
HID = 8
HEADS = 8
NUM_CLASSES = 40


def add_self_loops(edge_index, n):
    loops = jnp.arange(n, dtype=edge_index.dtype)
    return jnp.concatenate([edge_index, jnp.stack([loops, loops])], axis=1)


def segment_softmax(scores, seg, n):
    # scores: [E, H], seg: [E]
    m = jax.ops.segment_max(scores, seg, num_segments=n)
    m = jnp.where(jnp.isfinite(m), m, 0.0)
    e = jnp.exp(scores - m[seg])
    s = jax.ops.segment_sum(e, seg, num_segments=n)
    return e / (s[seg] + 1e-16)


def gat_conv(x, edge_index, W, a_src, a_dst, bias, heads, out_ch, concat, n):
    # Faithful PyG GATConv (eval mode: dropout is identity). Self-loops already added.
    src, dst = edge_index[0], edge_index[1]
    h = (x @ W).reshape(n, heads, out_ch)          # [N, H, C]
    alpha_src = (h * a_src).sum(-1)                # [N, H]
    alpha_dst = (h * a_dst).sum(-1)                # [N, H]
    e = alpha_src[src] + alpha_dst[dst]            # [E, H]
    e = jax.nn.leaky_relu(e, negative_slope=0.2)
    alpha = segment_softmax(e, dst, n)             # [E, H]
    msg = h[src] * alpha[:, :, None]               # [E, H, C]
    out = jax.ops.segment_sum(msg, dst, num_segments=n)  # [N, H, C]
    if concat:
        out = out.reshape(n, heads * out_ch)
    else:
        out = out.mean(axis=1)
    return out + bias


def setup_inputs(seed: int = 0) -> dict:
    key = jax.random.key(seed)
    ks = jax.random.split(key, 10)
    x = jax.random.normal(ks[0], (N, F_IN), dtype=jnp.float32)
    edge_index = jax.random.randint(ks[1], (2, E), 0, N, dtype=jnp.int64 if jax.config.jax_enable_x64 else jnp.int32)
    W1 = jax.random.normal(ks[2], (F_IN, HEADS * HID), dtype=jnp.float32) * (1.0 / np.sqrt(F_IN))
    a_src1 = jax.random.normal(ks[3], (HEADS, HID), dtype=jnp.float32) * 0.1
    a_dst1 = jax.random.normal(ks[4], (HEADS, HID), dtype=jnp.float32) * 0.1
    b1 = jnp.zeros((HEADS * HID,), dtype=jnp.float32)
    W2 = jax.random.normal(ks[5], (HEADS * HID, NUM_CLASSES), dtype=jnp.float32) * (1.0 / np.sqrt(HEADS * HID))
    a_src2 = jax.random.normal(ks[6], (1, NUM_CLASSES), dtype=jnp.float32) * 0.1
    a_dst2 = jax.random.normal(ks[7], (1, NUM_CLASSES), dtype=jnp.float32) * 0.1
    b2 = jnp.zeros((NUM_CLASSES,), dtype=jnp.float32)
    return {"x": x, "edge_index": edge_index, "W1": W1, "a_src1": a_src1, "a_dst1": a_dst1, "b1": b1,
            "W2": W2, "a_src2": a_src2, "a_dst2": a_dst2, "b2": b2}


def reference(x, edge_index, W1, a_src1, a_dst1, b1, W2, a_src2, a_dst2, b2):
    ei = add_self_loops(edge_index, N)
    # eval mode: F.dropout is identity
    h = gat_conv(x, ei, W1, a_src1, a_dst1, b1, HEADS, HID, True, N)
    h = jax.nn.elu(h)
    out = gat_conv(h, ei, W2, a_src2, a_dst2, b2, 1, NUM_CLASSES, False, N)
    return jax.nn.log_softmax(out, axis=1)

if __name__ == "__main__":
    import jax
    _d = setup_inputs()
    print(jax.jit(kernel)(*tuple(_d.values())))

</pallas_src>

<mosaic_0001>
#map = affine_map<(d0, d1) -> (0, 0)>
#map1 = affine_map<(d0, d1) -> (0, 0, 0)>
module attributes {stable_mosaic.version = 14 : i64} {
  func.func @sc_layer(%arg0: i32, %arg1: i32, %arg2: memref<10240x80xf32, #tpu.memory_space<hbm>>, %arg3: memref<10240x16xf32, #tpu.memory_space<hbm>>, %arg4: memref<32x40x128xi32, #tpu.memory_space<hbm>>, %arg5: memref<32x40x128xi32, #tpu.memory_space<hbm>>, %arg6: memref<128x80xf32, #tpu.memory_space<hbm>>, %arg7: memref<20480x80xf32, #tpu.memory_space<hbm>>, %arg8: memref<40x128xi32, #tpu.memory_space<vmem>>, %arg9: memref<40x128xi32, #tpu.memory_space<vmem>>, %arg10: memref<128x80xf32, #tpu.memory_space<vmem>>, %arg11: memref<128x80xf32, #tpu.memory_space<vmem>>, %arg12: memref<128x16xf32, #tpu.memory_space<vmem>>, %arg13: memref<128x16xf32, #tpu.memory_space<vmem>>, %arg14: memref<128x80xf32, #tpu.memory_space<vmem>>, %arg15: memref<128x80xf32, #tpu.memory_space<vmem>>, %arg16: memref<128x80xf32, #tpu.memory_space<vmem>>, %arg17: memref<10240x80xf32, #tpu.memory_space<vmem_shared>>, %arg18: memref<!tpu.dma_semaphore, #tpu.memory_space<semaphore_mem>>, %arg19: memref<!tpu.dma_semaphore, #tpu.memory_space<semaphore_mem>>, %arg20: memref<!tpu.dma_semaphore, #tpu.memory_space<semaphore_mem>>, %arg21: memref<!tpu.dma_semaphore, #tpu.memory_space<semaphore_mem>>, %arg22: memref<!tpu.dma_semaphore, #tpu.memory_space<semaphore_mem>>) attributes {dimension_semantics = [#tpu.dimension_semantics<core_parallel>, #tpu.dimension_semantics<subcore_parallel>], iteration_bounds = array<i64: 2, 16>, scalar_prefetch = 0 : i64, scratch_operands = 15 : i64, tpu.core_type = #tpu.core_type<sc_vector_subcore>, window_params = [{transform_indices = #map}, {transform_indices = #map}, {transform_indices = #map1}, {transform_indices = #map1}, {transform_indices = #map}, {transform_indices = #map}]} {
    %mul3A = arith.constant 16 : i32
    %mul3A_0 = arith.muli %arg0, %mul3A : i32
    %add3A = arith.addi %mul3A_0, %arg1 : i32
    %mul3A_1 = arith.constant 640 : i32
    %mul3A_2 = arith.muli %arg1, %mul3A_1 : i32
    %dma_start3A = arith.constant 0 : i32
    %dma_start3A_3 = arith.constant 0 : i32
    %dma_start3A_4 = tpu.memref_slice %arg4[%add3A, %dma_start3A, %dma_start3A_3] : memref<32x40x128xi32, #tpu.memory_space<hbm>> -> memref<1x40x128xi32, #tpu.memory_space<hbm>>
    %dma_start3A_5 = tpu.memref_squeeze %dma_start3A_4 : memref<1x40x128xi32, #tpu.memory_space<hbm>> -> memref<40x128xi32, #tpu.memory_space<hbm>>
    %dma_start3A_6 = arith.constant 0 : i32
    %dma_start3A_7 = arith.constant 0 : i32
    %dma_start3A_8 = tpu.memref_slice %arg4[%add3A, %dma_start3A_6, %dma_start3A_7] : memref<32x40x128xi32, #tpu.memory_space<hbm>> -> memref<1x40x128xi32, #tpu.memory_space<hbm>>
    %dma_start3A_9 = tpu.memref_squeeze %dma_start3A_8 : memref<1x40x128xi32, #tpu.memory_space<hbm>> -> memref<40x128xi32, #tpu.memory_space<hbm>>
    tpu.enqueue_dma source(%dma_start3A_9 : memref<40x128xi32, #tpu.memory_space<hbm>>) target(%arg8 : memref<40x128xi32, #tpu.memory_space<vmem>>) target_semaphore(%arg18 : memref<!tpu.dma_semaphore, #tpu.memory_space<semaphore_mem>>)
    %dma_start3A_10 = arith.constant 0 : i32
    %dma_start3A_11 = arith.constant 0 : i32
    %dma_start3A_12 = tpu.memref_slice %arg5[%add3A, %dma_start3A_10, %dma_start3A_11] : memref<32x40x128xi32, #tpu.memory_space<hbm>> -> memref<1x40x128xi32, #tpu.memory_space<hbm>>
    %dma_start3A_13 = tpu.memref_squeeze %dma_start3A_12 : memref<1x40x128xi32, #tpu.memory_space<hbm>> -> memref<40x128xi32, #tpu.memory_space<hbm>>
    %dma_start3A_14 = arith.constant 0 : i32
    %dma_start3A_15 = arith.constant 0 : i32
    %dma_start3A_16 = tpu.memref_slice %arg5[%add3A, %dma_start3A_14, %dma_start3A_15] : memref<32x40x128xi32, #tpu.memory_space<hbm>> -> memref<1x40x128xi32, #tpu.memory_space<hbm>>
    %dma_start3A_17 = tpu.memref_squeeze %dma_start3A_16 : memref<1x40x128xi32, #tpu.memory_space<hbm>> -> memref<40x128xi32, #tpu.memory_space<hbm>>
    tpu.enqueue_dma source(%dma_start3A_17 : memref<40x128xi32, #tpu.memory_space<hbm>>) target(%arg9 : memref<40x128xi32, #tpu.memory_space<vmem>>) target_semaphore(%arg18 : memref<!tpu.dma_semaphore, #tpu.memory_space<semaphore_mem>>)
    "tpu.region"() ({
      %run_scoped3A = tpu.sem_alloc : memref<!tpu.dma_semaphore, #tpu.memory_space<semaphore_mem>>
      tpu.enqueue_dma source(%arg6 : memref<128x80xf32, #tpu.memory_space<hbm>>) target(%arg16 : memref<128x80xf32, #tpu.memory_space<vmem>>) target_semaphore(%run_scoped3A : memref<!tpu.dma_semaphore, #tpu.memory_space<semaphore_mem>>)
      tpu.wait_dma2 semaphore(%run_scoped3A : memref<!tpu.dma_semaphore, #tpu.memory_space<semaphore_mem>>) src(%arg6 : memref<128x80xf32, #tpu.memory_space<hbm>>) dst(%arg16 : memref<128x80xf32, #tpu.memory_space<vmem>>)
      tpu.yield
    }) : () -> ()
    %add3A_18 = arith.constant 0 : i32
    %add3A_19 = arith.addi %mul3A_2, %add3A_18 : i32
    "tpu.region"() ({
      %run_scoped3A = tpu.sem_alloc : memref<!tpu.dma_semaphore, #tpu.memory_space<semaphore_mem>>
      %dma_start3A_95 = arith.constant 0 : i32
      %dma_start3A_96 = tpu.memref_slice %arg17[%add3A_19, %dma_start3A_95] : memref<10240x80xf32, #tpu.memory_space<vmem_shared>> -> memref<128x80xf32, #tpu.memory_space<vmem_shared>>
      %dma_start3A_97 = arith.constant 0 : i32
      %dma_start3A_98 = tpu.memref_slice %arg17[%add3A_19, %dma_start3A_97] : memref<10240x80xf32, #tpu.memory_space<vmem_shared>> -> memref<128x80xf32, #tpu.memory_space<vmem_shared>>
      tpu.enqueue_dma source(%arg16 : memref<128x80xf32, #tpu.memory_space<vmem>>) target(%dma_start3A_98 : memref<128x80xf32, #tpu.memory_space<vmem_shared>>) target_semaphore(%run_scoped3A : memref<!tpu.dma_semaphore, #tpu.memory_space<semaphore_mem>>)
      %dma_wait3A_99 = arith.constant 0 : i32
      %dma_wait3A_100 = tpu.memref_slice %arg17[%add3A_19, %dma_wait3A_99] : memref<10240x80xf32, #tpu.memory_space<vmem_shared>> -> memref<128x80xf32, #tpu.memory_space<vmem_shared>>
      %dma_wait3A_101 = arith.constant 0 : i32
      %dma_wait3A_102 = tpu.memref_slice %arg17[%add3A_19, %dma_wait3A_101] : memref<10240x80xf32, #tpu.memory_space<vmem_shared>> -> memref<128x80xf32, #tpu.memory_space<vmem_shared>>
      tpu.wait_dma2 semaphore(%run_scoped3A : memref<!tpu.dma_semaphore, #tpu.memory_space<semaphore_mem>>) src(%arg16 : memref<128x80xf32, #tpu.memory_space<vmem>>) dst(%dma_wait3A_102 : memref<128x80xf32, #tpu.memory_space<vmem_shared>>)
      tpu.yield
    }) : () -> ()
    %add3A_20 = arith.constant 128 : i32
    %add3A_21 = arith.addi %mul3A_2, %add3A_20 : i32
    "tpu.region"() ({
      %run_scoped3A = tpu.sem_alloc : memref<!tpu.dma_semaphore, #tpu.memory_space<semaphore_mem>>
      %dma_start3A_95 = arith.constant 0 : i32
      %dma_start3A_96 = tpu.memref_slice %arg17[%add3A_21, %dma_start3A_95] : memref<10240x80xf32, #tpu.memory_space<vmem_shared>> -> memref<128x80xf32, #tpu.memory_space<vmem_shared>>
      %dma_start3A_97 = arith.constant 0 : i32
      %dma_start3A_98 = tpu.memref_slice %arg17[%add3A_21, %dma_start3A_97] : memref<10240x80xf32, #tpu.memory_space<vmem_shared>> -> memref<128x80xf32, #tpu.memory_space<vmem_shared>>
      tpu.enqueue_dma source(%arg16 : memref<128x80xf32, #tpu.memory_space<vmem>>) target(%dma_start3A_98 : memref<128x80xf32, #tpu.memory_space<vmem_shared>>) target_semaphore(%run_scoped3A : memref<!tpu.dma_semaphore, #tpu.memory_space<semaphore_mem>>)
      %dma_wait3A_99 = arith.constant 0 : i32
      %dma_wait3A_100 = tpu.memref_slice %arg17[%add3A_21, %dma_wait3A_99] : memref<10240x80xf32, #tpu.memory_space<vmem_shared>> -> memref<128x80xf32, #tpu.memory_space<vmem_shared>>
      %dma_wait3A_101 = arith.constant 0 : i32
      %dma_wait3A_102 = tpu.memref_slice %arg17[%add3A_21, %dma_wait3A_101] : memref<10240x80xf32, #tpu.memory_space<vmem_shared>> -> memref<128x80xf32, #tpu.memory_space<vmem_shared>>
      tpu.wait_dma2 semaphore(%run_scoped3A : memref<!tpu.dma_semaphore, #tpu.memory_space<semaphore_mem>>) src(%arg16 : memref<128x80xf32, #tpu.memory_space<vmem>>) dst(%dma_wait3A_102 : memref<128x80xf32, #tpu.memory_space<vmem_shared>>)
      tpu.yield
    }) : () -> ()
    %add3A_22 = arith.constant 256 : i32
    %add3A_23 = arith.addi %mul3A_2, %add3A_22 : i32
    "tpu.region"() ({
      %run_scoped3A = tpu.sem_alloc : memref<!tpu.dma_semaphore, #tpu.memory_space<semaphore_mem>>
      %dma_start3A_95 = arith.constant 0 : i32
      %dma_start3A_96 = tpu.memref_slice %arg17[%add3A_23, %dma_start3A_95] : memref<10240x80xf32, #tpu.memory_space<vmem_shared>> -> memref<128x80xf32, #tpu.memory_space<vmem_shared>>
      %dma_start3A_97 = arith.constant 0 : i32
      %dma_start3A_98 = tpu.memref_slice %arg17[%add3A_23, %dma_start3A_97] : memref<10240x80xf32, #tpu.memory_space<vmem_shared>> -> memref<128x80xf32, #tpu.memory_space<vmem_shared>>
      tpu.enqueue_dma source(%arg16 : memref<128x80xf32, #tpu.memory_space<vmem>>) target(%dma_start3A_98 : memref<128x80xf32, #tpu.memory_space<vmem_shared>>) target_semaphore(%run_scoped3A : memref<!tpu.dma_semaphore, #tpu.memory_space<semaphore_mem>>)
      %dma_wait3A_99 = arith.constant 0 : i32
      %dma_wait3A_100 = tpu.memref_slice %arg17[%add3A_23, %dma_wait3A_99] : memref<10240x80xf32, #tpu.memory_space<vmem_shared>> -> memref<128x80xf32, #tpu.memory_space<vmem_shared>>
      %dma_wait3A_101 = arith.constant 0 : i32
      %dma_wait3A_102 = tpu.memref_slice %arg17[%add3A_23, %dma_wait3A_101] : memref<10240x80xf32, #tpu.memory_space<vmem_shared>> -> memref<128x80xf32, #tpu.memory_space<vmem_shared>>
      tpu.wait_dma2 semaphore(%run_scoped3A : memref<!tpu.dma_semaphore, #tpu.memory_space<semaphore_mem>>) src(%arg16 : memref<128x80xf32, #tpu.memory_space<vmem>>) dst(%dma_wait3A_102 : memref<128x80xf32, #tpu.memory_space<vmem_shared>>)
      tpu.yield
    }) : () -> ()
    %add3A_24 = arith.constant 384 : i32
    %add3A_25 = arith.addi %mul3A_2, %add3A_24 : i32
    "tpu.region"() ({
      %run_scoped3A = tpu.sem_alloc : memref<!tpu.dma_semaphore, #tpu.memory_space<semaphore_mem>>
      %dma_start3A_95 = arith.constant 0 : i32
      %dma_start3A_96 = tpu.memref_slice %arg17[%add3A_25, %dma_start3A_95] : memref<10240x80xf32, #tpu.memory_space<vmem_shared>> -> memref<128x80xf32, #tpu.memory_space<vmem_shared>>
      %dma_start3A_97 = arith.constant 0 : i32
      %dma_start3A_98 = tpu.memref_slice %arg17[%add3A_25, %dma_start3A_97] : memref<10240x80xf32, #tpu.memory_space<vmem_shared>> -> memref<128x80xf32, #tpu.memory_space<vmem_shared>>
      tpu.enqueue_dma source(%arg16 : memref<128x80xf32, #tpu.memory_space<vmem>>) target(%dma_start3A_98 : memref<128x80xf32, #tpu.memory_space<vmem_shared>>) target_semaphore(%run_scoped3A : memref<!tpu.dma_semaphore, #tpu.memory_space<semaphore_mem>>)
      %dma_wait3A_99 = arith.constant 0 : i32
      %dma_wait3A_100 = tpu.memref_slice %arg17[%add3A_25, %dma_wait3A_99] : memref<10240x80xf32, #tpu.memory_space<vmem_shared>> -> memref<128x80xf32, #tpu.memory_space<vmem_shared>>
      %dma_wait3A_101 = arith.constant 0 : i32
      %dma_wait3A_102 = tpu.memref_slice %arg17[%add3A_25, %dma_wait3A_101] : memref<10240x80xf32, #tpu.memory_space<vmem_shared>> -> memref<128x80xf32, #tpu.memory_space<vmem_shared>>
      tpu.wait_dma2 semaphore(%run_scoped3A : memref<!tpu.dma_semaphore, #tpu.memory_space<semaphore_mem>>) src(%arg16 : memref<128x80xf32, #tpu.memory_space<vmem>>) dst(%dma_wait3A_102 : memref<128x80xf32, #tpu.memory_space<vmem_shared>>)
      tpu.yield
    }) : () -> ()
    %add3A_26 = arith.constant 512 : i32
    %add3A_27 = arith.addi %mul3A_2, %add3A_26 : i32
    "tpu.region"() ({
      %run_scoped3A = tpu.sem_alloc : memref<!tpu.dma_semaphore, #tpu.memory_space<semaphore_mem>>
      %dma_start3A_95 = arith.constant 0 : i32
      %dma_start3A_96 = tpu.memref_slice %arg17[%add3A_27, %dma_start3A_95] : memref<10240x80xf32, #tpu.memory_space<vmem_shared>> -> memref<128x80xf32, #tpu.memory_space<vmem_shared>>
      %dma_start3A_97 = arith.constant 0 : i32
      %dma_start3A_98 = tpu.memref_slice %arg17[%add3A_27, %dma_start3A_97] : memref<10240x80xf32, #tpu.memory_space<vmem_shared>> -> memref<128x80xf32, #tpu.memory_space<vmem_shared>>
      tpu.enqueue_dma source(%arg16 : memref<128x80xf32, #tpu.memory_space<vmem>>) target(%dma_start3A_98 : memref<128x80xf32, #tpu.memory_space<vmem_shared>>) target_semaphore(%run_scoped3A : memref<!tpu.dma_semaphore, #tpu.memory_space<semaphore_mem>>)
      %dma_wait3A_99 = arith.constant 0 : i32
      %dma_wait3A_100 = tpu.memref_slice %arg17[%add3A_27, %dma_wait3A_99] : memref<10240x80xf32, #tpu.memory_space<vmem_shared>> -> memref<128x80xf32, #tpu.memory_space<vmem_shared>>
      %dma_wait3A_101 = arith.constant 0 : i32
      %dma_wait3A_102 = tpu.memref_slice %arg17[%add3A_27, %dma_wait3A_101] : memref<10240x80xf32, #tpu.memory_space<vmem_shared>> -> memref<128x80xf32, #tpu.memory_space<vmem_shared>>
      tpu.wait_dma2 semaphore(%run_scoped3A : memref<!tpu.dma_semaphore, #tpu.memory_space<semaphore_mem>>) src(%arg16 : memref<128x80xf32, #tpu.memory_space<vmem>>) dst(%dma_wait3A_102 : memref<128x80xf32, #tpu.memory_space<vmem_shared>>)
      tpu.yield
    }) : () -> ()
    %dma_wait3A = arith.constant 0 : i32
    %dma_wait3A_28 = arith.constant 0 : i32
    %dma_wait3A_29 = tpu.memref_slice %arg4[%add3A, %dma_wait3A, %dma_wait3A_28] : memref<32x40x128xi32, #tpu.memory_space<hbm>> -> memref<1x40x128xi32, #tpu.memory_space<hbm>>
    %dma_wait3A_30 = tpu.memref_squeeze %dma_wait3A_29 : memref<1x40x128xi32, #tpu.memory_space<hbm>> -> memref<40x128xi32, #tpu.memory_space<hbm>>
    %dma_wait3A_31 = arith.constant 0 : i32
    %dma_wait3A_32 = arith.constant 0 : i32
    %dma_wait3A_33 = tpu.memref_slice %arg4[%add3A, %dma_wait3A_31, %dma_wait3A_32] : memref<32x40x128xi32, #tpu.memory_space<hbm>> -> memref<1x40x128xi32, #tpu.memory_space<hbm>>
    %dma_wait3A_34 = tpu.memref_squeeze %dma_wait3A_33 : memref<1x40x128xi32, #tpu.memory_space<hbm>> -> memref<40x128xi32, #tpu.memory_space<hbm>>
    tpu.wait_dma2 semaphore(%arg18 : memref<!tpu.dma_semaphore, #tpu.memory_space<semaphore_mem>>) src(%dma_wait3A_34 : memref<40x128xi32, #tpu.memory_space<hbm>>) dst(%arg8 : memref<40x128xi32, #tpu.memory_space<vmem>>)
    %dma_wait3A_35 = arith.constant 0 : i32
    %dma_wait3A_36 = arith.constant 0 : i32
    %dma_wait3A_37 = tpu.memref_slice %arg5[%add3A, %dma_wait3A_35, %dma_wait3A_36] : memref<32x40x128xi32, #tpu.memory_space<hbm>> -> memref<1x40x128xi32, #tpu.memory_space<hbm>>
    %dma_wait3A_38 = tpu.memref_squeeze %dma_wait3A_37 : memref<1x40x128xi32, #tpu.memory_space<hbm>> -> memref<40x128xi32, #tpu.memory_space<hbm>>
    %dma_wait3A_39 = arith.constant 0 : i32
    %dma_wait3A_40 = arith.constant 0 : i32
    %dma_wait3A_41 = tpu.memref_slice %arg5[%add3A, %dma_wait3A_39, %dma_wait3A_40] : memref<32x40x128xi32, #tpu.memory_space<hbm>> -> memref<1x40x128xi32, #tpu.memory_space<hbm>>
    %dma_wait3A_42 = tpu.memref_squeeze %dma_wait3A_41 : memref<1x40x128xi32, #tpu.memory_space<hbm>> -> memref<40x128xi32, #tpu.memory_space<hbm>>
    tpu.wait_dma2 semaphore(%arg18 : memref<!tpu.dma_semaphore, #tpu.memory_space<semaphore_mem>>) src(%dma_wait3A_42 : memref<40x128xi32, #tpu.memory_space<hbm>>) dst(%arg9 : memref<40x128xi32, #tpu.memory_space<vmem>>)
    %barrier3A = arith.constant 0 : index
    tpu.barrier barrier_id(%barrier3A)
    %min3A = arith.constant 0 : i32
    %min3A_43 = arith.constant 39 : i32
    %min3A_44 = arith.minsi %min3A, %min3A_43 : i32
    %dma_start3A_45 = arith.constant 0 : i32
    %dma_start3A_46 = tpu.memref_slice %arg8[%min3A_44, %dma_start3A_45] : memref<40x128xi32, #tpu.memory_space<vmem>> -> memref<1x128xi32, #tpu.memory_space<vmem>>
    %dma_start3A_47 = tpu.memref_squeeze %dma_start3A_46 : memref<1x128xi32, #tpu.memory_space<vmem>> -> memref<128xi32, #tpu.memory_space<vmem>>
    %dma_start3A_48 = arith.constant 0 : i32
    %dma_start3A_49 = arith.constant 0 : i32
    %dma_start3A_50 = tpu.memref_slice %arg2[%dma_start3A_48, %dma_start3A_49] : memref<10240x80xf32, #tpu.memory_space<hbm>> -> memref<10240x80xf32, #tpu.memory_space<hbm>>
    tpu.enqueue_indirect_dma source(%dma_start3A_50 : memref<10240x80xf32, #tpu.memory_space<hbm>>) target(%arg10 : memref<128x80xf32, #tpu.memory_space<vmem>>) offsets(%dma_start3A_47 : memref<128xi32, #tpu.memory_space<vmem>>) semaphore(%arg19 : memref<!tpu.dma_semaphore, #tpu.memory_space<semaphore_mem>>)
    %dma_start3A_51 = arith.constant 0 : i32
    %dma_start3A_52 = tpu.memref_slice %arg9[%min3A_44, %dma_start3A_51] : memref<40x128xi32, #tpu.memory_space<vmem>> -> memref<1x128xi32, #tpu.memory_space<vmem>>
    %dma_start3A_53 = tpu.memref_squeeze %dma_start3A_52 : memref<1x128xi32, #tpu.memory_space<vmem>> -> memref<128xi32, #tpu.memory_space<vmem>>
    %dma_start3A_54 = arith.constant 0 : i32
    %dma_start3A_55 = arith.constant 0 : i32
    %dma_start3A_56 = tpu.memref_slice %arg3[%dma_start3A_54, %dma_start3A_55] : memref<10240x16xf32, #tpu.memory_space<hbm>> -> memref<10240x16xf32, #tpu.memory_space<hbm>>
    tpu.enqueue_indirect_dma source(%dma_start3A_56 : memref<10240x16xf32, #tpu.memory_space<hbm>>) target(%arg12 : memref<128x16xf32, #tpu.memory_space<vmem>>) offsets(%dma_start3A_53 : memref<128xi32, #tpu.memory_space<vmem>>) semaphore(%arg19 : memref<!tpu.dma_semaphore, #tpu.memory_space<semaphore_mem>>)
    %scan3A = arith.constant 0 : i32
    %scan3A_57 = arith.constant 0 : i32
    %scan3A_58 = arith.constant 20 : i32
    %scan3A_59 = arith.addi %scan3A_57, %scan3A_58 : i32
    %scan3A_60 = arith.constant 1 : i32
    scf.for %scan3A_95 = %scan3A_57 to %scan3A_59 step %scan3A_60  : i32 {
      %mul3A_96 = arith.constant 2 : i32
      %mul3A_97 = arith.muli %mul3A_96, %scan3A_95 : i32
      %add3A_98 = arith.constant 1 : i32
      %add3A_99 = arith.addi %mul3A_97, %add3A_98 : i32
      %min3A_100 = arith.constant 39 : i32
      %min3A_101 = arith.minsi %add3A_99, %min3A_100 : i32
      %dma_start3A_102 = arith.constant 0 : i32
      %dma_start3A_103 = tpu.memref_slice %arg8[%min3A_101, %dma_start3A_102] : memref<40x128xi32, #tpu.memory_space<vmem>> -> memref<1x128xi32, #tpu.memory_space<vmem>>
      %dma_start3A_104 = tpu.memref_squeeze %dma_start3A_103 : memref<1x128xi32, #tpu.memory_space<vmem>> -> memref<128xi32, #tpu.memory_space<vmem>>
      %dma_start3A_105 = arith.constant 0 : i32
      %dma_start3A_106 = arith.constant 0 : i32
      %dma_start3A_107 = tpu.memref_slice %arg2[%dma_start3A_105, %dma_start3A_106] : memref<10240x80xf32, #tpu.memory_space<hbm>> -> memref<10240x80xf32, #tpu.memory_space<hbm>>
      tpu.enqueue_indirect_dma source(%dma_start3A_107 : memref<10240x80xf32, #tpu.memory_space<hbm>>) target(%arg11 : memref<128x80xf32, #tpu.memory_space<vmem>>) offsets(%dma_start3A_104 : memref<128xi32, #tpu.memory_space<vmem>>) semaphore(%arg20 : memref<!tpu.dma_semaphore, #tpu.memory_space<semaphore_mem>>)
      %dma_start3A_108 = arith.constant 0 : i32
      %dma_start3A_109 = tpu.memref_slice %arg9[%min3A_101, %dma_start3A_108] : memref<40x128xi32, #tpu.memory_space<vmem>> -> memref<1x128xi32, #tpu.memory_space<vmem>>
      %dma_start3A_110 = tpu.memref_squeeze %dma_start3A_109 : memref<1x128xi32, #tpu.memory_space<vmem>> -> memref<128xi32, #tpu.memory_space<vmem>>
      %dma_start3A_111 = arith.constant 0 : i32
      %dma_start3A_112 = arith.constant 0 : i32
      %dma_start3A_113 = tpu.memref_slice %arg3[%dma_start3A_111, %dma_start3A_112] : memref<10240x16xf32, #tpu.memory_space<hbm>> -> memref<10240x16xf32, #tpu.memory_space<hbm>>
      tpu.enqueue_indirect_dma source(%dma_start3A_113 : memref<10240x16xf32, #tpu.memory_space<hbm>>) target(%arg13 : memref<128x16xf32, #tpu.memory_space<vmem>>) offsets(%dma_start3A_110 : memref<128xi32, #tpu.memory_space<vmem>>) semaphore(%arg20 : memref<!tpu.dma_semaphore, #tpu.memory_space<semaphore_mem>>)
      %min3A_114 = arith.constant 39 : i32
      %min3A_115 = arith.minsi %mul3A_97, %min3A_114 : i32
      %dma_wait3A_116 = arith.constant 0 : i32
      %dma_wait3A_117 = tpu.memref_slice %arg8[%min3A_115, %dma_wait3A_116] : memref<40x128xi32, #tpu.memory_space<vmem>> -> memref<1x128xi32, #tpu.memory_space<vmem>>
      %dma_wait3A_118 = tpu.memref_squeeze %dma_wait3A_117 : memref<1x128xi32, #tpu.memory_space<vmem>> -> memref<128xi32, #tpu.memory_space<vmem>>
      %dma_wait3A_119 = arith.constant 0 : i32
      %dma_wait3A_120 = arith.constant 0 : i32
      %dma_wait3A_121 = tpu.memref_slice %arg2[%dma_wait3A_119, %dma_wait3A_120] : memref<10240x80xf32, #tpu.memory_space<hbm>> -> memref<10240x80xf32, #tpu.memory_space<hbm>>
      tpu.wait_indirect_dma semaphore(%arg19 : memref<!tpu.dma_semaphore, #tpu.memory_space<semaphore_mem>>) src(%dma_wait3A_121 : memref<10240x80xf32, #tpu.memory_space<hbm>>) dst(%arg10 : memref<128x80xf32, #tpu.memory_space<vmem>>)
      %dma_wait3A_122 = arith.constant 0 : i32
      %dma_wait3A_123 = tpu.memref_slice %arg9[%min3A_115, %dma_wait3A_122] : memref<40x128xi32, #tpu.memory_space<vmem>> -> memref<1x128xi32, #tpu.memory_space<vmem>>
      %dma_wait3A_124 = tpu.memref_squeeze %dma_wait3A_123 : memref<1x128xi32, #tpu.memory_space<vmem>> -> memref<128xi32, #tpu.memory_space<vmem>>
      %dma_wait3A_125 = arith.constant 0 : i32
      %dma_wait3A_126 = arith.constant 0 : i32
      %dma_wait3A_127 = tpu.memref_slice %arg3[%dma_wait3A_125, %dma_wait3A_126] : memref<10240x16xf32, #tpu.memory_space<hbm>> -> memref<10240x16xf32, #tpu.memory_space<hbm>>
      tpu.wait_indirect_dma semaphore(%arg19 : memref<!tpu.dma_semaphore, #tpu.memory_space<semaphore_mem>>) src(%dma_wait3A_127 : memref<10240x16xf32, #tpu.memory_space<hbm>>) dst(%arg12 : memref<128x16xf32, #tpu.memory_space<vmem>>)
      %gt3A = arith.constant 0 : i32
      %gt3A_128 = arith.cmpi sgt, %scan3A_95, %gt3A : i32
      %convert_element_type3A = arith.extui %gt3A_128 : i1 to i32
      %cond3A = arith.constant 0 : i32
      %cond3A_129 = arith.cmpi ne, %convert_element_type3A, %cond3A : i32
      scf.if %cond3A_129 {
        %sub3A = arith.constant 2 : i32
        %sub3A_186 = arith.subi %mul3A_97, %sub3A : i32
        %dma_wait3A_187 = arith.constant 0 : i32
        %dma_wait3A_188 = tpu.memref_slice %arg9[%sub3A_186, %dma_wait3A_187] : memref<40x128xi32, #tpu.memory_space<vmem>> -> memref<1x128xi32, #tpu.memory_space<vmem>>
        %dma_wait3A_189 = tpu.memref_squeeze %dma_wait3A_188 : memref<1x128xi32, #tpu.memory_space<vmem>> -> memref<128xi32, #tpu.memory_space<vmem>>
        %dma_wait3A_190 = arith.constant 0 : i32
        %dma_wait3A_191 = arith.constant 0 : i32
        %dma_wait3A_192 = tpu.memref_slice %arg17[%dma_wait3A_190, %dma_wait3A_191] : memref<10240x80xf32, #tpu.memory_space<vmem_shared>> -> memref<10240x80xf32, #tpu.memory_space<vmem_shared>>
        tpu.wait_indirect_dma semaphore(%arg21 : memref<!tpu.dma_semaphore, #tpu.memory_space<semaphore_mem>>) src(%arg14 : memref<128x80xf32, #tpu.memory_space<vmem>>) dst(%dma_wait3A_192 : memref<10240x80xf32, #tpu.memory_space<vmem_shared>>)
      } else {
      }
      %parallel_loop3A = arith.constant 0 : i32
      %parallel_loop3A_130 = arith.constant 128 : i32
      %parallel_loop3A_131 = arith.constant 1 : i32
      scf.for %parallel_loop3A_186 = %parallel_loop3A to %parallel_loop3A_130 step %parallel_loop3A_131  : i32 {
        %parallel_loop3A_187 = arith.index_cast %parallel_loop3A_186 : i32 to index
        %parallel_loop3A_188 = arith.constant 64 : index
        %parallel_loop3A_189 = tpu.vector_load %arg10[%parallel_loop3A_187, %parallel_loop3A_188] {strides = array<i32>} : memref<128x80xf32, #tpu.memory_space<vmem>>, vector<16xf32>,
        %parallel_loop3A_190 = arith.index_cast %parallel_loop3A_186 : i32 to index
        %parallel_loop3A_191 = arith.constant 0 : index
        %parallel_loop3A_192 = tpu.vector_load %arg12[%parallel_loop3A_190, %parallel_loop3A_191] {strides = array<i32>} : memref<128x16xf32, #tpu.memory_space<vmem>>, vector<16xf32>,
        %parallel_loop3A_193 = arith.addf %parallel_loop3A_189, %parallel_loop3A_192 : vector<16xf32>
        %parallel_loop3A_194 = arith.constant 2.000000e-01 : f32
        %parallel_loop3A_195 = vector.broadcast %parallel_loop3A_194 : f32 to vector<16xf32>
        %parallel_loop3A_196 = arith.mulf %parallel_loop3A_195, %parallel_loop3A_193 : vector<16xf32>
        %parallel_loop3A_197 = arith.maximumf %parallel_loop3A_193, %parallel_loop3A_196 : vector<16xf32>
        %parallel_loop3A_198 = math.exp %parallel_loop3A_197 : vector<16xf32>
        %parallel_loop3A_199 = tpu.iota {dimensions = array<i32: 0>} : vector<16xi32>
        %parallel_loop3A_200 = arith.constant 8 : i32
        %parallel_loop3A_201 = vector.broadcast %parallel_loop3A_200 : i32 to vector<16xi32>
        %parallel_loop3A_202 = arith.divsi %parallel_loop3A_199, %parallel_loop3A_201 : vector<16xi32>
        %parallel_loop3A_203 = arith.constant 0 : i32
        %parallel_loop3A_204 = vector.broadcast %parallel_loop3A_203 : i32 to vector<16xi32>
        %parallel_loop3A_205 = arith.cmpi sgt, %parallel_loop3A_199, %parallel_loop3A_204 : vector<16xi32>
        %parallel_loop3A_206 = arith.extui %parallel_loop3A_205 : vector<16xi1> to vector<16xi32>
        %parallel_loop3A_207 = arith.constant 0 : i32
        %parallel_loop3A_208 = vector.broadcast %parallel_loop3A_207 : i32 to vector<16xi32>
        %parallel_loop3A_209 = arith.cmpi slt, %parallel_loop3A_199, %parallel_loop3A_208 : vector<16xi32>
        %parallel_loop3A_210 = arith.extui %parallel_loop3A_209 : vector<16xi1> to vector<16xi32>
        %parallel_loop3A_211 = arith.subi %parallel_loop3A_206, %parallel_loop3A_210 : vector<16xi32>
        %parallel_loop3A_212 = arith.constant 0 : i32
        %parallel_loop3A_213 = arith.cmpi sgt, %parallel_loop3A_200, %parallel_loop3A_212 : i32
        %parallel_loop3A_214 = arith.extui %parallel_loop3A_213 : i1 to i32
        %parallel_loop3A_215 = arith.constant 0 : i32
        %parallel_loop3A_216 = arith.cmpi slt, %parallel_loop3A_200, %parallel_loop3A_215 : i32
        %parallel_loop3A_217 = arith.extui %parallel_loop3A_216 : i1 to i32
        %parallel_loop3A_218 = arith.subi %parallel_loop3A_214, %parallel_loop3A_217 : i32
        %parallel_loop3A_219 = vector.broadcast %parallel_loop3A_218 : i32 to vector<16xi32>
        %parallel_loop3A_220 = arith.cmpi ne, %parallel_loop3A_211, %parallel_loop3A_219 : vector<16xi32>
        %parallel_loop3A_221 = vector.broadcast %parallel_loop3A_200 : i32 to vector<16xi32>
        %parallel_loop3A_222 = arith.remsi %parallel_loop3A_199, %parallel_loop3A_221 : vector<16xi32>
        %parallel_loop3A_223 = arith.constant 0 : i32
        %parallel_loop3A_224 = vector.broadcast %parallel_loop3A_223 : i32 to vector<16xi32>
        %parallel_loop3A_225 = arith.cmpi ne, %parallel_loop3A_222, %parallel_loop3A_224 : vector<16xi32>
        %parallel_loop3A_226 = arith.andi %parallel_loop3A_220, %parallel_loop3A_225 : vector<16xi1>
        %parallel_loop3A_227 = arith.constant 1 : i32
        %parallel_loop3A_228 = vector.broadcast %parallel_loop3A_227 : i32 to vector<16xi32>
        %parallel_loop3A_229 = arith.subi %parallel_loop3A_202, %parallel_loop3A_228 : vector<16xi32>
        %parallel_loop3A_230 = arith.select %parallel_loop3A_226, %parallel_loop3A_229, %parallel_loop3A_202 : vector<16xi1>, vector<16xi32>
        %parallel_loop3A_231 = arith.constant 7 : i32
        %parallel_loop3A_232 = vector.broadcast %parallel_loop3A_231 : i32 to vector<16xi32>
        %parallel_loop3A_233 = arith.andi %parallel_loop3A_199, %parallel_loop3A_232 : vector<16xi32>
        %parallel_loop3A_234 = arith.constant 8 : i32
        %parallel_loop3A_235 = vector.broadcast %parallel_loop3A_234 : i32 to vector<16xi32>
        %parallel_loop3A_236 = arith.cmpi slt, %parallel_loop3A_199, %parallel_loop3A_235 : vector<16xi32>
        %parallel_loop3A_237 = arith.constant 1.000000e+00 : f32
        %parallel_loop3A_238 = arith.constant 0.000000e+00 : f32
        %parallel_loop3A_239 = vector.broadcast %parallel_loop3A_237 : f32 to vector<16xf32>
        %parallel_loop3A_240 = vector.broadcast %parallel_loop3A_238 : f32 to vector<16xf32>
        %parallel_loop3A_241 = arith.select %parallel_loop3A_236, %parallel_loop3A_239, %parallel_loop3A_240 : vector<16xi1>, vector<16xf32>
        %parallel_loop3A_242 = arith.constant 8 : i32
        %parallel_loop3A_243 = vector.broadcast %parallel_loop3A_242 : i32 to vector<16xi32>
        %parallel_loop3A_244 = arith.addi %parallel_loop3A_243, %parallel_loop3A_230 : vector<16xi32>
        %parallel_loop3A_245 = vector.shape_cast %parallel_loop3A_244 : vector<16xi32> to vector<16x1xi32>
        %parallel_loop3A_246 = vector.shape_cast %parallel_loop3A_245 : vector<16x1xi32> to vector<16xi32>
        %parallel_loop3A_247 = tpu.dynamic_gather %parallel_loop3A_198[%parallel_loop3A_246] in [0] : vector<16xf32>, vector<16xi32> -> vector<16xf32>
        %parallel_loop3A_248 = arith.constant 10 : i32
        %parallel_loop3A_249 = vector.broadcast %parallel_loop3A_248 : i32 to vector<16xi32>
        %parallel_loop3A_250 = arith.addi %parallel_loop3A_249, %parallel_loop3A_230 : vector<16xi32>
        %parallel_loop3A_251 = vector.shape_cast %parallel_loop3A_250 : vector<16xi32> to vector<16x1xi32>
        %parallel_loop3A_252 = vector.shape_cast %parallel_loop3A_251 : vector<16x1xi32> to vector<16xi32>
        %parallel_loop3A_253 = tpu.dynamic_gather %parallel_loop3A_198[%parallel_loop3A_252] in [0] : vector<16xf32>, vector<16xi32> -> vector<16xf32>
        %parallel_loop3A_254 = arith.constant 12 : i32
        %parallel_loop3A_255 = vector.broadcast %parallel_loop3A_254 : i32 to vector<16xi32>
        %parallel_loop3A_256 = arith.addi %parallel_loop3A_255, %parallel_loop3A_230 : vector<16xi32>
        %parallel_loop3A_257 = vector.shape_cast %parallel_loop3A_256 : vector<16xi32> to vector<16x1xi32>
        %parallel_loop3A_258 = vector.shape_cast %parallel_loop3A_257 : vector<16x1xi32> to vector<16xi32>
        %parallel_loop3A_259 = tpu.dynamic_gather %parallel_loop3A_198[%parallel_loop3A_258] in [0] : vector<16xf32>, vector<16xi32> -> vector<16xf32>
        %parallel_loop3A_260 = arith.constant 14 : i32
        %parallel_loop3A_261 = vector.broadcast %parallel_loop3A_260 : i32 to vector<16xi32>
        %parallel_loop3A_262 = arith.addi %parallel_loop3A_261, %parallel_loop3A_230 : vector<16xi32>
        %parallel_loop3A_263 = vector.shape_cast %parallel_loop3A_262 : vector<16xi32> to vector<16x1xi32>
        %parallel_loop3A_264 = vector.shape_cast %parallel_loop3A_263 : vector<16x1xi32> to vector<16xi32>
        %parallel_loop3A_265 = tpu.dynamic_gather %parallel_loop3A_198[%parallel_loop3A_264] in [0] : vector<16xf32>, vector<16xi32> -> vector<16xf32>
        %parallel_loop3A_266 = arith.constant 8 : i32
        %parallel_loop3A_267 = vector.broadcast %parallel_loop3A_266 : i32 to vector<16xi32>
        %parallel_loop3A_268 = arith.addi %parallel_loop3A_267, %parallel_loop3A_233 : vector<16xi32>
        %parallel_loop3A_269 = vector.shape_cast %parallel_loop3A_268 : vector<16xi32> to vector<16x1xi32>
        %parallel_loop3A_270 = vector.shape_cast %parallel_loop3A_269 : vector<16x1xi32> to vector<16xi32>
        %parallel_loop3A_271 = tpu.dynamic_gather %parallel_loop3A_198[%parallel_loop3A_270] in [0] : vector<16xf32>, vector<16xi32> -> vector<16xf32>
        %parallel_loop3A_272 = arith.mulf %parallel_loop3A_271, %parallel_loop3A_241 : vector<16xf32>
        %parallel_loop3A_273 = arith.index_cast %parallel_loop3A_186 : i32 to index
        %parallel_loop3A_274 = arith.constant 0 : index
        %parallel_loop3A_275 = tpu.vector_load %arg10[%parallel_loop3A_273, %parallel_loop3A_274] {strides = array<i32>} : memref<128x80xf32, #tpu.memory_space<vmem>>, vector<16xf32>,
        %parallel_loop3A_276 = arith.mulf %parallel_loop3A_275, %parallel_loop3A_247 : vector<16xf32>
        %parallel_loop3A_277 = arith.index_cast %parallel_loop3A_186 : i32 to index
        %parallel_loop3A_278 = arith.constant 0 : index
        %parallel_loop3A_279 = tpu.vector_load %arg14[%parallel_loop3A_277, %parallel_loop3A_278] {strides = array<i32>} : memref<128x80xf32, #tpu.memory_space<vmem>>, vector<16xf32>,
        tpu.vector_store %arg14[%parallel_loop3A_277, %parallel_loop3A_278], %parallel_loop3A_276 {strides = array<i32>} : memref<128x80xf32, #tpu.memory_space<vmem>>, vector<16xf32>,
        %parallel_loop3A_280 = arith.index_cast %parallel_loop3A_186 : i32 to index
        %parallel_loop3A_281 = arith.constant 16 : index
        %parallel_loop3A_282 = tpu.vector_load %arg10[%parallel_loop3A_280, %parallel_loop3A_281] {strides = array<i32>} : memref<128x80xf32, #tpu.memory_space<vmem>>, vector<16xf32>,
        %parallel_loop3A_283 = arith.mulf %parallel_loop3A_282, %parallel_loop3A_253 : vector<16xf32>
        %parallel_loop3A_284 = arith.index_cast %parallel_loop3A_186 : i32 to index
        %parallel_loop3A_285 = arith.constant 16 : index
        %parallel_loop3A_286 = tpu.vector_load %arg14[%parallel_loop3A_284, %parallel_loop3A_285] {strides = array<i32>} : memref<128x80xf32, #tpu.memory_space<vmem>>, vector<16xf32>,
        tpu.vector_store %arg14[%parallel_loop3A_284, %parallel_loop3A_285], %parallel_loop3A_283 {strides = array<i32>} : memref<128x80xf32, #tpu.memory_space<vmem>>, vector<16xf32>,
        %parallel_loop3A_287 = arith.index_cast %parallel_loop3A_186 : i32 to index
        %parallel_loop3A_288 = arith.constant 32 : index
        %parallel_loop3A_289 = tpu.vector_load %arg10[%parallel_loop3A_287, %parallel_loop3A_288] {strides = array<i32>} : memref<128x80xf32, #tpu.memory_space<vmem>>, vector<16xf32>,
        %parallel_loop3A_290 = arith.mulf %parallel_loop3A_289, %parallel_loop3A_259 : vector<16xf32>
        %parallel_loop3A_291 = arith.index_cast %parallel_loop3A_186 : i32 to index
        %parallel_loop3A_292 = arith.constant 32 : index
        %parallel_loop3A_293 = tpu.vector_load %arg14[%parallel_loop3A_291, %parallel_loop3A_292] {strides = array<i32>} : memref<128x80xf32, #tpu.memory_space<vmem>>, vector<16xf32>,
        tpu.vector_store %arg14[%parallel_loop3A_291, %parallel_loop3A_292], %parallel_loop3A_290 {strides = array<i32>} : memref<128x80xf32, #tpu.memory_space<vmem>>, vector<16xf32>,
        %parallel_loop3A_294 = arith.index_cast %parallel_loop3A_186 : i32 to index
        %parallel_loop3A_295 = arith.constant 48 : index
        %parallel_loop3A_296 = tpu.vector_load %arg10[%parallel_loop3A_294, %parallel_loop3A_295] {strides = array<i32>} : memref<128x80xf32, #tpu.memory_space<vmem>>, vector<16xf32>,
        %parallel_loop3A_297 = arith.mulf %parallel_loop3A_296, %parallel_loop3A_265 : vector<16xf32>
        %parallel_loop3A_298 = arith.index_cast %parallel_loop3A_186 : i32 to index
        %parallel_loop3A_299 = arith.constant 48 : index
        %parallel_loop3A_300 = tpu.vector_load %arg14[%parallel_loop3A_298, %parallel_loop3A_299] {strides = array<i32>} : memref<128x80xf32, #tpu.memory_space<vmem>>, vector<16xf32>,
        tpu.vector_store %arg14[%parallel_loop3A_298, %parallel_loop3A_299], %parallel_loop3A_297 {strides = array<i32>} : memref<128x80xf32, #tpu.memory_space<vmem>>, vector<16xf32>,
        %parallel_loop3A_301 = arith.mulf %parallel_loop3A_189, %parallel_loop3A_272 : vector<16xf32>
        %parallel_loop3A_302 = arith.index_cast %parallel_loop3A_186 : i32 to index
        %parallel_loop3A_303 = arith.constant 64 : index
        %parallel_loop3A_304 = tpu.vector_load %arg14[%parallel_loop3A_302, %parallel_loop3A_303] {strides = array<i32>} : memref<128x80xf32, #tpu.memory_space<vmem>>, vector<16xf32>,
        tpu.vector_store %arg14[%parallel_loop3A_302, %parallel_loop3A_303], %parallel_loop3A_301 {strides = array<i32>} : memref<128x80xf32, #tpu.memory_space<vmem>>, vector<16xf32>,
      } {sc.loop_unroll_factor = 8 : i64, sc.parallel_access}
      %dma_start3A_132 = arith.constant 0 : i32
      %dma_start3A_133 = tpu.memref_slice %arg9[%mul3A_97, %dma_start3A_132] : memref<40x128xi32, #tpu.memory_space<vmem>> -> memref<1x128xi32, #tpu.memory_space<vmem>>
      %dma_start3A_134 = tpu.memref_squeeze %dma_start3A_133 : memref<1x128xi32, #tpu.memory_space<vmem>> -> memref<128xi32, #tpu.memory_space<vmem>>
      %dma_start3A_135 = arith.constant 0 : i32
      %dma_start3A_136 = arith.constant 0 : i32
      %dma_start3A_137 = tpu.memref_slice %arg17[%dma_start3A_135, %dma_start3A_136] : memref<10240x80xf32, #tpu.memory_space<vmem_shared>> -> memref<10240x80xf32, #tpu.memory_space<vmem_shared>>
      tpu.enqueue_indirect_dma source(%arg14 : memref<128x80xf32, #tpu.memory_space<vmem>>) target(%dma_start3A_137 : memref<10240x80xf32, #tpu.memory_space<vmem_shared>>) offsets(%dma_start3A_134 : memref<128xi32, #tpu.memory_space<vmem>>) semaphore(%arg21 : memref<!tpu.dma_semaphore, #tpu.memory_space<semaphore_mem>>) {add = true}
      %add3A_138 = arith.constant 2 : i32
      %add3A_139 = arith.addi %mul3A_97, %add3A_138 : i32
      %min3A_140 = arith.constant 39 : i32
      %min3A_141 = arith.minsi %add3A_139, %min3A_140 : i32
      %dma_start3A_142 = arith.constant 0 : i32
      %dma_start3A_143 = tpu.memref_slice %arg8[%min3A_141, %dma_start3A_142] : memref<40x128xi32, #tpu.memory_space<vmem>> -> memref<1x128xi32, #tpu.memory_space<vmem>>
      %dma_start3A_144 = tpu.memref_squeeze %dma_start3A_143 : memref<1x128xi32, #tpu.memory_space<vmem>> -> memref<128xi32, #tpu.memory_space<vmem>>
      %dma_start3A_145 = arith.constant 0 : i32
      %dma_start3A_146 = arith.constant 0 : i32
      %dma_start3A_147 = tpu.memref_slice %arg2[%dma_start3A_145, %dma_start3A_146] : memref<10240x80xf32, #tpu.memory_space<hbm>> -> memref<10240x80xf32, #tpu.memory_space<hbm>>
      tpu.enqueue_indirect_dma source(%dma_start3A_147 : memref<10240x80xf32, #tpu.memory_space<hbm>>) target(%arg10 : memref<128x80xf32, #tpu.memory_space<vmem>>) offsets(%dma_start3A_144 : memref<128xi32, #tpu.memory_space<vmem>>) semaphore(%arg19 : memref<!tpu.dma_semaphore, #tpu.memory_space<semaphore_mem>>)
      %dma_start3A_148 = arith.constant 0 : i32
      %dma_start3A_149 = tpu.memref_slice %arg9[%min3A_141, %dma_start3A_148] : memref<40x128xi32, #tpu.memory_space<vmem>> -> memref<1x128xi32, #tpu.memory_space<vmem>>
      %dma_start3A_150 = tpu.memref_squeeze %dma_start3A_149 : memref<1x128xi32, #tpu.memory_space<vmem>> -> memref<128xi32, #tpu.memory_space<vmem>>
      %dma_start3A_151 = arith.constant 0 : i32
      %dma_start3A_152 = arith.constant 0 : i32
      %dma_start3A_153 = tpu.memref_slice %arg3[%dma_start3A_151, %dma_start3A_152] : memref<10240x16xf32, #tpu.memory_space<hbm>> -> memref<10240x16xf32, #tpu.memory_space<hbm>>
      tpu.enqueue_indirect_dma source(%dma_start3A_153 : memref<10240x16xf32, #tpu.memory_space<hbm>>) target(%arg12 : memref<128x16xf32, #tpu.memory_space<vmem>>) offsets(%dma_start3A_150 : memref<128xi32, #tpu.memory_space<vmem>>) semaphore(%arg19 : memref<!tpu.dma_semaphore, #tpu.memory_space<semaphore_mem>>)
      %add3A_154 = arith.constant 1 : i32
      %add3A_155 = arith.addi %mul3A_97, %add3A_154 : i32
      %min3A_156 = arith.constant 39 : i32
      %min3A_157 = arith.minsi %add3A_155, %min3A_156 : i32
      %dma_wait3A_158 = arith.constant 0 : i32
      %dma_wait3A_159 = tpu.memref_slice %arg8[%min3A_157, %dma_wait3A_158] : memref<40x128xi32, #tpu.memory_space<vmem>> -> memref<1x128xi32, #tpu.memory_space<vmem>>
      %dma_wait3A_160 = tpu.memref_squeeze %dma_wait3A_159 : memref<1x128xi32, #tpu.memory_space<vmem>> -> memref<128xi32, #tpu.memory_space<vmem>>
      %dma_wait3A_161 = arith.constant 0 : i32
      %dma_wait3A_162 = arith.constant 0 : i32
      %dma_wait3A_163 = tpu.memref_slice %arg2[%dma_wait3A_161, %dma_wait3A_162] : memref<10240x80xf32, #tpu.memory_space<hbm>> -> memref<10240x80xf32, #tpu.memory_space<hbm>>
      tpu.wait_indirect_dma semaphore(%arg20 : memref<!tpu.dma_semaphore, #tpu.memory_space<semaphore_mem>>) src(%dma_wait3A_163 : memref<10240x80xf32, #tpu.memory_space<hbm>>) dst(%arg11 : memref<128x80xf32, #tpu.memory_space<vmem>>)
      %dma_wait3A_164 = arith.constant 0 : i32
      %dma_wait3A_165 = tpu.memref_slice %arg9[%min3A_157, %dma_wait3A_164] : memref<40x128xi32, #tpu.memory_space<vmem>> -> memref<1x128xi32, #tpu.memory_space<vmem>>
      %dma_wait3A_166 = tpu.memref_squeeze %dma_wait3A_165 : memref<1x128xi32, #tpu.memory_space<vmem>> -> memref<128xi32, #tpu.memory_space<vmem>>
      %dma_wait3A_167 = arith.constant 0 : i32
      %dma_wait3A_168 = arith.constant 0 : i32
      %dma_wait3A_169 = tpu.memref_slice %arg3[%dma_wait3A_167, %dma_wait3A_168] : memref<10240x16xf32, #tpu.memory_space<hbm>> -> memref<10240x16xf32, #tpu.memory_space<hbm>>
      tpu.wait_indirect_dma semaphore(%arg20 : memref<!tpu.dma_semaphore, #tpu.memory_space<semaphore_mem>>) src(%dma_wait3A_169 : memref<10240x16xf32, #tpu.memory_space<hbm>>) dst(%arg13 : memref<128x16xf32, #tpu.memory_space<vmem>>)
      %gt3A_170 = arith.constant 0 : i32
      %gt3A_171 = arith.cmpi sgt, %scan3A_95, %gt3A_170 : i32
      %convert_element_type3A_172 = arith.extui %gt3A_171 : i1 to i32
      %cond3A_173 = arith.constant 0 : i32
      %cond3A_174 = arith.cmpi ne, %convert_element_type3A_172, %cond3A_173 : i32
      scf.if %cond3A_174 {
        %sub3A = arith.constant 1 : i32
        %sub3A_186 = arith.subi %mul3A_97, %sub3A : i32
        %dma_wait3A_187 = arith.constant 0 : i32
        %dma_wait3A_188 = tpu.memref_slice %arg9[%sub3A_186, %dma_wait3A_187] : memref<40x128xi32, #tpu.memory_space<vmem>> -> memref<1x128xi32, #tpu.memory_space<vmem>>
        %dma_wait3A_189 = tpu.memref_squeeze %dma_wait3A_188 : memref<1x128xi32, #tpu.memory_space<vmem>> -> memref<128xi32, #tpu.memory_space<vmem>>
        %dma_wait3A_190 = arith.constant 0 : i32
        %dma_wait3A_191 = arith.constant 0 : i32
        %dma_wait3A_192 = tpu.memref_slice %arg17[%dma_wait3A_190, %dma_wait3A_191] : memref<10240x80xf32, #tpu.memory_space<vmem_shared>> -> memref<10240x80xf32, #tpu.memory_space<vmem_shared>>
        tpu.wait_indirect_dma semaphore(%arg22 : memref<!tpu.dma_semaphore, #tpu.memory_space<semaphore_mem>>) src(%arg15 : memref<128x80xf32, #tpu.memory_space<vmem>>) dst(%dma_wait3A_192 : memref<10240x80xf32, #tpu.memory_space<vmem_shared>>)
      } else {
      }
      %parallel_loop3A_175 = arith.constant 0 : i32
      %parallel_loop3A_176 = arith.constant 128 : i32
      %parallel_loop3A_177 = arith.constant 1 : i32
      scf.for %parallel_loop3A_186 = %parallel_loop3A_175 to %parallel_loop3A_176 step %parallel_loop3A_177  : i32 {
        %parallel_loop3A_187 = arith.index_cast %parallel_loop3A_186 : i32 to index
        %parallel_loop3A_188 = arith.constant 64 : index
        %parallel_loop3A_189 = tpu.vector_load %arg11[%parallel_loop3A_187, %parallel_loop3A_188] {strides = array<i32>} : memref<128x80xf32, #tpu.memory_space<vmem>>, vector<16xf32>,
        %parallel_loop3A_190 = arith.index_cast %parallel_loop3A_186 : i32 to index
        %parallel_loop3A_191 = arith.constant 0 : index
        %parallel_loop3A_192 = tpu.vector_load %arg13[%parallel_loop3A_190, %parallel_loop3A_191] {strides = array<i32>} : memref<128x16xf32, #tpu.memory_space<vmem>>, vector<16xf32>,
        %parallel_loop3A_193 = arith.addf %parallel_loop3A_189, %parallel_loop3A_192 : vector<16xf32>
        %parallel_loop3A_194 = arith.constant 2.000000e-01 : f32
        %parallel_loop3A_195 = vector.broadcast %parallel_loop3A_194 : f32 to vector<16xf32>
        %parallel_loop3A_196 = arith.mulf %parallel_loop3A_195, %parallel_loop3A_193 : vector<16xf32>
        %parallel_loop3A_197 = arith.maximumf %parallel_loop3A_193, %parallel_loop3A_196 : vector<16xf32>
        %parallel_loop3A_198 = math.exp %parallel_loop3A_197 : vector<16xf32>
        %parallel_loop3A_199 = tpu.iota {dimensions = array<i32: 0>} : vector<16xi32>
        %parallel_loop3A_200 = arith.constant 8 : i32
        %parallel_loop3A_201 = vector.broadcast %parallel_loop3A_200 : i32 to vector<16xi32>
        %parallel_loop3A_202 = arith.divsi %parallel_loop3A_199, %parallel_loop3A_201 : vector<16xi32>
        %parallel_loop3A_203 = arith.constant 0 : i32
        %parallel_loop3A_204 = vector.broadcast %parallel_loop3A_203 : i32 to vector<16xi32>
        %parallel_loop3A_205 = arith.cmpi sgt, %parallel_loop3A_199, %parallel_loop3A_204 : vector<16xi32>
        %parallel_loop3A_206 = arith.extui %parallel_loop3A_205 : vector<16xi1> to vector<16xi32>
        %parallel_loop3A_207 = arith.constant 0 : i32
        %parallel_loop3A_208 = vector.broadcast %parallel_loop3A_207 : i32 to vector<16xi32>
        %parallel_loop3A_209 = arith.cmpi slt, %parallel_loop3A_199, %parallel_loop3A_208 : vector<16xi32>
        %parallel_loop3A_210 = arith.extui %parallel_loop3A_209 : vector<16xi1> to vector<16xi32>
        %parallel_loop3A_211 = arith.subi %parallel_loop3A_206, %parallel_loop3A_210 : vector<16xi32>
        %parallel_loop3A_212 = arith.constant 0 : i32
        %parallel_loop3A_213 = arith.cmpi sgt, %parallel_loop3A_200, %parallel_loop3A_212 : i32
        %parallel_loop3A_214 = arith.extui %parallel_loop3A_213 : i1 to i32
        %parallel_loop3A_215 = arith.constant 0 : i32
        %parallel_loop3A_216 = arith.cmpi slt, %parallel_loop3A_200, %parallel_loop3A_215 : i32
        %parallel_loop3A_217 = arith.extui %parallel_loop3A_216 : i1 to i32
        %parallel_loop3A_218 = arith.subi %parallel_loop3A_214, %parallel_loop3A_217 : i32
        %parallel_loop3A_219 = vector.broadcast %parallel_loop3A_218 : i32 to vector<16xi32>
        %parallel_loop3A_220 = arith.cmpi ne, %parallel_loop3A_211, %parallel_loop3A_219 : vector<16xi32>
        %parallel_loop3A_221 = vector.broadcast %parallel_loop3A_200 : i32 to vector<16xi32>
        %parallel_loop3A_222 = arith.remsi %parallel_loop3A_199, %parallel_loop3A_221 : vector<16xi32>
        %parallel_loop3A_223 = arith.constant 0 : i32
        %parallel_loop3A_224 = vector.broadcast %parallel_loop3A_223 : i32 to vector<16xi32>
        %parallel_loop3A_225 = arith.cmpi ne, %parallel_loop3A_222, %parallel_loop3A_224 : vector<16xi32>
        %parallel_loop3A_226 = arith.andi %parallel_loop3A_220, %parallel_loop3A_225 : vector<16xi1>
        %parallel_loop3A_227 = arith.constant 1 : i32
        %parallel_loop3A_228 = vector.broadcast %parallel_loop3A_227 : i32 to vector<16xi32>
        %parallel_loop3A_229 = arith.subi %parallel_loop3A_202, %parallel_loop3A_228 : vector<16xi32>
        %parallel_loop3A_230 = arith.select %parallel_loop3A_226, %parallel_loop3A_229, %parallel_loop3A_202 : vector<16xi1>, vector<16xi32>
        %parallel_loop3A_231 = arith.constant 7 : i32
        %parallel_loop3A_232 = vector.broadcast %parallel_loop3A_231 : i32 to vector<16xi32>
        %parallel_loop3A_233 = arith.andi %parallel_loop3A_199, %parallel_loop3A_232 : vector<16xi32>
        %parallel_loop3A_234 = arith.constant 8 : i32
        %parallel_loop3A_235 = vector.broadcast %parallel_loop3A_234 : i32 to vector<16xi32>
        %parallel_loop3A_236 = arith.cmpi slt, %parallel_loop3A_199, %parallel_loop3A_235 : vector<16xi32>
        %parallel_loop3A_237 = arith.constant 1.000000e+00 : f32
        %parallel_loop3A_238 = arith.constant 0.000000e+00 : f32
        %parallel_loop3A_239 = vector.broadcast %parallel_loop3A_237 : f32 to vector<16xf32>
        %parallel_loop3A_240 = vector.broadcast %parallel_loop3A_238 : f32 to vector<16xf32>
        %parallel_loop3A_241 = arith.select %parallel_loop3A_236, %parallel_loop3A_239, %parallel_loop3A_240 : vector<16xi1>, vector<16xf32>
        %parallel_loop3A_242 = arith.constant 8 : i32
        %parallel_loop3A_243 = vector.broadcast %parallel_loop3A_242 : i32 to vector<16xi32>
        %parallel_loop3A_244 = arith.addi %parallel_loop3A_243, %parallel_loop3A_230 : vector<16xi32>
        %parallel_loop3A_245 = vector.shape_cast %parallel_loop3A_244 : vector<16xi32> to vector<16x1xi32>
        %parallel_loop3A_246 = vector.shape_cast %parallel_loop3A_245 : vector<16x1xi32> to vector<16xi32>
        %parallel_loop3A_247 = tpu.dynamic_gather %parallel_loop3A_198[%parallel_loop3A_246] in [0] : vector<16xf32>, vector<16xi32> -> vector<16xf32>
        %parallel_loop3A_248 = arith.constant 10 : i32
        %parallel_loop3A_249 = vector.broadcast %parallel_loop3A_248 : i32 to vector<16xi32>
        %parallel_loop3A_250 = arith.addi %parallel_loop3A_249, %parallel_loop3A_230 : vector<16xi32>
        %parallel_loop3A_251 = vector.shape_cast %parallel_loop3A_250 : vector<16xi32> to vector<16x1xi32>
        %parallel_loop3A_252 = vector.shape_cast %parallel_loop3A_251 : vector<16x1xi32> to vector<16xi32>
        %parallel_loop3A_253 = tpu.dynamic_gather %parallel_loop3A_198[%parallel_loop3A_252] in [0] : vector<16xf32>, vector<16xi32> -> vector<16xf32>
        %parallel_loop3A_254 = arith.constant 12 : i32
        %parallel_loop3A_255 = vector.broadcast %parallel_loop3A_254 : i32 to vector<16xi32>
        %parallel_loop3A_256 = arith.addi %parallel_loop3A_255, %parallel_loop3A_230 : vector<16xi32>
        %parallel_loop3A_257 = vector.shape_cast %parallel_loop3A_256 : vector<16xi32> to vector<16x1xi32>
        %parallel_loop3A_258 = vector.shape_cast %parallel_loop3A_257 : vector<16x1xi32> to vector<16xi32>
        %parallel_loop3A_259 = tpu.dynamic_gather %parallel_loop3A_198[%parallel_loop3A_258] in [0] : vector<16xf32>, vector<16xi32> -> vector<16xf32>
        %parallel_loop3A_260 = arith.constant 14 : i32
        %parallel_loop3A_261 = vector.broadcast %parallel_loop3A_260 : i32 to vector<16xi32>
        %parallel_loop3A_262 = arith.addi %parallel_loop3A_261, %parallel_loop3A_230 : vector<16xi32>
        %parallel_loop3A_263 = vector.shape_cast %parallel_loop3A_262 : vector<16xi32> to vector<16x1xi32>
        %parallel_loop3A_264 = vector.shape_cast %parallel_loop3A_263 : vector<16x1xi32> to vector<16xi32>
        %parallel_loop3A_265 = tpu.dynamic_gather %parallel_loop3A_198[%parallel_loop3A_264] in [0] : vector<16xf32>, vector<16xi32> -> vector<16xf32>
        %parallel_loop3A_266 = arith.constant 8 : i32
        %parallel_loop3A_267 = vector.broadcast %parallel_loop3A_266 : i32 to vector<16xi32>
        %parallel_loop3A_268 = arith.addi %parallel_loop3A_267, %parallel_loop3A_233 : vector<16xi32>
        %parallel_loop3A_269 = vector.shape_cast %parallel_loop3A_268 : vector<16xi32> to vector<16x1xi32>
        %parallel_loop3A_270 = vector.shape_cast %parallel_loop3A_269 : vector<16x1xi32> to vector<16xi32>
        %parallel_loop3A_271 = tpu.dynamic_gather %parallel_loop3A_198[%parallel_loop3A_270] in [0] : vector<16xf32>, vector<16xi32> -> vector<16xf32>
        %parallel_loop3A_272 = arith.mulf %parallel_loop3A_271, %parallel_loop3A_241 : vector<16xf32>
        %parallel_loop3A_273 = arith.index_cast %parallel_loop3A_186 : i32 to index
        %parallel_loop3A_274 = arith.constant 0 : index
        %parallel_loop3A_275 = tpu.vector_load %arg11[%parallel_loop3A_273, %parallel_loop3A_274] {strides = array<i32>} : memref<128x80xf32, #tpu.memory_space<vmem>>, vector<16xf32>,
        %parallel_loop3A_276 = arith.mulf %parallel_loop3A_275, %parallel_loop3A_247 : vector<16xf32>
        %parallel_loop3A_277 = arith.index_cast %parallel_loop3A_186 : i32 to index
        %parallel_loop3A_278 = arith.constant 0 : index
        %parallel_loop3A_279 = tpu.vector_load %arg15[%parallel_loop3A_277, %parallel_loop3A_278] {strides = array<i32>} : memref<128x80xf32, #tpu.memory_space<vmem>>, vector<16xf32>,
        tpu.vector_store %arg15[%parallel_loop3A_277, %parallel_loop3A_278], %parallel_loop3A_276 {strides = array<i32>} : memref<128x80xf32, #tpu.memory_space<vmem>>, vector<16xf32>,
        %parallel_loop3A_280 = arith.index_cast %parallel_loop3A_186 : i32 to index
        %parallel_loop3A_281 = arith.constant 16 : index
        %parallel_loop3A_282 = tpu.vector_load %arg11[%parallel_loop3A_280, %parallel_loop3A_281] {strides = array<i32>} : memref<128x80xf32, #tpu.memory_space<vmem>>, vector<16xf32>,
        %parallel_loop3A_283 = arith.mulf %parallel_loop3A_282, %parallel_loop3A_253 : vector<16xf32>
        %parallel_loop3A_284 = arith.index_cast %parallel_loop3A_186 : i32 to index
        %parallel_loop3A_285 = arith.constant 16 : index
        %parallel_loop3A_286 = tpu.vector_load %arg15[%parallel_loop3A_284, %parallel_loop3A_285] {strides = array<i32>} : memref<128x80xf32, #tpu.memory_space<vmem>>, vector<16xf32>,
        tpu.vector_store %arg15[%parallel_loop3A_284, %parallel_loop3A_285], %parallel_loop3A_283 {strides = array<i32>} : memref<128x80xf32, #tpu.memory_space<vmem>>, vector<16xf32>,
        %parallel_loop3A_287 = arith.index_cast %parallel_loop3A_186 : i32 to index
        %parallel_loop3A_288 = arith.constant 32 : index
        %parallel_loop3A_289 = tpu.vector_load %arg11[%parallel_loop3A_287, %parallel_loop3A_288] {strides = array<i32>} : memref<128x80xf32, #tpu.memory_space<vmem>>, vector<16xf32>,
        %parallel_loop3A_290 = arith.mulf %parallel_loop3A_289, %parallel_loop3A_259 : vector<16xf32>
        %parallel_loop3A_291 = arith.index_cast %parallel_loop3A_186 : i32 to index
        %parallel_loop3A_292 = arith.constant 32 : index
        %parallel_loop3A_293 = tpu.vector_load %arg15[%parallel_loop3A_291, %parallel_loop3A_292] {strides = array<i32>} : memref<128x80xf32, #tpu.memory_space<vmem>>, vector<16xf32>,
        tpu.vector_store %arg15[%parallel_loop3A_291, %parallel_loop3A_292], %parallel_loop3A_290 {strides = array<i32>} : memref<128x80xf32, #tpu.memory_space<vmem>>, vector<16xf32>,
        %parallel_loop3A_294 = arith.index_cast %parallel_loop3A_186 : i32 to index
        %parallel_loop3A_295 = arith.constant 48 : index
        %parallel_loop3A_296 = tpu.vector_load %arg11[%parallel_loop3A_294, %parallel_loop3A_295] {strides = array<i32>} : memref<128x80xf32, #tpu.memory_space<vmem>>, vector<16xf32>,
        %parallel_loop3A_297 = arith.mulf %parallel_loop3A_296, %parallel_loop3A_265 : vector<16xf32>
        %parallel_loop3A_298 = arith.index_cast %parallel_loop3A_186 : i32 to index
        %parallel_loop3A_299 = arith.constant 48 : index
        %parallel_loop3A_300 = tpu.vector_load %arg15[%parallel_loop3A_298, %parallel_loop3A_299] {strides = array<i32>} : memref<128x80xf32, #tpu.memory_space<vmem>>, vector<16xf32>,
        tpu.vector_store %arg15[%parallel_loop3A_298, %parallel_loop3A_299], %parallel_loop3A_297 {strides = array<i32>} : memref<128x80xf32, #tpu.memory_space<vmem>>, vector<16xf32>,
        %parallel_loop3A_301 = arith.mulf %parallel_loop3A_189, %parallel_loop3A_272 : vector<16xf32>
        %parallel_loop3A_302 = arith.index_cast %parallel_loop3A_186 : i32 to index
        %parallel_loop3A_303 = arith.constant 64 : index
        %parallel_loop3A_304 = tpu.vector_load %arg15[%parallel_loop3A_302, %parallel_loop3A_303] {strides = array<i32>} : memref<128x80xf32, #tpu.memory_space<vmem>>, vector<16xf32>,
        tpu.vector_store %arg15[%parallel_loop3A_302, %parallel_loop3A_303], %parallel_loop3A_301 {strides = array<i32>} : memref<128x80xf32, #tpu.memory_space<vmem>>, vector<16xf32>,
      } {sc.loop_unroll_factor = 8 : i64, sc.parallel_access}
      %add3A_178 = arith.constant 1 : i32
      %add3A_179 = arith.addi %mul3A_97, %add3A_178 : i32
      %dma_start3A_180 = arith.constant 0 : i32
      %dma_start3A_181 = tpu.memref_slice %arg9[%add3A_179, %dma_start3A_180] : memref<40x128xi32, #tpu.memory_space<vmem>> -> memref<1x128xi32, #tpu.memory_space<vmem>>
      %dma_start3A_182 = tpu.memref_squeeze %dma_start3A_181 : memref<1x128xi32, #tpu.memory_space<vmem>> -> memref<128xi32, #tpu.memory_space<vmem>>
      %dma_start3A_183 = arith.constant 0 : i32
      %dma_start3A_184 = arith.constant 0 : i32
      %dma_start3A_185 = tpu.memref_slice %arg17[%dma_start3A_183, %dma_start3A_184] : memref<10240x80xf32, #tpu.memory_space<vmem_shared>> -> memref<10240x80xf32, #tpu.memory_space<vmem_shared>>
      tpu.enqueue_indirect_dma source(%arg15 : memref<128x80xf32, #tpu.memory_space<vmem>>) target(%dma_start3A_185 : memref<10240x80xf32, #tpu.memory_space<vmem_shared>>) offsets(%dma_start3A_182 : memref<128xi32, #tpu.memory_space<vmem>>) semaphore(%arg22 : memref<!tpu.dma_semaphore, #tpu.memory_space<semaphore_mem>>) {add = true}
    }
    %scan3A_61 = arith.constant 20 : i32
    %min3A_62 = arith.constant 40 : i32
    %min3A_63 = arith.constant 39 : i32
    %min3A_64 = arith.minsi %min3A_62, %min3A_63 : i32
    %dma_wait3A_65 = arith.constant 0 : i32
    %dma_wait3A_66 = tpu.memref_slice %arg8[%min3A_64, %dma_wait3A_65] : memref<40x128xi32, #tpu.memory_space<vmem>> -> memref<1x128xi32, #tpu.memory_space<vmem>>
    %dma_wait3A_67 = tpu.memref_squeeze %dma_wait3A_66 : memref<1x128xi32, #tpu.memory_space<vmem>> -> memref<128xi32, #tpu.memory_space<vmem>>
    %dma_wait3A_68 = arith.constant 0 : i32
    %dma_wait3A_69 = arith.constant 0 : i32
    %dma_wait3A_70 = tpu.memref_slice %arg2[%dma_wait3A_68, %dma_wait3A_69] : memref<10240x80xf32, #tpu.memory_space<hbm>> -> memref<10240x80xf32, #tpu.memory_space<hbm>>
    tpu.wait_indirect_dma semaphore(%arg19 : memref<!tpu.dma_semaphore, #tpu.memory_space<semaphore_mem>>) src(%dma_wait3A_70 : memref<10240x80xf32, #tpu.memory_space<hbm>>) dst(%arg10 : memref<128x80xf32, #tpu.memory_space<vmem>>)
    %dma_wait3A_71 = arith.constant 0 : i32
    %dma_wait3A_72 = tpu.memref_slice %arg9[%min3A_64, %dma_wait3A_71] : memref<40x128xi32, #tpu.memory_space<vmem>> -> memref<1x128xi32, #tpu.memory_space<vmem>>
    %dma_wait3A_73 = tpu.memref_squeeze %dma_wait3A_72 : memref<1x128xi32, #tpu.memory_space<vmem>> -> memref<128xi32, #tpu.memory_space<vmem>>
    %dma_wait3A_74 = arith.constant 0 : i32
    %dma_wait3A_75 = arith.constant 0 : i32
    %dma_wait3A_76 = tpu.memref_slice %arg3[%dma_wait3A_74, %dma_wait3A_75] : memref<10240x16xf32, #tpu.memory_space<hbm>> -> memref<10240x16xf32, #tpu.memory_space<hbm>>
    tpu.wait_indirect_dma semaphore(%arg19 : memref<!tpu.dma_semaphore, #tpu.memory_space<semaphore_mem>>) src(%dma_wait3A_76 : memref<10240x16xf32, #tpu.memory_space<hbm>>) dst(%arg12 : memref<128x16xf32, #tpu.memory_space<vmem>>)
    %dma_wait3A_77 = arith.constant 38 : i32
    %dma_wait3A_78 = arith.constant 0 : i32
    %dma_wait3A_79 = tpu.memref_slice %arg9[%dma_wait3A_77, %dma_wait3A_78] : memref<40x128xi32, #tpu.memory_space<vmem>> -> memref<1x128xi32, #tpu.memory_space<vmem>>
    %dma_wait3A_80 = tpu.memref_squeeze %dma_wait3A_79 : memref<1x128xi32, #tpu.memory_space<vmem>> -> memref<128xi32, #tpu.memory_space<vmem>>
    %dma_wait3A_81 = arith.constant 0 : i32
    %dma_wait3A_82 = arith.constant 0 : i32
    %dma_wait3A_83 = tpu.memref_slice %arg17[%dma_wait3A_81, %dma_wait3A_82] : memref<10240x80xf32, #tpu.memory_space<vmem_shared>> -> memref<10240x80xf32, #tpu.memory_space<vmem_shared>>
    tpu.wait_indirect_dma semaphore(%arg21 : memref<!tpu.dma_semaphore, #tpu.memory_space<semaphore_mem>>) src(%arg14 : memref<128x80xf32, #tpu.memory_space<vmem>>) dst(%dma_wait3A_83 : memref<10240x80xf32, #tpu.memory_space<vmem_shared>>)
    %dma_wait3A_84 = arith.constant 39 : i32
    %dma_wait3A_85 = arith.constant 0 : i32
    %dma_wait3A_86 = tpu.memref_slice %arg9[%dma_wait3A_84, %dma_wait3A_85] : memref<40x128xi32, #tpu.memory_space<vmem>> -> memref<1x128xi32, #tpu.memory_space<vmem>>
    %dma_wait3A_87 = tpu.memref_squeeze %dma_wait3A_86 : memref<1x128xi32, #tpu.memory_space<vmem>> -> memref<128xi32, #tpu.memory_space<vmem>>
    %dma_wait3A_88 = arith.constant 0 : i32
    %dma_wait3A_89 = arith.constant 0 : i32
    %dma_wait3A_90 = tpu.memref_slice %arg17[%dma_wait3A_88, %dma_wait3A_89] : memref<10240x80xf32, #tpu.memory_space<vmem_shared>> -> memref<10240x80xf32, #tpu.memory_space<vmem_shared>>
    tpu.wait_indirect_dma semaphore(%arg22 : memref<!tpu.dma_semaphore, #tpu.memory_space<semaphore_mem>>) src(%arg15 : memref<128x80xf32, #tpu.memory_space<vmem>>) dst(%dma_wait3A_90 : memref<10240x80xf32, #tpu.memory_space<vmem_shared>>)
    %barrier3A_91 = arith.constant 0 : index
    tpu.barrier barrier_id(%barrier3A_91)
    %mul3A_92 = arith.constant 10240 : i32
    %mul3A_93 = arith.muli %arg0, %mul3A_92 : i32
    %add3A_94 = arith.addi %mul3A_93, %mul3A_2 : i32
    "tpu.region"() ({
      %run_scoped3A = tpu.sem_alloc : memref<!tpu.dma_semaphore, #tpu.memory_space<semaphore_mem>>
      %dma_start3A_95 = arith.constant 0 : i32
      %dma_start3A_96 = tpu.memref_slice %arg7[%add3A_94, %dma_start3A_95] : memref<20480x80xf32, #tpu.memory_space<hbm>> -> memref<640x80xf32, #tpu.memory_space<hbm>>
      %dma_start3A_97 = arith.constant 0 : i32
      %dma_start3A_98 = tpu.memref_slice %arg17[%mul3A_2, %dma_start3A_97] : memref<10240x80xf32, #tpu.memory_space<vmem_shared>> -> memref<640x80xf32, #tpu.memory_space<vmem_shared>>
      tpu.enqueue_dma source(%dma_start3A_98 : memref<640x80xf32, #tpu.memory_space<vmem_shared>>) target(%dma_start3A_96 : memref<640x80xf32, #tpu.memory_space<hbm>>) target_semaphore(%run_scoped3A : memref<!tpu.dma_semaphore, #tpu.memory_space<semaphore_mem>>)
      %dma_wait3A_99 = arith.constant 0 : i32
      %dma_wait3A_100 = tpu.memref_slice %arg7[%add3A_94, %dma_wait3A_99] : memref<20480x80xf32, #tpu.memory_space<hbm>> -> memref<640x80xf32, #tpu.memory_space<hbm>>
      %dma_wait3A_101 = arith.constant 0 : i32
      %dma_wait3A_102 = tpu.memref_slice %arg17[%mul3A_2, %dma_wait3A_101] : memref<10240x80xf32, #tpu.memory_space<vmem_shared>> -> memref<640x80xf32, #tpu.memory_space<vmem_shared>>
      tpu.wait_dma2 semaphore(%run_scoped3A : memref<!tpu.dma_semaphore, #tpu.memory_space<semaphore_mem>>) src(%dma_wait3A_102 : memref<640x80xf32, #tpu.memory_space<vmem_shared>>) dst(%dma_wait3A_100 : memref<640x80xf32, #tpu.memory_space<hbm>>)
      tpu.yield
    }) : () -> ()
    return
  }
}

#map = affine_map<(d0, d1) -> (0, 0)>
#map1 = affine_map<(d0, d1) -> (0, 0, 0)>
module attributes {stable_mosaic.version = 14 : i64} {
  func.func @sc_layer(%arg0: i32, %arg1: i32, %arg2: memref<10240x48xf32, #tpu.memory_space<hbm>>, %arg3: memref<10240x16xf32, #tpu.memory_space<hbm>>, %arg4: memref<32x40x128xi32, #tpu.memory_space<hbm>>, %arg5: memref<32x40x128xi32, #tpu.memory_space<hbm>>, %arg6: memref<128x48xf32, #tpu.memory_space<hbm>>, %arg7: memref<20480x48xf32, #tpu.memory_space<hbm>>, %arg8: memref<40x128xi32, #tpu.memory_space<vmem>>, %arg9: memref<40x128xi32, #tpu.memory_space<vmem>>, %arg10: memref<128x48xf32, #tpu.memory_space<vmem>>, %arg11: memref<128x48xf32, #tpu.memory_space<vmem>>, %arg12: memref<128x16xf32, #tpu.memory_space<vmem>>, %arg13: memref<128x16xf32, #tpu.memory_space<vmem>>, %arg14: memref<128x48xf32, #tpu.memory_space<vmem>>, %arg15: memref<128x48xf32, #tpu.memory_space<vmem>>, %arg16: memref<128x48xf32, #tpu.memory_space<vmem>>, %arg17: memref<10240x48xf32, #tpu.memory_space<vmem_shared>>, %arg18: memref<!tpu.dma_semaphore, #tpu.memory_space<semaphore_mem>>, %arg19: memref<!tpu.dma_semaphore, #tpu.memory_space<semaphore_mem>>, %arg20: memref<!tpu.dma_semaphore, #tpu.memory_space<semaphore_mem>>, %arg21: memref<!tpu.dma_semaphore, #tpu.memory_space<semaphore_mem>>, %arg22: memref<!tpu.dma_semaphore, #tpu.memory_space<semaphore_mem>>) attributes {dimension_semantics = [#tpu.dimension_semantics<core_parallel>, #tpu.dimension_semantics<subcore_parallel>], iteration_bounds = array<i64: 2, 16>, scalar_prefetch = 0 : i64, scratch_operands = 15 : i64, tpu.core_type = #tpu.core_type<sc_vector_subcore>, window_params = [{transform_indices = #map}, {transform_indices = #map}, {transform_indices = #map1}, {transform_indices = #map1}, {transform_indices = #map}, {transform_indices = #map}]} {
    %mul3A = arith.constant 16 : i32
    %mul3A_0 = arith.muli %arg0, %mul3A : i32
    %add3A = arith.addi %mul3A_0, %arg1 : i32
    %mul3A_1 = arith.constant 640 : i32
    %mul3A_2 = arith.muli %arg1, %mul3A_1 : i32
    %dma_start3A = arith.constant 0 : i32
    %dma_start3A_3 = arith.constant 0 : i32
    %dma_start3A_4 = tpu.memref_slice %arg4[%add3A, %dma_start3A, %dma_start3A_3] : memref<32x40x128xi32, #tpu.memory_space<hbm>> -> memref<1x40x128xi32, #tpu.memory_space<hbm>>
    %dma_start3A_5 = tpu.memref_squeeze %dma_start3A_4 : memref<1x40x128xi32, #tpu.memory_space<hbm>> -> memref<40x128xi32, #tpu.memory_space<hbm>>
    %dma_start3A_6 = arith.constant 0 : i32
    %dma_start3A_7 = arith.constant 0 : i32
    %dma_start3A_8 = tpu.memref_slice %arg4[%add3A, %dma_start3A_6, %dma_start3A_7] : memref<32x40x128xi32, #tpu.memory_space<hbm>> -> memref<1x40x128xi32, #tpu.memory_space<hbm>>
    %dma_start3A_9 = tpu.memref_squeeze %dma_start3A_8 : memref<1x40x128xi32, #tpu.memory_space<hbm>> -> memref<40x128xi32, #tpu.memory_space<hbm>>
    tpu.enqueue_dma source(%dma_start3A_9 : memref<40x128xi32, #tpu.memory_space<hbm>>) target(%arg8 : memref<40x128xi32, #tpu.memory_space<vmem>>) target_semaphore(%arg18 : memref<!tpu.dma_semaphore, #tpu.memory_space<semaphore_mem>>)
    %dma_start3A_10 = arith.constant 0 : i32
    %dma_start3A_11 = arith.constant 0 : i32
    %dma_start3A_12 = tpu.memref_slice %arg5[%add3A, %dma_start3A_10, %dma_start3A_11] : memref<32x40x128xi32, #tpu.memory_space<hbm>> -> memref<1x40x128xi32, #tpu.memory_space<hbm>>
    %dma_start3A_13 = tpu.memref_squeeze %dma_start3A_12 : memref<1x40x128xi32, #tpu.memory_space<hbm>> -> memref<40x128xi32, #tpu.memory_space<hbm>>
    %dma_start3A_14 = arith.constant 0 : i32
    %dma_start3A_15 = arith.constant 0 : i32
    %dma_start3A_16 = tpu.memref_slice %arg5[%add3A, %dma_start3A_14, %dma_start3A_15] : memref<32x40x128xi32, #tpu.memory_space<hbm>> -> memref<1x40x128xi32, #tpu.memory_space<hbm>>
    %dma_start3A_17 = tpu.memref_squeeze %dma_start3A_16 : memref<1x40x128xi32, #tpu.memory_space<hbm>> -> memref<40x128xi32, #tpu.memory_space<hbm>>
    tpu.enqueue_dma source(%dma_start3A_17 : memref<40x128xi32, #tpu.memory_space<hbm>>) target(%arg9 : memref<40x128xi32, #tpu.memory_space<vmem>>) target_semaphore(%arg18 : memref<!tpu.dma_semaphore, #tpu.memory_space<semaphore_mem>>)
    "tpu.region"() ({
      %run_scoped3A = tpu.sem_alloc : memref<!tpu.dma_semaphore, #tpu.memory_space<semaphore_mem>>
      tpu.enqueue_dma source(%arg6 : memref<128x48xf32, #tpu.memory_space<hbm>>) target(%arg16 : memref<128x48xf32, #tpu.memory_space<vmem>>) target_semaphore(%run_scoped3A : memref<!tpu.dma_semaphore, #tpu.memory_space<semaphore_mem>>)
      tpu.wait_dma2 semaphore(%run_scoped3A : memref<!tpu.dma_semaphore, #tpu.memory_space<semaphore_mem>>) src(%arg6 : memref<128x48xf32, #tpu.memory_space<hbm>>) dst(%arg16 : memref<128x48xf32, #tpu.memory_space<vmem>>)
      tpu.yield
    }) : () -> ()
    %add3A_18 = arith.constant 0 : i32
    %add3A_19 = arith.addi %mul3A_2, %add3A_18 : i32
    "tpu.region"() ({
      %run_scoped3A = tpu.sem_alloc : memref<!tpu.dma_semaphore, #tpu.memory_space<semaphore_mem>>
      %dma_start3A_95 = arith.constant 0 : i32
      %dma_start3A_96 = tpu.memref_slice %arg17[%add3A_19, %dma_start3A_95] : memref<10240x48xf32, #tpu.memory_space<vmem_shared>> -> memref<128x48xf32, #tpu.memory_space<vmem_shared>>
      %dma_start3A_97 = arith.constant 0 : i32
      %dma_start3A_98 = tpu.memref_slice %arg17[%add3A_19, %dma_start3A_97] : memref<10240x48xf32, #tpu.memory_space<vmem_shared>> -> memref<128x48xf32, #tpu.memory_space<vmem_shared>>
      tpu.enqueue_dma source(%arg16 : memref<128x48xf32, #tpu.memory_space<vmem>>) target(%dma_start3A_98 : memref<128x48xf32, #tpu.memory_space<vmem_shared>>) target_semaphore(%run_scoped3A : memref<!tpu.dma_semaphore, #tpu.memory_space<semaphore_mem>>)
      %dma_wait3A_99 = arith.constant 0 : i32
      %dma_wait3A_100 = tpu.memref_slice %arg17[%add3A_19, %dma_wait3A_99] : memref<10240x48xf32, #tpu.memory_space<vmem_shared>> -> memref<128x48xf32, #tpu.memory_space<vmem_shared>>
      %dma_wait3A_101 = arith.constant 0 : i32
      %dma_wait3A_102 = tpu.memref_slice %arg17[%add3A_19, %dma_wait3A_101] : memref<10240x48xf32, #tpu.memory_space<vmem_shared>> -> memref<128x48xf32, #tpu.memory_space<vmem_shared>>
      tpu.wait_dma2 semaphore(%run_scoped3A : memref<!tpu.dma_semaphore, #tpu.memory_space<semaphore_mem>>) src(%arg16 : memref<128x48xf32, #tpu.memory_space<vmem>>) dst(%dma_wait3A_102 : memref<128x48xf32, #tpu.memory_space<vmem_shared>>)
      tpu.yield
    }) : () -> ()
    %add3A_20 = arith.constant 128 : i32
    %add3A_21 = arith.addi %mul3A_2, %add3A_20 : i32
    "tpu.region"() ({
      %run_scoped3A = tpu.sem_alloc : memref<!tpu.dma_semaphore, #tpu.memory_space<semaphore_mem>>
      %dma_start3A_95 = arith.constant 0 : i32
      %dma_start3A_96 = tpu.memref_slice %arg17[%add3A_21, %dma_start3A_95] : memref<10240x48xf32, #tpu.memory_space<vmem_shared>> -> memref<128x48xf32, #tpu.memory_space<vmem_shared>>
      %dma_start3A_97 = arith.constant 0 : i32
      %dma_start3A_98 = tpu.memref_slice %arg17[%add3A_21, %dma_start3A_97] : memref<10240x48xf32, #tpu.memory_space<vmem_shared>> -> memref<128x48xf32, #tpu.memory_space<vmem_shared>>
      tpu.enqueue_dma source(%arg16 : memref<128x48xf32, #tpu.memory_space<vmem>>) target(%dma_start3A_98 : memref<128x48xf32, #tpu.memory_space<vmem_shared>>) target_semaphore(%run_scoped3A : memref<!tpu.dma_semaphore, #tpu.memory_space<semaphore_mem>>)
      %dma_wait3A_99 = arith.constant 0 : i32
      %dma_wait3A_100 = tpu.memref_slice %arg17[%add3A_21, %dma_wait3A_99] : memref<10240x48xf32, #tpu.memory_space<vmem_shared>> -> memref<128x48xf32, #tpu.memory_space<vmem_shared>>
      %dma_wait3A_101 = arith.constant 0 : i32
      %dma_wait3A_102 = tpu.memref_slice %arg17[%add3A_21, %dma_wait3A_101] : memref<10240x48xf32, #tpu.memory_space<vmem_shared>> -> memref<128x48xf32, #tpu.memory_space<vmem_shared>>
      tpu.wait_dma2 semaphore(%run_scoped3A : memref<!tpu.dma_semaphore, #tpu.memory_space<semaphore_mem>>) src(%arg16 : memref<128x48xf32, #tpu.memory_space<vmem>>) dst(%dma_wait3A_102 : memref<128x48xf32, #tpu.memory_space<vmem_shared>>)
      tpu.yield
    }) : () -> ()
    %add3A_22 = arith.constant 256 : i32
    %add3A_23 = arith.addi %mul3A_2, %add3A_22 : i32
    "tpu.region"() ({
      %run_scoped3A = tpu.sem_alloc : memref<!tpu.dma_semaphore, #tpu.memory_space<semaphore_mem>>
      %dma_start3A_95 = arith.constant 0 : i32
      %dma_start3A_96 = tpu.memref_slice %arg17[%add3A_23, %dma_start3A_95] : memref<10240x48xf32, #tpu.memory_space<vmem_shared>> -> memref<128x48xf32, #tpu.memory_space<vmem_shared>>
      %dma_start3A_97 = arith.constant 0 : i32
      %dma_start3A_98 = tpu.memref_slice %arg17[%add3A_23, %dma_start3A_97] : memref<10240x48xf32, #tpu.memory_space<vmem_shared>> -> memref<128x48xf32, #tpu.memory_space<vmem_shared>>
      tpu.enqueue_dma source(%arg16 : memref<128x48xf32, #tpu.memory_space<vmem>>) target(%dma_start3A_98 : memref<128x48xf32, #tpu.memory_space<vmem_shared>>) target_semaphore(%run_scoped3A : memref<!tpu.dma_semaphore, #tpu.memory_space<semaphore_mem>>)
      %dma_wait3A_99 = arith.constant 0 : i32
      %dma_wait3A_100 = tpu.memref_slice %arg17[%add3A_23, %dma_wait3A_99] : memref<10240x48xf32, #tpu.memory_space<vmem_shared>> -> memref<128x48xf32, #tpu.memory_space<vmem_shared>>
      %dma_wait3A_101 = arith.constant 0 : i32
      %dma_wait3A_102 = tpu.memref_slice %arg17[%add3A_23, %dma_wait3A_101] : memref<10240x48xf32, #tpu.memory_space<vmem_shared>> -> memref<128x48xf32, #tpu.memory_space<vmem_shared>>
      tpu.wait_dma2 semaphore(%run_scoped3A : memref<!tpu.dma_semaphore, #tpu.memory_space<semaphore_mem>>) src(%arg16 : memref<128x48xf32, #tpu.memory_space<vmem>>) dst(%dma_wait3A_102 : memref<128x48xf32, #tpu.memory_space<vmem_shared>>)
      tpu.yield
    }) : () -> ()
    %add3A_24 = arith.constant 384 : i32
    %add3A_25 = arith.addi %mul3A_2, %add3A_24 : i32
    "tpu.region"() ({
      %run_scoped3A = tpu.sem_alloc : memref<!tpu.dma_semaphore, #tpu.memory_space<semaphore_mem>>
      %dma_start3A_95 = arith.constant 0 : i32
      %dma_start3A_96 = tpu.memref_slice %arg17[%add3A_25, %dma_start3A_95] : memref<10240x48xf32, #tpu.memory_space<vmem_shared>> -> memref<128x48xf32, #tpu.memory_space<vmem_shared>>
      %dma_start3A_97 = arith.constant 0 : i32
      %dma_start3A_98 = tpu.memref_slice %arg17[%add3A_25, %dma_start3A_97] : memref<10240x48xf32, #tpu.memory_space<vmem_shared>> -> memref<128x48xf32, #tpu.memory_space<vmem_shared>>
      tpu.enqueue_dma source(%arg16 : memref<128x48xf32, #tpu.memory_space<vmem>>) target(%dma_start3A_98 : memref<128x48xf32, #tpu.memory_space<vmem_shared>>) target_semaphore(%run_scoped3A : memref<!tpu.dma_semaphore, #tpu.memory_space<semaphore_mem>>)
      %dma_wait3A_99 = arith.constant 0 : i32
      %dma_wait3A_100 = tpu.memref_slice %arg17[%add3A_25, %dma_wait3A_99] : memref<10240x48xf32, #tpu.memory_space<vmem_shared>> -> memref<128x48xf32, #tpu.memory_space<vmem_shared>>
      %dma_wait3A_101 = arith.constant 0 : i32
      %dma_wait3A_102 = tpu.memref_slice %arg17[%add3A_25, %dma_wait3A_101] : memref<10240x48xf32, #tpu.memory_space<vmem_shared>> -> memref<128x48xf32, #tpu.memory_space<vmem_shared>>
      tpu.wait_dma2 semaphore(%run_scoped3A : memref<!tpu.dma_semaphore, #tpu.memory_space<semaphore_mem>>) src(%arg16 : memref<128x48xf32, #tpu.memory_space<vmem>>) dst(%dma_wait3A_102 : memref<128x48xf32, #tpu.memory_space<vmem_shared>>)
      tpu.yield
    }) : () -> ()
    %add3A_26 = arith.constant 512 : i32
    %add3A_27 = arith.addi %mul3A_2, %add3A_26 : i32
    "tpu.region"() ({
      %run_scoped3A = tpu.sem_alloc : memref<!tpu.dma_semaphore, #tpu.memory_space<semaphore_mem>>
      %dma_start3A_95 = arith.constant 0 : i32
      %dma_start3A_96 = tpu.memref_slice %arg17[%add3A_27, %dma_start3A_95] : memref<10240x48xf32, #tpu.memory_space<vmem_shared>> -> memref<128x48xf32, #tpu.memory_space<vmem_shared>>
      %dma_start3A_97 = arith.constant 0 : i32
      %dma_start3A_98 = tpu.memref_slice %arg17[%add3A_27, %dma_start3A_97] : memref<10240x48xf32, #tpu.memory_space<vmem_shared>> -> memref<128x48xf32, #tpu.memory_space<vmem_shared>>
      tpu.enqueue_dma source(%arg16 : memref<128x48xf32, #tpu.memory_space<vmem>>) target(%dma_start3A_98 : memref<128x48xf32, #tpu.memory_space<vmem_shared>>) target_semaphore(%run_scoped3A : memref<!tpu.dma_semaphore, #tpu.memory_space<semaphore_mem>>)
      %dma_wait3A_99 = arith.constant 0 : i32
      %dma_wait3A_100 = tpu.memref_slice %arg17[%add3A_27, %dma_wait3A_99] : memref<10240x48xf32, #tpu.memory_space<vmem_shared>> -> memref<128x48xf32, #tpu.memory_space<vmem_shared>>
      %dma_wait3A_101 = arith.constant 0 : i32
      %dma_wait3A_102 = tpu.memref_slice %arg17[%add3A_27, %dma_wait3A_101] : memref<10240x48xf32, #tpu.memory_space<vmem_shared>> -> memref<128x48xf32, #tpu.memory_space<vmem_shared>>
      tpu.wait_dma2 semaphore(%run_scoped3A : memref<!tpu.dma_semaphore, #tpu.memory_space<semaphore_mem>>) src(%arg16 : memref<128x48xf32, #tpu.memory_space<vmem>>) dst(%dma_wait3A_102 : memref<128x48xf32, #tpu.memory_space<vmem_shared>>)
      tpu.yield
    }) : () -> ()
    %dma_wait3A = arith.constant 0 : i32
    %dma_wait3A_28 = arith.constant 0 : i32
    %dma_wait3A_29 = tpu.memref_slice %arg4[%add3A, %dma_wait3A, %dma_wait3A_28] : memref<32x40x128xi32, #tpu.memory_space<hbm>> -> memref<1x40x128xi32, #tpu.memory_space<hbm>>
    %dma_wait3A_30 = tpu.memref_squeeze %dma_wait3A_29 : memref<1x40x128xi32, #tpu.memory_space<hbm>> -> memref<40x128xi32, #tpu.memory_space<hbm>>
    %dma_wait3A_31 = arith.constant 0 : i32
    %dma_wait3A_32 = arith.constant 0 : i32
    %dma_wait3A_33 = tpu.memref_slice %arg4[%add3A, %dma_wait3A_31, %dma_wait3A_32] : memref<32x40x128xi32, #tpu.memory_space<hbm>> -> memref<1x40x128xi32, #tpu.memory_space<hbm>>
    %dma_wait3A_34 = tpu.memref_squeeze %dma_wait3A_33 : memref<1x40x128xi32, #tpu.memory_space<hbm>> -> memref<40x128xi32, #tpu.memory_space<hbm>>
    tpu.wait_dma2 semaphore(%arg18 : memref<!tpu.dma_semaphore, #tpu.memory_space<semaphore_mem>>) src(%dma_wait3A_34 : memref<40x128xi32, #tpu.memory_space<hbm>>) dst(%arg8 : memref<40x128xi32, #tpu.memory_space<vmem>>)
    %dma_wait3A_35 = arith.constant 0 : i32
    %dma_wait3A_36 = arith.constant 0 : i32
    %dma_wait3A_37 = tpu.memref_slice %arg5[%add3A, %dma_wait3A_35, %dma_wait3A_36] : memref<32x40x128xi32, #tpu.memory_space<hbm>> -> memref<1x40x128xi32, #tpu.memory_space<hbm>>
    %dma_wait3A_38 = tpu.memref_squeeze %dma_wait3A_37 : memref<1x40x128xi32, #tpu.memory_space<hbm>> -> memref<40x128xi32, #tpu.memory_space<hbm>>
    %dma_wait3A_39 = arith.constant 0 : i32
    %dma_wait3A_40 = arith.constant 0 : i32
    %dma_wait3A_41 = tpu.memref_slice %arg5[%add3A, %dma_wait3A_39, %dma_wait3A_40] : memref<32x40x128xi32, #tpu.memory_space<hbm>> -> memref<1x40x128xi32, #tpu.memory_space<hbm>>
    %dma_wait3A_42 = tpu.memref_squeeze %dma_wait3A_41 : memref<1x40x128xi32, #tpu.memory_space<hbm>> -> memref<40x128xi32, #tpu.memory_space<hbm>>
    tpu.wait_dma2 semaphore(%arg18 : memref<!tpu.dma_semaphore, #tpu.memory_space<semaphore_mem>>) src(%dma_wait3A_42 : memref<40x128xi32, #tpu.memory_space<hbm>>) dst(%arg9 : memref<40x128xi32, #tpu.memory_space<vmem>>)
    %barrier3A = arith.constant 0 : index
    tpu.barrier barrier_id(%barrier3A)
    %min3A = arith.constant 0 : i32
    %min3A_43 = arith.constant 39 : i32
    %min3A_44 = arith.minsi %min3A, %min3A_43 : i32
    %dma_start3A_45 = arith.constant 0 : i32
    %dma_start3A_46 = tpu.memref_slice %arg8[%min3A_44, %dma_start3A_45] : memref<40x128xi32, #tpu.memory_space<vmem>> -> memref<1x128xi32, #tpu.memory_space<vmem>>
    %dma_start3A_47 = tpu.memref_squeeze %dma_start3A_46 : memref<1x128xi32, #tpu.memory_space<vmem>> -> memref<128xi32, #tpu.memory_space<vmem>>
    %dma_start3A_48 = arith.constant 0 : i32
    %dma_start3A_49 = arith.constant 0 : i32
    %dma_start3A_50 = tpu.memref_slice %arg2[%dma_start3A_48, %dma_start3A_49] : memref<10240x48xf32, #tpu.memory_space<hbm>> -> memref<10240x48xf32, #tpu.memory_space<hbm>>
    tpu.enqueue_indirect_dma source(%dma_start3A_50 : memref<10240x48xf32, #tpu.memory_space<hbm>>) target(%arg10 : memref<128x48xf32, #tpu.memory_space<vmem>>) offsets(%dma_start3A_47 : memref<128xi32, #tpu.memory_space<vmem>>) semaphore(%arg19 : memref<!tpu.dma_semaphore, #tpu.memory_space<semaphore_mem>>)
    %dma_start3A_51 = arith.constant 0 : i32
    %dma_start3A_52 = tpu.memref_slice %arg9[%min3A_44, %dma_start3A_51] : memref<40x128xi32, #tpu.memory_space<vmem>> -> memref<1x128xi32, #tpu.memory_space<vmem>>
    %dma_start3A_53 = tpu.memref_squeeze %dma_start3A_52 : memref<1x128xi32, #tpu.memory_space<vmem>> -> memref<128xi32, #tpu.memory_space<vmem>>
    %dma_start3A_54 = arith.constant 0 : i32
    %dma_start3A_55 = arith.constant 0 : i32
    %dma_start3A_56 = tpu.memref_slice %arg3[%dma_start3A_54, %dma_start3A_55] : memref<10240x16xf32, #tpu.memory_space<hbm>> -> memref<10240x16xf32, #tpu.memory_space<hbm>>
    tpu.enqueue_indirect_dma source(%dma_start3A_56 : memref<10240x16xf32, #tpu.memory_space<hbm>>) target(%arg12 : memref<128x16xf32, #tpu.memory_space<vmem>>) offsets(%dma_start3A_53 : memref<128xi32, #tpu.memory_space<vmem>>) semaphore(%arg19 : memref<!tpu.dma_semaphore, #tpu.memory_space<semaphore_mem>>)
    %scan3A = arith.constant 0 : i32
    %scan3A_57 = arith.constant 0 : i32
    %scan3A_58 = arith.constant 20 : i32
    %scan3A_59 = arith.addi %scan3A_57, %scan3A_58 : i32
    %scan3A_60 = arith.constant 1 : i32
    scf.for %scan3A_95 = %scan3A_57 to %scan3A_59 step %scan3A_60  : i32 {
      %mul3A_96 = arith.constant 2 : i32
      %mul3A_97 = arith.muli %mul3A_96, %scan3A_95 : i32
      %add3A_98 = arith.constant 1 : i32
      %add3A_99 = arith.addi %mul3A_97, %add3A_98 : i32
      %min3A_100 = arith.constant 39 : i32
      %min3A_101 = arith.minsi %add3A_99, %min3A_100 : i32
      %dma_start3A_102 = arith.constant 0 : i32
      %dma_start3A_103 = tpu.memref_slice %arg8[%min3A_101, %dma_start3A_102] : memref<40x128xi32, #tpu.memory_space<vmem>> -> memref<1x128xi32, #tpu.memory_space<vmem>>
      %dma_start3A_104 = tpu.memref_squeeze %dma_start3A_103 : memref<1x128xi32, #tpu.memory_space<vmem>> -> memref<128xi32, #tpu.memory_space<vmem>>
      %dma_start3A_105 = arith.constant 0 : i32
      %dma_start3A_106 = arith.constant 0 : i32
      %dma_start3A_107 = tpu.memref_slice %arg2[%dma_start3A_105, %dma_start3A_106] : memref<10240x48xf32, #tpu.memory_space<hbm>> -> memref<10240x48xf32, #tpu.memory_space<hbm>>
      tpu.enqueue_indirect_dma source(%dma_start3A_107 : memref<10240x48xf32, #tpu.memory_space<hbm>>) target(%arg11 : memref<128x48xf32, #tpu.memory_space<vmem>>) offsets(%dma_start3A_104 : memref<128xi32, #tpu.memory_space<vmem>>) semaphore(%arg20 : memref<!tpu.dma_semaphore, #tpu.memory_space<semaphore_mem>>)
      %dma_start3A_108 = arith.constant 0 : i32
      %dma_start3A_109 = tpu.memref_slice %arg9[%min3A_101, %dma_start3A_108] : memref<40x128xi32, #tpu.memory_space<vmem>> -> memref<1x128xi32, #tpu.memory_space<vmem>>
      %dma_start3A_110 = tpu.memref_squeeze %dma_start3A_109 : memref<1x128xi32, #tpu.memory_space<vmem>> -> memref<128xi32, #tpu.memory_space<vmem>>
      %dma_start3A_111 = arith.constant 0 : i32
      %dma_start3A_112 = arith.constant 0 : i32
      %dma_start3A_113 = tpu.memref_slice %arg3[%dma_start3A_111, %dma_start3A_112] : memref<10240x16xf32, #tpu.memory_space<hbm>> -> memref<10240x16xf32, #tpu.memory_space<hbm>>
      tpu.enqueue_indirect_dma source(%dma_start3A_113 : memref<10240x16xf32, #tpu.memory_space<hbm>>) target(%arg13 : memref<128x16xf32, #tpu.memory_space<vmem>>) offsets(%dma_start3A_110 : memref<128xi32, #tpu.memory_space<vmem>>) semaphore(%arg20 : memref<!tpu.dma_semaphore, #tpu.memory_space<semaphore_mem>>)
      %min3A_114 = arith.constant 39 : i32
      %min3A_115 = arith.minsi %mul3A_97, %min3A_114 : i32
      %dma_wait3A_116 = arith.constant 0 : i32
      %dma_wait3A_117 = tpu.memref_slice %arg8[%min3A_115, %dma_wait3A_116] : memref<40x128xi32, #tpu.memory_space<vmem>> -> memref<1x128xi32, #tpu.memory_space<vmem>>
      %dma_wait3A_118 = tpu.memref_squeeze %dma_wait3A_117 : memref<1x128xi32, #tpu.memory_space<vmem>> -> memref<128xi32, #tpu.memory_space<vmem>>
      %dma_wait3A_119 = arith.constant 0 : i32
      %dma_wait3A_120 = arith.constant 0 : i32
      %dma_wait3A_121 = tpu.memref_slice %arg2[%dma_wait3A_119, %dma_wait3A_120] : memref<10240x48xf32, #tpu.memory_space<hbm>> -> memref<10240x48xf32, #tpu.memory_space<hbm>>
      tpu.wait_indirect_dma semaphore(%arg19 : memref<!tpu.dma_semaphore, #tpu.memory_space<semaphore_mem>>) src(%dma_wait3A_121 : memref<10240x48xf32, #tpu.memory_space<hbm>>) dst(%arg10 : memref<128x48xf32, #tpu.memory_space<vmem>>)
      %dma_wait3A_122 = arith.constant 0 : i32
      %dma_wait3A_123 = tpu.memref_slice %arg9[%min3A_115, %dma_wait3A_122] : memref<40x128xi32, #tpu.memory_space<vmem>> -> memref<1x128xi32, #tpu.memory_space<vmem>>
      %dma_wait3A_124 = tpu.memref_squeeze %dma_wait3A_123 : memref<1x128xi32, #tpu.memory_space<vmem>> -> memref<128xi32, #tpu.memory_space<vmem>>
      %dma_wait3A_125 = arith.constant 0 : i32
      %dma_wait3A_126 = arith.constant 0 : i32
      %dma_wait3A_127 = tpu.memref_slice %arg3[%dma_wait3A_125, %dma_wait3A_126] : memref<10240x16xf32, #tpu.memory_space<hbm>> -> memref<10240x16xf32, #tpu.memory_space<hbm>>
      tpu.wait_indirect_dma semaphore(%arg19 : memref<!tpu.dma_semaphore, #tpu.memory_space<semaphore_mem>>) src(%dma_wait3A_127 : memref<10240x16xf32, #tpu.memory_space<hbm>>) dst(%arg12 : memref<128x16xf32, #tpu.memory_space<vmem>>)
      %gt3A = arith.constant 0 : i32
      %gt3A_128 = arith.cmpi sgt, %scan3A_95, %gt3A : i32
      %convert_element_type3A = arith.extui %gt3A_128 : i1 to i32
      %cond3A = arith.constant 0 : i32
      %cond3A_129 = arith.cmpi ne, %convert_element_type3A, %cond3A : i32
      scf.if %cond3A_129 {
        %sub3A = arith.constant 2 : i32
        %sub3A_186 = arith.subi %mul3A_97, %sub3A : i32
        %dma_wait3A_187 = arith.constant 0 : i32
        %dma_wait3A_188 = tpu.memref_slice %arg9[%sub3A_186, %dma_wait3A_187] : memref<40x128xi32, #tpu.memory_space<vmem>> -> memref<1x128xi32, #tpu.memory_space<vmem>>
        %dma_wait3A_189 = tpu.memref_squeeze %dma_wait3A_188 : memref<1x128xi32, #tpu.memory_space<vmem>> -> memref<128xi32, #tpu.memory_space<vmem>>
        %dma_wait3A_190 = arith.constant 0 : i32
        %dma_wait3A_191 = arith.constant 0 : i32
        %dma_wait3A_192 = tpu.memref_slice %arg17[%dma_wait3A_190, %dma_wait3A_191] : memref<10240x48xf32, #tpu.memory_space<vmem_shared>> -> memref<10240x48xf32, #tpu.memory_space<vmem_shared>>
        tpu.wait_indirect_dma semaphore(%arg21 : memref<!tpu.dma_semaphore, #tpu.memory_space<semaphore_mem>>) src(%arg14 : memref<128x48xf32, #tpu.memory_space<vmem>>) dst(%dma_wait3A_192 : memref<10240x48xf32, #tpu.memory_space<vmem_shared>>)
      } else {
      }
      %parallel_loop3A = arith.constant 0 : i32
      %parallel_loop3A_130 = arith.constant 128 : i32
      %parallel_loop3A_131 = arith.constant 1 : i32
      scf.for %parallel_loop3A_186 = %parallel_loop3A to %parallel_loop3A_130 step %parallel_loop3A_131  : i32 {
        %parallel_loop3A_187 = arith.index_cast %parallel_loop3A_186 : i32 to index
        %parallel_loop3A_188 = arith.constant 32 : index
        %parallel_loop3A_189 = tpu.vector_load %arg10[%parallel_loop3A_187, %parallel_loop3A_188] {strides = array<i32>} : memref<128x48xf32, #tpu.memory_space<vmem>>, vector<16xf32>,
        %parallel_loop3A_190 = arith.index_cast %parallel_loop3A_186 : i32 to index
        %parallel_loop3A_191 = arith.constant 0 : index
        %parallel_loop3A_192 = tpu.vector_load %arg12[%parallel_loop3A_190, %parallel_loop3A_191] {strides = array<i32>} : memref<128x16xf32, #tpu.memory_space<vmem>>, vector<16xf32>,
        %parallel_loop3A_193 = arith.addf %parallel_loop3A_189, %parallel_loop3A_192 : vector<16xf32>
        %parallel_loop3A_194 = arith.constant 2.000000e-01 : f32
        %parallel_loop3A_195 = vector.broadcast %parallel_loop3A_194 : f32 to vector<16xf32>
        %parallel_loop3A_196 = arith.mulf %parallel_loop3A_195, %parallel_loop3A_193 : vector<16xf32>
        %parallel_loop3A_197 = arith.maximumf %parallel_loop3A_193, %parallel_loop3A_196 : vector<16xf32>
        %parallel_loop3A_198 = math.exp %parallel_loop3A_197 : vector<16xf32>
        %parallel_loop3A_199 = tpu.iota {dimensions = array<i32: 0>} : vector<16xi32>
        %parallel_loop3A_200 = arith.constant 9 : i32
        %parallel_loop3A_201 = vector.broadcast %parallel_loop3A_200 : i32 to vector<16xi32>
        %parallel_loop3A_202 = arith.cmpi slt, %parallel_loop3A_199, %parallel_loop3A_201 : vector<16xi32>
        %parallel_loop3A_203 = arith.constant 1.000000e+00 : f32
        %parallel_loop3A_204 = arith.constant 0.000000e+00 : f32
        %parallel_loop3A_205 = vector.broadcast %parallel_loop3A_203 : f32 to vector<16xf32>
        %parallel_loop3A_206 = vector.broadcast %parallel_loop3A_204 : f32 to vector<16xf32>
        %parallel_loop3A_207 = arith.select %parallel_loop3A_202, %parallel_loop3A_205, %parallel_loop3A_206 : vector<16xi1>, vector<16xf32>
        %parallel_loop3A_208 = arith.constant 9 : i32
        %parallel_loop3A_209 = vector.broadcast %parallel_loop3A_208 : i32 to vector<16xi32>
        %parallel_loop3A_210 = vector.shape_cast %parallel_loop3A_209 : vector<16xi32> to vector<16x1xi32>
        %parallel_loop3A_211 = vector.shape_cast %parallel_loop3A_210 : vector<16x1xi32> to vector<16xi32>
        %parallel_loop3A_212 = tpu.dynamic_gather %parallel_loop3A_198[%parallel_loop3A_211] in [0] : vector<16xf32>, vector<16xi32> -> vector<16xf32>
        %parallel_loop3A_213 = arith.index_cast %parallel_loop3A_186 : i32 to index
        %parallel_loop3A_214 = arith.constant 0 : index
        %parallel_loop3A_215 = tpu.vector_load %arg10[%parallel_loop3A_213, %parallel_loop3A_214] {strides = array<i32>} : memref<128x48xf32, #tpu.memory_space<vmem>>, vector<16xf32>,
        %parallel_loop3A_216 = arith.mulf %parallel_loop3A_215, %parallel_loop3A_212 : vector<16xf32>
        %parallel_loop3A_217 = arith.index_cast %parallel_loop3A_186 : i32 to index
        %parallel_loop3A_218 = arith.constant 0 : index
        %parallel_loop3A_219 = tpu.vector_load %arg14[%parallel_loop3A_217, %parallel_loop3A_218] {strides = array<i32>} : memref<128x48xf32, #tpu.memory_space<vmem>>, vector<16xf32>,
        tpu.vector_store %arg14[%parallel_loop3A_217, %parallel_loop3A_218], %parallel_loop3A_216 {strides = array<i32>} : memref<128x48xf32, #tpu.memory_space<vmem>>, vector<16xf32>,
        %parallel_loop3A_220 = arith.index_cast %parallel_loop3A_186 : i32 to index
        %parallel_loop3A_221 = arith.constant 16 : index
        %parallel_loop3A_222 = tpu.vector_load %arg10[%parallel_loop3A_220, %parallel_loop3A_221] {strides = array<i32>} : memref<128x48xf32, #tpu.memory_space<vmem>>, vector<16xf32>,
        %parallel_loop3A_223 = arith.mulf %parallel_loop3A_222, %parallel_loop3A_212 : vector<16xf32>
        %parallel_loop3A_224 = arith.index_cast %parallel_loop3A_186 : i32 to index
        %parallel_loop3A_225 = arith.constant 16 : index
        %parallel_loop3A_226 = tpu.vector_load %arg14[%parallel_loop3A_224, %parallel_loop3A_225] {strides = array<i32>} : memref<128x48xf32, #tpu.memory_space<vmem>>, vector<16xf32>,
        tpu.vector_store %arg14[%parallel_loop3A_224, %parallel_loop3A_225], %parallel_loop3A_223 {strides = array<i32>} : memref<128x48xf32, #tpu.memory_space<vmem>>, vector<16xf32>,
        %parallel_loop3A_227 = arith.mulf %parallel_loop3A_189, %parallel_loop3A_212 : vector<16xf32>
        %parallel_loop3A_228 = arith.mulf %parallel_loop3A_227, %parallel_loop3A_207 : vector<16xf32>
        %parallel_loop3A_229 = arith.index_cast %parallel_loop3A_186 : i32 to index
        %parallel_loop3A_230 = arith.constant 32 : index
        %parallel_loop3A_231 = tpu.vector_load %arg14[%parallel_loop3A_229, %parallel_loop3A_230] {strides = array<i32>} : memref<128x48xf32, #tpu.memory_space<vmem>>, vector<16xf32>,
        tpu.vector_store %arg14[%parallel_loop3A_229, %parallel_loop3A_230], %parallel_loop3A_228 {strides = array<i32>} : memref<128x48xf32, #tpu.memory_space<vmem>>, vector<16xf32>,
      } {sc.loop_unroll_factor = 8 : i64, sc.parallel_access}
      %dma_start3A_132 = arith.constant 0 : i32
      %dma_start3A_133 = tpu.memref_slice %arg9[%mul3A_97, %dma_start3A_132] : memref<40x128xi32, #tpu.memory_space<vmem>> -> memref<1x128xi32, #tpu.memory_space<vmem>>
      %dma_start3A_134 = tpu.memref_squeeze %dma_start3A_133 : memref<1x128xi32, #tpu.memory_space<vmem>> -> memref<128xi32, #tpu.memory_space<vmem>>
      %dma_start3A_135 = arith.constant 0 : i32
      %dma_start3A_136 = arith.constant 0 : i32
      %dma_start3A_137 = tpu.memref_slice %arg17[%dma_start3A_135, %dma_start3A_136] : memref<10240x48xf32, #tpu.memory_space<vmem_shared>> -> memref<10240x48xf32, #tpu.memory_space<vmem_shared>>
      tpu.enqueue_indirect_dma source(%arg14 : memref<128x48xf32, #tpu.memory_space<vmem>>) target(%dma_start3A_137 : memref<10240x48xf32, #tpu.memory_space<vmem_shared>>) offsets(%dma_start3A_134 : memref<128xi32, #tpu.memory_space<vmem>>) semaphore(%arg21 : memref<!tpu.dma_semaphore, #tpu.memory_space<semaphore_mem>>) {add = true}
      %add3A_138 = arith.constant 2 : i32
      %add3A_139 = arith.addi %mul3A_97, %add3A_138 : i32
      %min3A_140 = arith.constant 39 : i32
      %min3A_141 = arith.minsi %add3A_139, %min3A_140 : i32
      %dma_start3A_142 = arith.constant 0 : i32
      %dma_start3A_143 = tpu.memref_slice %arg8[%min3A_141, %dma_start3A_142] : memref<40x128xi32, #tpu.memory_space<vmem>> -> memref<1x128xi32, #tpu.memory_space<vmem>>
      %dma_start3A_144 = tpu.memref_squeeze %dma_start3A_143 : memref<1x128xi32, #tpu.memory_space<vmem>> -> memref<128xi32, #tpu.memory_space<vmem>>
      %dma_start3A_145 = arith.constant 0 : i32
      %dma_start3A_146 = arith.constant 0 : i32
      %dma_start3A_147 = tpu.memref_slice %arg2[%dma_start3A_145, %dma_start3A_146] : memref<10240x48xf32, #tpu.memory_space<hbm>> -> memref<10240x48xf32, #tpu.memory_space<hbm>>
      tpu.enqueue_indirect_dma source(%dma_start3A_147 : memref<10240x48xf32, #tpu.memory_space<hbm>>) target(%arg10 : memref<128x48xf32, #tpu.memory_space<vmem>>) offsets(%dma_start3A_144 : memref<128xi32, #tpu.memory_space<vmem>>) semaphore(%arg19 : memref<!tpu.dma_semaphore, #tpu.memory_space<semaphore_mem>>)
      %dma_start3A_148 = arith.constant 0 : i32
      %dma_start3A_149 = tpu.memref_slice %arg9[%min3A_141, %dma_start3A_148] : memref<40x128xi32, #tpu.memory_space<vmem>> -> memref<1x128xi32, #tpu.memory_space<vmem>>
      %dma_start3A_150 = tpu.memref_squeeze %dma_start3A_149 : memref<1x128xi32, #tpu.memory_space<vmem>> -> memref<128xi32, #tpu.memory_space<vmem>>
      %dma_start3A_151 = arith.constant 0 : i32
      %dma_start3A_152 = arith.constant 0 : i32
      %dma_start3A_153 = tpu.memref_slice %arg3[%dma_start3A_151, %dma_start3A_152] : memref<10240x16xf32, #tpu.memory_space<hbm>> -> memref<10240x16xf32, #tpu.memory_space<hbm>>
      tpu.enqueue_indirect_dma source(%dma_start3A_153 : memref<10240x16xf32, #tpu.memory_space<hbm>>) target(%arg12 : memref<128x16xf32, #tpu.memory_space<vmem>>) offsets(%dma_start3A_150 : memref<128xi32, #tpu.memory_space<vmem>>) semaphore(%arg19 : memref<!tpu.dma_semaphore, #tpu.memory_space<semaphore_mem>>)
      %add3A_154 = arith.constant 1 : i32
      %add3A_155 = arith.addi %mul3A_97, %add3A_154 : i32
      %min3A_156 = arith.constant 39 : i32
      %min3A_157 = arith.minsi %add3A_155, %min3A_156 : i32
      %dma_wait3A_158 = arith.constant 0 : i32
      %dma_wait3A_159 = tpu.memref_slice %arg8[%min3A_157, %dma_wait3A_158] : memref<40x128xi32, #tpu.memory_space<vmem>> -> memref<1x128xi32, #tpu.memory_space<vmem>>
      %dma_wait3A_160 = tpu.memref_squeeze %dma_wait3A_159 : memref<1x128xi32, #tpu.memory_space<vmem>> -> memref<128xi32, #tpu.memory_space<vmem>>
      %dma_wait3A_161 = arith.constant 0 : i32
      %dma_wait3A_162 = arith.constant 0 : i32
      %dma_wait3A_163 = tpu.memref_slice %arg2[%dma_wait3A_161, %dma_wait3A_162] : memref<10240x48xf32, #tpu.memory_space<hbm>> -> memref<10240x48xf32, #tpu.memory_space<hbm>>
      tpu.wait_indirect_dma semaphore(%arg20 : memref<!tpu.dma_semaphore, #tpu.memory_space<semaphore_mem>>) src(%dma_wait3A_163 : memref<10240x48xf32, #tpu.memory_space<hbm>>) dst(%arg11 : memref<128x48xf32, #tpu.memory_space<vmem>>)
      %dma_wait3A_164 = arith.constant 0 : i32
      %dma_wait3A_165 = tpu.memref_slice %arg9[%min3A_157, %dma_wait3A_164] : memref<40x128xi32, #tpu.memory_space<vmem>> -> memref<1x128xi32, #tpu.memory_space<vmem>>
      %dma_wait3A_166 = tpu.memref_squeeze %dma_wait3A_165 : memref<1x128xi32, #tpu.memory_space<vmem>> -> memref<128xi32, #tpu.memory_space<vmem>>
      %dma_wait3A_167 = arith.constant 0 : i32
      %dma_wait3A_168 = arith.constant 0 : i32
      %dma_wait3A_169 = tpu.memref_slice %arg3[%dma_wait3A_167, %dma_wait3A_168] : memref<10240x16xf32, #tpu.memory_space<hbm>> -> memref<10240x16xf32, #tpu.memory_space<hbm>>
      tpu.wait_indirect_dma semaphore(%arg20 : memref<!tpu.dma_semaphore, #tpu.memory_space<semaphore_mem>>) src(%dma_wait3A_169 : memref<10240x16xf32, #tpu.memory_space<hbm>>) dst(%arg13 : memref<128x16xf32, #tpu.memory_space<vmem>>)
      %gt3A_170 = arith.constant 0 : i32
      %gt3A_171 = arith.cmpi sgt, %scan3A_95, %gt3A_170 : i32
      %convert_element_type3A_172 = arith.extui %gt3A_171 : i1 to i32
      %cond3A_173 = arith.constant 0 : i32
      %cond3A_174 = arith.cmpi ne, %convert_element_type3A_172, %cond3A_173 : i32
      scf.if %cond3A_174 {
        %sub3A = arith.constant 1 : i32
        %sub3A_186 = arith.subi %mul3A_97, %sub3A : i32
        %dma_wait3A_187 = arith.constant 0 : i32
        %dma_wait3A_188 = tpu.memref_slice %arg9[%sub3A_186, %dma_wait3A_187] : memref<40x128xi32, #tpu.memory_space<vmem>> -> memref<1x128xi32, #tpu.memory_space<vmem>>
        %dma_wait3A_189 = tpu.memref_squeeze %dma_wait3A_188 : memref<1x128xi32, #tpu.memory_space<vmem>> -> memref<128xi32, #tpu.memory_space<vmem>>
        %dma_wait3A_190 = arith.constant 0 : i32
        %dma_wait3A_191 = arith.constant 0 : i32
        %dma_wait3A_192 = tpu.memref_slice %arg17[%dma_wait3A_190, %dma_wait3A_191] : memref<10240x48xf32, #tpu.memory_space<vmem_shared>> -> memref<10240x48xf32, #tpu.memory_space<vmem_shared>>
        tpu.wait_indirect_dma semaphore(%arg22 : memref<!tpu.dma_semaphore, #tpu.memory_space<semaphore_mem>>) src(%arg15 : memref<128x48xf32, #tpu.memory_space<vmem>>) dst(%dma_wait3A_192 : memref<10240x48xf32, #tpu.memory_space<vmem_shared>>)
      } else {
      }
      %parallel_loop3A_175 = arith.constant 0 : i32
      %parallel_loop3A_176 = arith.constant 128 : i32
      %parallel_loop3A_177 = arith.constant 1 : i32
      scf.for %parallel_loop3A_186 = %parallel_loop3A_175 to %parallel_loop3A_176 step %parallel_loop3A_177  : i32 {
        %parallel_loop3A_187 = arith.index_cast %parallel_loop3A_186 : i32 to index
        %parallel_loop3A_188 = arith.constant 32 : index
        %parallel_loop3A_189 = tpu.vector_load %arg11[%parallel_loop3A_187, %parallel_loop3A_188] {strides = array<i32>} : memref<128x48xf32, #tpu.memory_space<vmem>>, vector<16xf32>,
        %parallel_loop3A_190 = arith.index_cast %parallel_loop3A_186 : i32 to index
        %parallel_loop3A_191 = arith.constant 0 : index
        %parallel_loop3A_192 = tpu.vector_load %arg13[%parallel_loop3A_190, %parallel_loop3A_191] {strides = array<i32>} : memref<128x16xf32, #tpu.memory_space<vmem>>, vector<16xf32>,
        %parallel_loop3A_193 = arith.addf %parallel_loop3A_189, %parallel_loop3A_192 : vector<16xf32>
        %parallel_loop3A_194 = arith.constant 2.000000e-01 : f32
        %parallel_loop3A_195 = vector.broadcast %parallel_loop3A_194 : f32 to vector<16xf32>
        %parallel_loop3A_196 = arith.mulf %parallel_loop3A_195, %parallel_loop3A_193 : vector<16xf32>
        %parallel_loop3A_197 = arith.maximumf %parallel_loop3A_193, %parallel_loop3A_196 : vector<16xf32>
        %parallel_loop3A_198 = math.exp %parallel_loop3A_197 : vector<16xf32>
        %parallel_loop3A_199 = tpu.iota {dimensions = array<i32: 0>} : vector<16xi32>
        %parallel_loop3A_200 = arith.constant 9 : i32
        %parallel_loop3A_201 = vector.broadcast %parallel_loop3A_200 : i32 to vector<16xi32>
        %parallel_loop3A_202 = arith.cmpi slt, %parallel_loop3A_199, %parallel_loop3A_201 : vector<16xi32>
        %parallel_loop3A_203 = arith.constant 1.000000e+00 : f32
        %parallel_loop3A_204 = arith.constant 0.000000e+00 : f32
        %parallel_loop3A_205 = vector.broadcast %parallel_loop3A_203 : f32 to vector<16xf32>
        %parallel_loop3A_206 = vector.broadcast %parallel_loop3A_204 : f32 to vector<16xf32>
        %parallel_loop3A_207 = arith.select %parallel_loop3A_202, %parallel_loop3A_205, %parallel_loop3A_206 : vector<16xi1>, vector<16xf32>
        %parallel_loop3A_208 = arith.constant 9 : i32
        %parallel_loop3A_209 = vector.broadcast %parallel_loop3A_208 : i32 to vector<16xi32>
        %parallel_loop3A_210 = vector.shape_cast %parallel_loop3A_209 : vector<16xi32> to vector<16x1xi32>
        %parallel_loop3A_211 = vector.shape_cast %parallel_loop3A_210 : vector<16x1xi32> to vector<16xi32>
        %parallel_loop3A_212 = tpu.dynamic_gather %parallel_loop3A_198[%parallel_loop3A_211] in [0] : vector<16xf32>, vector<16xi32> -> vector<16xf32>
        %parallel_loop3A_213 = arith.index_cast %parallel_loop3A_186 : i32 to index
        %parallel_loop3A_214 = arith.constant 0 : index
        %parallel_loop3A_215 = tpu.vector_load %arg11[%parallel_loop3A_213, %parallel_loop3A_214] {strides = array<i32>} : memref<128x48xf32, #tpu.memory_space<vmem>>, vector<16xf32>,
        %parallel_loop3A_216 = arith.mulf %parallel_loop3A_215, %parallel_loop3A_212 : vector<16xf32>
        %parallel_loop3A_217 = arith.index_cast %parallel_loop3A_186 : i32 to index
        %parallel_loop3A_218 = arith.constant 0 : index
        %parallel_loop3A_219 = tpu.vector_load %arg15[%parallel_loop3A_217, %parallel_loop3A_218] {strides = array<i32>} : memref<128x48xf32, #tpu.memory_space<vmem>>, vector<16xf32>,
        tpu.vector_store %arg15[%parallel_loop3A_217, %parallel_loop3A_218], %parallel_loop3A_216 {strides = array<i32>} : memref<128x48xf32, #tpu.memory_space<vmem>>, vector<16xf32>,
        %parallel_loop3A_220 = arith.index_cast %parallel_loop3A_186 : i32 to index
        %parallel_loop3A_221 = arith.constant 16 : index
        %parallel_loop3A_222 = tpu.vector_load %arg11[%parallel_loop3A_220, %parallel_loop3A_221] {strides = array<i32>} : memref<128x48xf32, #tpu.memory_space<vmem>>, vector<16xf32>,
        %parallel_loop3A_223 = arith.mulf %parallel_loop3A_222, %parallel_loop3A_212 : vector<16xf32>
        %parallel_loop3A_224 = arith.index_cast %parallel_loop3A_186 : i32 to index
        %parallel_loop3A_225 = arith.constant 16 : index
        %parallel_loop3A_226 = tpu.vector_load %arg15[%parallel_loop3A_224, %parallel_loop3A_225] {strides = array<i32>} : memref<128x48xf32, #tpu.memory_space<vmem>>, vector<16xf32>,
        tpu.vector_store %arg15[%parallel_loop3A_224, %parallel_loop3A_225], %parallel_loop3A_223 {strides = array<i32>} : memref<128x48xf32, #tpu.memory_space<vmem>>, vector<16xf32>,
        %parallel_loop3A_227 = arith.mulf %parallel_loop3A_189, %parallel_loop3A_212 : vector<16xf32>
        %parallel_loop3A_228 = arith.mulf %parallel_loop3A_227, %parallel_loop3A_207 : vector<16xf32>
        %parallel_loop3A_229 = arith.index_cast %parallel_loop3A_186 : i32 to index
        %parallel_loop3A_230 = arith.constant 32 : index
        %parallel_loop3A_231 = tpu.vector_load %arg15[%parallel_loop3A_229, %parallel_loop3A_230] {strides = array<i32>} : memref<128x48xf32, #tpu.memory_space<vmem>>, vector<16xf32>,
        tpu.vector_store %arg15[%parallel_loop3A_229, %parallel_loop3A_230], %parallel_loop3A_228 {strides = array<i32>} : memref<128x48xf32, #tpu.memory_space<vmem>>, vector<16xf32>,
      } {sc.loop_unroll_factor = 8 : i64, sc.parallel_access}
      %add3A_178 = arith.constant 1 : i32
      %add3A_179 = arith.addi %mul3A_97, %add3A_178 : i32
      %dma_start3A_180 = arith.constant 0 : i32
      %dma_start3A_181 = tpu.memref_slice %arg9[%add3A_179, %dma_start3A_180] : memref<40x128xi32, #tpu.memory_space<vmem>> -> memref<1x128xi32, #tpu.memory_space<vmem>>
      %dma_start3A_182 = tpu.memref_squeeze %dma_start3A_181 : memref<1x128xi32, #tpu.memory_space<vmem>> -> memref<128xi32, #tpu.memory_space<vmem>>
      %dma_start3A_183 = arith.constant 0 : i32
      %dma_start3A_184 = arith.constant 0 : i32
      %dma_start3A_185 = tpu.memref_slice %arg17[%dma_start3A_183, %dma_start3A_184] : memref<10240x48xf32, #tpu.memory_space<vmem_shared>> -> memref<10240x48xf32, #tpu.memory_space<vmem_shared>>
      tpu.enqueue_indirect_dma source(%arg15 : memref<128x48xf32, #tpu.memory_space<vmem>>) target(%dma_start3A_185 : memref<10240x48xf32, #tpu.memory_space<vmem_shared>>) offsets(%dma_start3A_182 : memref<128xi32, #tpu.memory_space<vmem>>) semaphore(%arg22 : memref<!tpu.dma_semaphore, #tpu.memory_space<semaphore_mem>>) {add = true}
    }
    %scan3A_61 = arith.constant 20 : i32
    %min3A_62 = arith.constant 40 : i32
    %min3A_63 = arith.constant 39 : i32
    %min3A_64 = arith.minsi %min3A_62, %min3A_63 : i32
    %dma_wait3A_65 = arith.constant 0 : i32
    %dma_wait3A_66 = tpu.memref_slice %arg8[%min3A_64, %dma_wait3A_65] : memref<40x128xi32, #tpu.memory_space<vmem>> -> memref<1x128xi32, #tpu.memory_space<vmem>>
    %dma_wait3A_67 = tpu.memref_squeeze %dma_wait3A_66 : memref<1x128xi32, #tpu.memory_space<vmem>> -> memref<128xi32, #tpu.memory_space<vmem>>
    %dma_wait3A_68 = arith.constant 0 : i32
    %dma_wait3A_69 = arith.constant 0 : i32
    %dma_wait3A_70 = tpu.memref_slice %arg2[%dma_wait3A_68, %dma_wait3A_69] : memref<10240x48xf32, #tpu.memory_space<hbm>> -> memref<10240x48xf32, #tpu.memory_space<hbm>>
    tpu.wait_indirect_dma semaphore(%arg19 : memref<!tpu.dma_semaphore, #tpu.memory_space<semaphore_mem>>) src(%dma_wait3A_70 : memref<10240x48xf32, #tpu.memory_space<hbm>>) dst(%arg10 : memref<128x48xf32, #tpu.memory_space<vmem>>)
    %dma_wait3A_71 = arith.constant 0 : i32
    %dma_wait3A_72 = tpu.memref_slice %arg9[%min3A_64, %dma_wait3A_71] : memref<40x128xi32, #tpu.memory_space<vmem>> -> memref<1x128xi32, #tpu.memory_space<vmem>>
    %dma_wait3A_73 = tpu.memref_squeeze %dma_wait3A_72 : memref<1x128xi32, #tpu.memory_space<vmem>> -> memref<128xi32, #tpu.memory_space<vmem>>
    %dma_wait3A_74 = arith.constant 0 : i32
    %dma_wait3A_75 = arith.constant 0 : i32
    %dma_wait3A_76 = tpu.memref_slice %arg3[%dma_wait3A_74, %dma_wait3A_75] : memref<10240x16xf32, #tpu.memory_space<hbm>> -> memref<10240x16xf32, #tpu.memory_space<hbm>>
    tpu.wait_indirect_dma semaphore(%arg19 : memref<!tpu.dma_semaphore, #tpu.memory_space<semaphore_mem>>) src(%dma_wait3A_76 : memref<10240x16xf32, #tpu.memory_space<hbm>>) dst(%arg12 : memref<128x16xf32, #tpu.memory_space<vmem>>)
    %dma_wait3A_77 = arith.constant 38 : i32
    %dma_wait3A_78 = arith.constant 0 : i32
    %dma_wait3A_79 = tpu.memref_slice %arg9[%dma_wait3A_77, %dma_wait3A_78] : memref<40x128xi32, #tpu.memory_space<vmem>> -> memref<1x128xi32, #tpu.memory_space<vmem>>
    %dma_wait3A_80 = tpu.memref_squeeze %dma_wait3A_79 : memref<1x128xi32, #tpu.memory_space<vmem>> -> memref<128xi32, #tpu.memory_space<vmem>>
    %dma_wait3A_81 = arith.constant 0 : i32
    %dma_wait3A_82 = arith.constant 0 : i32
    %dma_wait3A_83 = tpu.memref_slice %arg17[%dma_wait3A_81, %dma_wait3A_82] : memref<10240x48xf32, #tpu.memory_space<vmem_shared>> -> memref<10240x48xf32, #tpu.memory_space<vmem_shared>>
    tpu.wait_indirect_dma semaphore(%arg21 : memref<!tpu.dma_semaphore, #tpu.memory_space<semaphore_mem>>) src(%arg14 : memref<128x48xf32, #tpu.memory_space<vmem>>) dst(%dma_wait3A_83 : memref<10240x48xf32, #tpu.memory_space<vmem_shared>>)
    %dma_wait3A_84 = arith.constant 39 : i32
    %dma_wait3A_85 = arith.constant 0 : i32
    %dma_wait3A_86 = tpu.memref_slice %arg9[%dma_wait3A_84, %dma_wait3A_85] : memref<40x128xi32, #tpu.memory_space<vmem>> -> memref<1x128xi32, #tpu.memory_space<vmem>>
    %dma_wait3A_87 = tpu.memref_squeeze %dma_wait3A_86 : memref<1x128xi32, #tpu.memory_space<vmem>> -> memref<128xi32, #tpu.memory_space<vmem>>
    %dma_wait3A_88 = arith.constant 0 : i32
    %dma_wait3A_89 = arith.constant 0 : i32
    %dma_wait3A_90 = tpu.memref_slice %arg17[%dma_wait3A_88, %dma_wait3A_89] : memref<10240x48xf32, #tpu.memory_space<vmem_shared>> -> memref<10240x48xf32, #tpu.memory_space<vmem_shared>>
    tpu.wait_indirect_dma semaphore(%arg22 : memref<!tpu.dma_semaphore, #tpu.memory_space<semaphore_mem>>) src(%arg15 : memref<128x48xf32, #tpu.memory_space<vmem>>) dst(%dma_wait3A_90 : memref<10240x48xf32, #tpu.memory_space<vmem_shared>>)
    %barrier3A_91 = arith.constant 0 : index
    tpu.barrier barrier_id(%barrier3A_91)
    %mul3A_92 = arith.constant 10240 : i32
    %mul3A_93 = arith.muli %arg0, %mul3A_92 : i32
    %add3A_94 = arith.addi %mul3A_93, %mul3A_2 : i32
    "tpu.region"() ({
      %run_scoped3A = tpu.sem_alloc : memref<!tpu.dma_semaphore, #tpu.memory_space<semaphore_mem>>
      %dma_start3A_95 = arith.constant 0 : i32
      %dma_start3A_96 = tpu.memref_slice %arg7[%add3A_94, %dma_start3A_95] : memref<20480x48xf32, #tpu.memory_space<hbm>> -> memref<640x48xf32, #tpu.memory_space<hbm>>
      %dma_start3A_97 = arith.constant 0 : i32
      %dma_start3A_98 = tpu.memref_slice %arg17[%mul3A_2, %dma_start3A_97] : memref<10240x48xf32, #tpu.memory_space<vmem_shared>> -> memref<640x48xf32, #tpu.memory_space<vmem_shared>>
      tpu.enqueue_dma source(%dma_start3A_98 : memref<640x48xf32, #tpu.memory_space<vmem_shared>>) target(%dma_start3A_96 : memref<640x48xf32, #tpu.memory_space<hbm>>) target_semaphore(%run_scoped3A : memref<!tpu.dma_semaphore, #tpu.memory_space<semaphore_mem>>)
      %dma_wait3A_99 = arith.constant 0 : i32
      %dma_wait3A_100 = tpu.memref_slice %arg7[%add3A_94, %dma_wait3A_99] : memref<20480x48xf32, #tpu.memory_space<hbm>> -> memref<640x48xf32, #tpu.memory_space<hbm>>
      %dma_wait3A_101 = arith.constant 0 : i32
      %dma_wait3A_102 = tpu.memref_slice %arg17[%mul3A_2, %dma_wait3A_101] : memref<10240x48xf32, #tpu.memory_space<vmem_shared>> -> memref<640x48xf32, #tpu.memory_space<vmem_shared>>
      tpu.wait_dma2 semaphore(%run_scoped3A : memref<!tpu.dma_semaphore, #tpu.memory_space<semaphore_mem>>) src(%dma_wait3A_102 : memref<640x48xf32, #tpu.memory_space<vmem_shared>>) dst(%dma_wait3A_100 : memref<640x48xf32, #tpu.memory_space<hbm>>)
      tpu.yield
    }) : () -> ()
    return
  }
}

module attributes {stable_mosaic.version = 14 : i64} {
  func.func @_stage_a_body(%arg0: i32, %arg1: memref<1024x256xf32, #tpu.memory_space<vmem>>, %arg2: memref<256x80xf32, #tpu.memory_space<vmem>>, %arg3: memref<256x16xf32, #tpu.memory_space<vmem>>, %arg4: memref<1024x80xf32, #tpu.memory_space<vmem>>, %arg5: memref<1024x16xf32, #tpu.memory_space<vmem>>) attributes {dimension_semantics = [#tpu.dimension_semantics<arbitrary>], iteration_bounds = array<i64: 10>, scalar_prefetch = 0 : i64, scratch_operands = 0 : i64, tpu.core_type = #tpu.core_type<tc>, window_params = [{transform_indices = @transform_0, window_bounds = array<i64: 1024, 256>}, {pipeline_mode = #tpu.pipeline_mode<synchronous>, transform_indices = @transform_1, window_bounds = array<i64: 256, 80>}, {pipeline_mode = #tpu.pipeline_mode<synchronous>, transform_indices = @transform_2, window_bounds = array<i64: 256, 16>}, {transform_indices = @transform_3, window_bounds = array<i64: 1024, 80>}, {transform_indices = @transform_4, window_bounds = array<i64: 1024, 16>}]} {
    %get3A = arith.constant 0 : index
    %get3A_0 = arith.constant 0 : index
    %get3A_1 = vector.load %arg1[%get3A, %get3A_0] : memref<1024x256xf32, #tpu.memory_space<vmem>>, vector<1024x256xf32>
    %get3A_2 = arith.constant 0 : index
    %get3A_3 = arith.constant 0 : index
    %get3A_4 = vector.load %arg2[%get3A_2, %get3A_3] : memref<256x80xf32, #tpu.memory_space<vmem>>, vector<256x80xf32>
    %dot_general3A = arith.constant dense<0.000000e+00> : vector<1024x80xf32>
    %dot_general3A_5 = tpu.matmul %get3A_1, %get3A_4, %dot_general3A {dimension_numbers = #tpu.dot_dimension_numbers<[1], [0], [0], [1], [0, 0, 1, 1], [], []>, transpose_lhs_hint = false} : vector<1024x256xf32>, vector<256x80xf32>, vector<1024x80xf32> -> vector<1024x80xf32>
    %iota3A = tpu.iota {dimensions = array<i32: 1>} : vector<1024x80xi32>
    %ge3A = arith.constant 64 : i32
    %ge3A_6 = vector.broadcast %ge3A : i32 to vector<1024x80xi32>
    %ge3A_7 = arith.cmpi sge, %iota3A, %ge3A_6 : vector<1024x80xi32>
    %lt3A = arith.constant 72 : i32
    %lt3A_8 = vector.broadcast %lt3A : i32 to vector<1024x80xi32>
    %lt3A_9 = arith.cmpi slt, %iota3A, %lt3A_8 : vector<1024x80xi32>
    %and3A = arith.andi %ge3A_7, %lt3A_9 : vector<1024x80xi1>
    %jit3A = arith.constant 1.000000e+00 : f32
    %jit3A_10 = arith.constant 0.000000e+00 : f32
    %broadcast_in_dim3A = vector.broadcast %jit3A : f32 to vector<1024x80xf32>
    %broadcast_in_dim3A_11 = vector.broadcast %jit3A_10 : f32 to vector<1024x80xf32>
    %select_n3A = arith.select %and3A, %broadcast_in_dim3A, %broadcast_in_dim3A_11 : vector<1024x80xi1>, vector<1024x80xf32>
    %add3A = arith.addf %dot_general3A_5, %select_n3A : vector<1024x80xf32>
    %swap3A = arith.constant 0 : index
    %swap3A_12 = arith.constant 0 : index
    %swap3A_13 = vector.load %arg4[%swap3A, %swap3A_12] : memref<1024x80xf32, #tpu.memory_space<vmem>>, vector<1024x80xf32>
    tpu.vector_store %arg4[%swap3A, %swap3A_12], %add3A {strides = array<i32>} : memref<1024x80xf32, #tpu.memory_space<vmem>>, vector<1024x80xf32>,
    %get3A_14 = arith.constant 0 : index
    %get3A_15 = arith.constant 0 : index
    %get3A_16 = vector.load %arg3[%get3A_14, %get3A_15] : memref<256x16xf32, #tpu.memory_space<vmem>>, vector<256x16xf32>
    %dot_general3A_17 = arith.constant dense<0.000000e+00> : vector<1024x16xf32>
    %dot_general3A_18 = tpu.matmul %get3A_1, %get3A_16, %dot_general3A_17 {dimension_numbers = #tpu.dot_dimension_numbers<[1], [0], [0], [1], [0, 0, 1, 1], [], []>, transpose_lhs_hint = false} : vector<1024x256xf32>, vector<256x16xf32>, vector<1024x16xf32> -> vector<1024x16xf32>
    %swap3A_19 = arith.constant 0 : index
    %swap3A_20 = arith.constant 0 : index
    %swap3A_21 = vector.load %arg5[%swap3A_19, %swap3A_20] : memref<1024x16xf32, #tpu.memory_space<vmem>>, vector<1024x16xf32>
    tpu.vector_store %arg5[%swap3A_19, %swap3A_20], %dot_general3A_18 {strides = array<i32>} : memref<1024x16xf32, #tpu.memory_space<vmem>>, vector<1024x16xf32>,
    return
  }
  func.func @transform_0(%arg0: i32) -> (i32, i32) {
    %c0_i32 = arith.constant 0 : i32
    %c0_i32_0 = arith.constant 0 : i32
    return %arg0, %c0_i32 : i32, i32
  }
  func.func @transform_1(%arg0: i32) -> (i32, i32) {
    %c0_i32 = arith.constant 0 : i32
    %c0_i32_0 = arith.constant 0 : i32
    %c0_i32_1 = arith.constant 0 : i32
    return %c0_i32, %c0_i32_0 : i32, i32
  }
  func.func @transform_2(%arg0: i32) -> (i32, i32) {
    %c0_i32 = arith.constant 0 : i32
    %c0_i32_0 = arith.constant 0 : i32
    %c0_i32_1 = arith.constant 0 : i32
    return %c0_i32, %c0_i32_0 : i32, i32
  }
  func.func @transform_3(%arg0: i32) -> (i32, i32) {
    %c0_i32 = arith.constant 0 : i32
    %c0_i32_0 = arith.constant 0 : i32
    return %arg0, %c0_i32 : i32, i32
  }
  func.func @transform_4(%arg0: i32) -> (i32, i32) {
    %c0_i32 = arith.constant 0 : i32
    %c0_i32_0 = arith.constant 0 : i32
    return %arg0, %c0_i32 : i32, i32
  }
}

module attributes {stable_mosaic.version = 14 : i64} {
  func.func @_stage_c_body(%arg0: i32, %arg1: memref<1024x80xf32, #tpu.memory_space<vmem>>, %arg2: memref<1024x16xf32, #tpu.memory_space<vmem>>, %arg3: memref<1024x80xf32, #tpu.memory_space<vmem>>, %arg4: memref<1024x80xf32, #tpu.memory_space<vmem>>, %arg5: memref<1x64xf32, #tpu.memory_space<vmem>>, %arg6: memref<64x48xf32, #tpu.memory_space<vmem>>, %arg7: memref<64x16xf32, #tpu.memory_space<vmem>>, %arg8: memref<8x64xf32, #tpu.memory_space<vmem>>, %arg9: memref<1024x48xf32, #tpu.memory_space<vmem>>, %arg10: memref<1024x16xf32, #tpu.memory_space<vmem>>) attributes {dimension_semantics = [#tpu.dimension_semantics<arbitrary>], iteration_bounds = array<i64: 10>, scalar_prefetch = 0 : i64, scratch_operands = 0 : i64, tpu.core_type = #tpu.core_type<tc>, window_params = [{transform_indices = @transform_0, window_bounds = array<i64: 1024, 80>}, {transform_indices = @transform_1, window_bounds = array<i64: 1024, 16>}, {transform_indices = @transform_2, window_bounds = array<i64: 1024, 80>}, {transform_indices = @transform_3, window_bounds = array<i64: 1024, 80>}, {pipeline_mode = #tpu.pipeline_mode<synchronous>, transform_indices = @transform_4, window_bounds = array<i64: 1, 64>}, {pipeline_mode = #tpu.pipeline_mode<synchronous>, transform_indices = @transform_5, window_bounds = array<i64: 64, 48>}, {pipeline_mode = #tpu.pipeline_mode<synchronous>, transform_indices = @transform_6, window_bounds = array<i64: 64, 16>}, {pipeline_mode = #tpu.pipeline_mode<synchronous>, transform_indices = @transform_7, window_bounds = array<i64: 8, 64>}, {transform_indices = @transform_8, window_bounds = array<i64: 1024, 48>}, {transform_indices = @transform_9, window_bounds = array<i64: 1024, 16>}]} {
    %get3A = arith.constant 0 : index
    %get3A_0 = arith.constant 0 : index
    %get3A_1 = vector.load %arg1[%get3A, %get3A_0] : memref<1024x80xf32, #tpu.memory_space<vmem>>, vector<1024x80xf32>
    %slice3A = vector.extract_strided_slice %get3A_1 {offsets = [0, 0], sizes = [1024, 64], strides = [1, 1]} : vector<1024x80xf32> to vector<1024x64xf32>
    %slice3A_2 = vector.extract_strided_slice %get3A_1 {offsets = [0, 72], sizes = [1024, 8], strides = [1, 1]} : vector<1024x80xf32> to vector<1024x8xf32>
    %get3A_3 = arith.constant 0 : index
    %get3A_4 = arith.constant 0 : index
    %get3A_5 = vector.load %arg2[%get3A_3, %get3A_4] : memref<1024x16xf32, #tpu.memory_space<vmem>>, vector<1024x16xf32>
    %slice3A_6 = vector.extract_strided_slice %get3A_5 {offsets = [0, 8], sizes = [1024, 8], strides = [1, 1]} : vector<1024x16xf32> to vector<1024x8xf32>
    %add3A = arith.addf %slice3A_2, %slice3A_6 : vector<1024x8xf32>
    %mul3A = arith.constant 2.000000e-01 : f32
    %mul3A_7 = vector.broadcast %mul3A : f32 to vector<1024x8xf32>
    %mul3A_8 = arith.mulf %mul3A_7, %add3A : vector<1024x8xf32>
    %max3A = arith.maximumf %add3A, %mul3A_8 : vector<1024x8xf32>
    %exp3A = math.exp %max3A : vector<1024x8xf32>
    %get3A_9 = arith.constant 0 : index
    %get3A_10 = arith.constant 0 : index
    %get3A_11 = vector.load %arg8[%get3A_9, %get3A_10] : memref<8x64xf32, #tpu.memory_space<vmem>>, vector<8x64xf32>
    %dot_general3A = arith.constant dense<0.000000e+00> : vector<1024x64xf32>
    %dot_general3A_12 = tpu.matmul %exp3A, %get3A_11, %dot_general3A {dimension_numbers = #tpu.dot_dimension_numbers<[1], [0], [0], [1], [0, 0, 1, 1], [], []>, transpose_lhs_hint = false} : vector<1024x8xf32>, vector<8x64xf32>, vector<1024x64xf32> -> vector<1024x64xf32>
    %get3A_13 = arith.constant 0 : index
    %get3A_14 = arith.constant 0 : index
    %get3A_15 = vector.load %arg3[%get3A_13, %get3A_14] : memref<1024x80xf32, #tpu.memory_space<vmem>>, vector<1024x80xf32>
    %get3A_16 = arith.constant 0 : index
    %get3A_17 = arith.constant 0 : index
    %get3A_18 = vector.load %arg4[%get3A_16, %get3A_17] : memref<1024x80xf32, #tpu.memory_space<vmem>>, vector<1024x80xf32>
    %slice3A_19 = vector.extract_strided_slice %get3A_15 {offsets = [0, 0], sizes = [1024, 64], strides = [1, 1]} : vector<1024x80xf32> to vector<1024x64xf32>
    %slice3A_20 = vector.extract_strided_slice %get3A_18 {offsets = [0, 0], sizes = [1024, 64], strides = [1, 1]} : vector<1024x80xf32> to vector<1024x64xf32>
    %add3A_21 = arith.addf %slice3A_19, %slice3A_20 : vector<1024x64xf32>
    %mul3A_22 = arith.mulf %dot_general3A_12, %slice3A : vector<1024x64xf32>
    %add3A_23 = arith.addf %add3A_21, %mul3A_22 : vector<1024x64xf32>
    %slice3A_24 = vector.extract_strided_slice %get3A_15 {offsets = [0, 64], sizes = [1024, 8], strides = [1, 1]} : vector<1024x80xf32> to vector<1024x8xf32>
    %slice3A_25 = vector.extract_strided_slice %get3A_18 {offsets = [0, 64], sizes = [1024, 8], strides = [1, 1]} : vector<1024x80xf32> to vector<1024x8xf32>
    %add3A_26 = arith.addf %slice3A_24, %slice3A_25 : vector<1024x8xf32>
    %add3A_27 = arith.addf %add3A_26, %exp3A : vector<1024x8xf32>
    %dot_general3A_28 = arith.constant dense<0.000000e+00> : vector<1024x64xf32>
    %dot_general3A_29 = tpu.matmul %add3A_27, %get3A_11, %dot_general3A_28 {dimension_numbers = #tpu.dot_dimension_numbers<[1], [0], [0], [1], [0, 0, 1, 1], [], []>, transpose_lhs_hint = false} : vector<1024x8xf32>, vector<8x64xf32>, vector<1024x64xf32> -> vector<1024x64xf32>
    %add3A_30 = arith.constant 1.000000e-16 : f32
    %add3A_31 = vector.broadcast %add3A_30 : f32 to vector<1024x64xf32>
    %add3A_32 = arith.addf %dot_general3A_29, %add3A_31 : vector<1024x64xf32>
    %div3A = arith.divf %add3A_23, %add3A_32 : vector<1024x64xf32>
    %get3A_33 = arith.constant 0 : index
    %get3A_34 = arith.constant 0 : index
    %get3A_35 = vector.load %arg5[%get3A_33, %get3A_34] : memref<1x64xf32, #tpu.memory_space<vmem>>, vector<1x64xf32>
    %add3A_36 = vector.broadcast %get3A_35 : vector<1x64xf32> to vector<1024x64xf32>
    %add3A_37 = arith.addf %div3A, %add3A_36 : vector<1024x64xf32>
    %gt3A = arith.constant 0.000000e+00 : f32
    %gt3A_38 = vector.broadcast %gt3A : f32 to vector<1024x64xf32>
    %gt3A_39 = arith.cmpf ogt, %add3A_37, %gt3A_38 : vector<1024x64xf32>
    %min3A = arith.constant 0.000000e+00 : f32
    %min3A_40 = vector.broadcast %min3A : f32 to vector<1024x64xf32>
    %min3A_41 = arith.minimumf %add3A_37, %min3A_40 : vector<1024x64xf32>
    %exp3A_42 = math.exp %min3A_41 : vector<1024x64xf32>
    %sub3A = arith.constant 1.000000e+00 : f32
    %sub3A_43 = vector.broadcast %sub3A : f32 to vector<1024x64xf32>
    %sub3A_44 = arith.subf %exp3A_42, %sub3A_43 : vector<1024x64xf32>
    %select_n3A = arith.select %gt3A_39, %add3A_37, %sub3A_44 : vector<1024x64xi1>, vector<1024x64xf32>
    %get3A_45 = arith.constant 0 : index
    %get3A_46 = arith.constant 0 : index
    %get3A_47 = vector.load %arg6[%get3A_45, %get3A_46] : memref<64x48xf32, #tpu.memory_space<vmem>>, vector<64x48xf32>
    %dot_general3A_48 = arith.constant dense<0.000000e+00> : vector<1024x48xf32>
    %dot_general3A_49 = tpu.matmul %select_n3A, %get3A_47, %dot_general3A_48 {dimension_numbers = #tpu.dot_dimension_numbers<[1], [0], [0], [1], [0, 0, 1, 1], [], []>, transpose_lhs_hint = false} : vector<1024x64xf32>, vector<64x48xf32>, vector<1024x48xf32> -> vector<1024x48xf32>
    %iota3A = tpu.iota {dimensions = array<i32: 1>} : vector<1024x48xi32>
    %eq3A = arith.constant 40 : i32
    %eq3A_50 = vector.broadcast %eq3A : i32 to vector<1024x48xi32>
    %eq3A_51 = arith.cmpi eq, %iota3A, %eq3A_50 : vector<1024x48xi32>
    %jit3A = arith.constant 1.000000e+00 : f32
    %jit3A_52 = arith.constant 0.000000e+00 : f32
    %broadcast_in_dim3A = vector.broadcast %jit3A : f32 to vector<1024x48xf32>
    %broadcast_in_dim3A_53 = vector.broadcast %jit3A_52 : f32 to vector<1024x48xf32>
    %select_n3A_54 = arith.select %eq3A_51, %broadcast_in_dim3A, %broadcast_in_dim3A_53 : vector<1024x48xi1>, vector<1024x48xf32>
    %add3A_55 = arith.addf %dot_general3A_49, %select_n3A_54 : vector<1024x48xf32>
    %swap3A = arith.constant 0 : index
    %swap3A_56 = arith.constant 0 : index
    %swap3A_57 = vector.load %arg9[%swap3A, %swap3A_56] : memref<1024x48xf32, #tpu.memory_space<vmem>>, vector<1024x48xf32>
    tpu.vector_store %arg9[%swap3A, %swap3A_56], %add3A_55 {strides = array<i32>} : memref<1024x48xf32, #tpu.memory_space<vmem>>, vector<1024x48xf32>,
    %get3A_58 = arith.constant 0 : index
    %get3A_59 = arith.constant 0 : index
    %get3A_60 = vector.load %arg7[%get3A_58, %get3A_59] : memref<64x16xf32, #tpu.memory_space<vmem>>, vector<64x16xf32>
    %dot_general3A_61 = arith.constant dense<0.000000e+00> : vector<1024x16xf32>
    %dot_general3A_62 = tpu.matmul %select_n3A, %get3A_60, %dot_general3A_61 {dimension_numbers = #tpu.dot_dimension_numbers<[1], [0], [0], [1], [0, 0, 1, 1], [], []>, transpose_lhs_hint = false} : vector<1024x64xf32>, vector<64x16xf32>, vector<1024x16xf32> -> vector<1024x16xf32>
    %swap3A_63 = arith.constant 0 : index
    %swap3A_64 = arith.constant 0 : index
    %swap3A_65 = vector.load %arg10[%swap3A_63, %swap3A_64] : memref<1024x16xf32, #tpu.memory_space<vmem>>, vector<1024x16xf32>
    tpu.vector_store %arg10[%swap3A_63, %swap3A_64], %dot_general3A_62 {strides = array<i32>} : memref<1024x16xf32, #tpu.memory_space<vmem>>, vector<1024x16xf32>,
    return
  }
  func.func @transform_0(%arg0: i32) -> (i32, i32) {
    %c0_i32 = arith.constant 0 : i32
    %c0_i32_0 = arith.constant 0 : i32
    return %arg0, %c0_i32 : i32, i32
  }
  func.func @transform_1(%arg0: i32) -> (i32, i32) {
    %c0_i32 = arith.constant 0 : i32
    %c0_i32_0 = arith.constant 0 : i32
    return %arg0, %c0_i32 : i32, i32
  }
  func.func @transform_2(%arg0: i32) -> (i32, i32) {
    %c0_i32 = arith.constant 0 : i32
    %c0_i32_0 = arith.constant 0 : i32
    return %arg0, %c0_i32 : i32, i32
  }
  func.func @transform_3(%arg0: i32) -> (i32, i32) {
    %add3A = arith.constant 10 : i32
    %add3A_0 = arith.addi %arg0, %add3A : i32
    %c0_i32 = arith.constant 0 : i32
    %c0_i32_1 = arith.constant 0 : i32
    return %add3A_0, %c0_i32 : i32, i32
  }
  func.func @transform_4(%arg0: i32) -> (i32, i32) {
    %c0_i32 = arith.constant 0 : i32
    %c0_i32_0 = arith.constant 0 : i32
    %c0_i32_1 = arith.constant 0 : i32
    return %c0_i32, %c0_i32_0 : i32, i32
  }
  func.func @transform_5(%arg0: i32) -> (i32, i32) {
    %c0_i32 = arith.constant 0 : i32
    %c0_i32_0 = arith.constant 0 : i32
    %c0_i32_1 = arith.constant 0 : i32
    return %c0_i32, %c0_i32_0 : i32, i32
  }
  func.func @transform_6(%arg0: i32) -> (i32, i32) {
    %c0_i32 = arith.constant 0 : i32
    %c0_i32_0 = arith.constant 0 : i32
    %c0_i32_1 = arith.constant 0 : i32
    return %c0_i32, %c0_i32_0 : i32, i32
  }
  func.func @transform_7(%arg0: i32) -> (i32, i32) {
    %c0_i32 = arith.constant 0 : i32
    %c0_i32_0 = arith.constant 0 : i32
    %c0_i32_1 = arith.constant 0 : i32
    return %c0_i32, %c0_i32_0 : i32, i32
  }
  func.func @transform_8(%arg0: i32) -> (i32, i32) {
    %c0_i32 = arith.constant 0 : i32
    %c0_i32_0 = arith.constant 0 : i32
    return %arg0, %c0_i32 : i32, i32
  }
  func.func @transform_9(%arg0: i32) -> (i32, i32) {
    %c0_i32 = arith.constant 0 : i32
    %c0_i32_0 = arith.constant 0 : i32
    return %arg0, %c0_i32 : i32, i32
  }
}

module attributes {stable_mosaic.version = 14 : i64} {
  func.func @_stage_e_body(%arg0: i32, %arg1: memref<1024x48xf32, #tpu.memory_space<vmem>>, %arg2: memref<1024x16xf32, #tpu.memory_space<vmem>>, %arg3: memref<1024x48xf32, #tpu.memory_space<vmem>>, %arg4: memref<1024x48xf32, #tpu.memory_space<vmem>>, %arg5: memref<1x40xf32, #tpu.memory_space<vmem>>, %arg6: memref<1024x40xf32, #tpu.memory_space<vmem>>) attributes {dimension_semantics = [#tpu.dimension_semantics<arbitrary>], iteration_bounds = array<i64: 10>, scalar_prefetch = 0 : i64, scratch_operands = 0 : i64, tpu.core_type = #tpu.core_type<tc>, window_params = [{transform_indices = @transform_0, window_bounds = array<i64: 1024, 48>}, {transform_indices = @transform_1, window_bounds = array<i64: 1024, 16>}, {transform_indices = @transform_2, window_bounds = array<i64: 1024, 48>}, {transform_indices = @transform_3, window_bounds = array<i64: 1024, 48>}, {pipeline_mode = #tpu.pipeline_mode<synchronous>, transform_indices = @transform_4, window_bounds = array<i64: 1, 40>}, {transform_indices = @transform_5, window_bounds = array<i64: 1024, 40>}]} {
    %get3A = arith.constant 0 : index
    %get3A_0 = arith.constant 0 : index
    %get3A_1 = vector.load %arg1[%get3A, %get3A_0] : memref<1024x48xf32, #tpu.memory_space<vmem>>, vector<1024x48xf32>
    %slice3A = vector.extract_strided_slice %get3A_1 {offsets = [0, 0], sizes = [1024, 40], strides = [1, 1]} : vector<1024x48xf32> to vector<1024x40xf32>
    %slice3A_2 = vector.extract_strided_slice %get3A_1 {offsets = [0, 41], sizes = [1024, 1], strides = [1, 1]} : vector<1024x48xf32> to vector<1024x1xf32>
    %get3A_3 = arith.constant 0 : index
    %get3A_4 = arith.constant 0 : index
    %get3A_5 = vector.load %arg2[%get3A_3, %get3A_4] : memref<1024x16xf32, #tpu.memory_space<vmem>>, vector<1024x16xf32>
    %slice3A_6 = vector.extract_strided_slice %get3A_5 {offsets = [0, 9], sizes = [1024, 1], strides = [1, 1]} : vector<1024x16xf32> to vector<1024x1xf32>
    %add3A = arith.addf %slice3A_2, %slice3A_6 : vector<1024x1xf32>
    %mul3A = arith.constant 2.000000e-01 : f32
    %mul3A_7 = vector.broadcast %mul3A : f32 to vector<1024x1xf32>
    %mul3A_8 = arith.mulf %mul3A_7, %add3A : vector<1024x1xf32>
    %max3A = arith.maximumf %add3A, %mul3A_8 : vector<1024x1xf32>
    %exp3A = math.exp %max3A : vector<1024x1xf32>
    %get3A_9 = arith.constant 0 : index
    %get3A_10 = arith.constant 0 : index
    %get3A_11 = vector.load %arg3[%get3A_9, %get3A_10] : memref<1024x48xf32, #tpu.memory_space<vmem>>, vector<1024x48xf32>
    %get3A_12 = arith.constant 0 : index
    %get3A_13 = arith.constant 0 : index
    %get3A_14 = vector.load %arg4[%get3A_12, %get3A_13] : memref<1024x48xf32, #tpu.memory_space<vmem>>, vector<1024x48xf32>
    %slice3A_15 = vector.extract_strided_slice %get3A_11 {offsets = [0, 0], sizes = [1024, 40], strides = [1, 1]} : vector<1024x48xf32> to vector<1024x40xf32>
    %slice3A_16 = vector.extract_strided_slice %get3A_14 {offsets = [0, 0], sizes = [1024, 40], strides = [1, 1]} : vector<1024x48xf32> to vector<1024x40xf32>
    %add3A_17 = arith.addf %slice3A_15, %slice3A_16 : vector<1024x40xf32>
    %mul3A_18 = vector.broadcast %exp3A : vector<1024x1xf32> to vector<1024x40xf32>
    %mul3A_19 = arith.mulf %mul3A_18, %slice3A : vector<1024x40xf32>
    %add3A_20 = arith.addf %add3A_17, %mul3A_19 : vector<1024x40xf32>
    %slice3A_21 = vector.extract_strided_slice %get3A_11 {offsets = [0, 40], sizes = [1024, 1], strides = [1, 1]} : vector<1024x48xf32> to vector<1024x1xf32>
    %slice3A_22 = vector.extract_strided_slice %get3A_14 {offsets = [0, 40], sizes = [1024, 1], strides = [1, 1]} : vector<1024x48xf32> to vector<1024x1xf32>
    %add3A_23 = arith.addf %slice3A_21, %slice3A_22 : vector<1024x1xf32>
    %add3A_24 = arith.addf %add3A_23, %exp3A : vector<1024x1xf32>
    %add3A_25 = arith.constant 1.000000e-16 : f32
    %add3A_26 = vector.broadcast %add3A_25 : f32 to vector<1024x1xf32>
    %add3A_27 = arith.addf %add3A_24, %add3A_26 : vector<1024x1xf32>
    %div3A = vector.broadcast %add3A_27 : vector<1024x1xf32> to vector<1024x40xf32>
    %div3A_28 = arith.divf %add3A_20, %div3A : vector<1024x40xf32>
    %get3A_29 = arith.constant 0 : index
    %get3A_30 = arith.constant 0 : index
    %get3A_31 = vector.load %arg5[%get3A_29, %get3A_30] : memref<1x40xf32, #tpu.memory_space<vmem>>, vector<1x40xf32>
    %add3A_32 = vector.broadcast %get3A_31 : vector<1x40xf32> to vector<1024x40xf32>
    %add3A_33 = arith.addf %div3A_28, %add3A_32 : vector<1024x40xf32>
    %reduce_max3A = arith.constant dense<0xFF800000> : vector<1024xf32>
    %reduce_max3A_34 = vector.multi_reduction <maximumf>, %add3A_33, %reduce_max3A [1] : vector<1024x40xf32> to vector<1024xf32>
    %broadcast_in_dim3A = vector.shape_cast %reduce_max3A_34 : vector<1024xf32> to vector<1024x1xf32>
    %sub3A = vector.broadcast %broadcast_in_dim3A : vector<1024x1xf32> to vector<1024x40xf32>
    %sub3A_35 = arith.subf %add3A_33, %sub3A : vector<1024x40xf32>
    %exp3A_36 = math.exp %sub3A_35 : vector<1024x40xf32>
    %reduce_sum3A = arith.constant dense<0.000000e+00> : vector<1024xf32>
    %reduce_sum3A_37 = vector.multi_reduction <add>, %exp3A_36, %reduce_sum3A [1] : vector<1024x40xf32> to vector<1024xf32>
    %broadcast_in_dim3A_38 = vector.shape_cast %reduce_sum3A_37 : vector<1024xf32> to vector<1024x1xf32>
    %log3A = math.log %broadcast_in_dim3A_38 : vector<1024x1xf32>
    %sub3A_39 = vector.broadcast %broadcast_in_dim3A : vector<1024x1xf32> to vector<1024x40xf32>
    %sub3A_40 = arith.subf %add3A_33, %sub3A_39 : vector<1024x40xf32>
    %sub3A_41 = vector.broadcast %log3A : vector<1024x1xf32> to vector<1024x40xf32>
    %sub3A_42 = arith.subf %sub3A_40, %sub3A_41 : vector<1024x40xf32>
    %swap3A = arith.constant 0 : index
    %swap3A_43 = arith.constant 0 : index
    %swap3A_44 = vector.load %arg6[%swap3A, %swap3A_43] : memref<1024x40xf32, #tpu.memory_space<vmem>>, vector<1024x40xf32>
    tpu.vector_store %arg6[%swap3A, %swap3A_43], %sub3A_42 {strides = array<i32>} : memref<1024x40xf32, #tpu.memory_space<vmem>>, vector<1024x40xf32>,
    return
  }
  func.func @transform_0(%arg0: i32) -> (i32, i32) {
    %c0_i32 = arith.constant 0 : i32
    %c0_i32_0 = arith.constant 0 : i32
    return %arg0, %c0_i32 : i32, i32
  }
  func.func @transform_1(%arg0: i32) -> (i32, i32) {
    %c0_i32 = arith.constant 0 : i32
    %c0_i32_0 = arith.constant 0 : i32
    return %arg0, %c0_i32 : i32, i32
  }
  func.func @transform_2(%arg0: i32) -> (i32, i32) {
    %c0_i32 = arith.constant 0 : i32
    %c0_i32_0 = arith.constant 0 : i32
    return %arg0, %c0_i32 : i32, i32
  }
  func.func @transform_3(%arg0: i32) -> (i32, i32) {
    %add3A = arith.constant 10 : i32
    %add3A_0 = arith.addi %arg0, %add3A : i32
    %c0_i32 = arith.constant 0 : i32
    %c0_i32_1 = arith.constant 0 : i32
    return %add3A_0, %c0_i32 : i32, i32
  }
  func.func @transform_4(%arg0: i32) -> (i32, i32) {
    %c0_i32 = arith.constant 0 : i32
    %c0_i32_0 = arith.constant 0 : i32
    %c0_i32_1 = arith.constant 0 : i32
    return %c0_i32, %c0_i32_0 : i32, i32
  }
  func.func @transform_5(%arg0: i32) -> (i32, i32) {
    %c0_i32 = arith.constant 0 : i32
    %c0_i32_0 = arith.constant 0 : i32
    return %arg0, %c0_i32 : i32, i32
  }
}

</mosaic_0001>

<sc_bundles>
// kernel: kernel.10.cloned.1.call-start
scs
__scs_entry_jumppad:
0x0: {  	(pc) =	sbr.rel $0x88, $3  }
0x1: {  	(tag) =	ssettag $0x0;
	lr =	simm.s32 $0x1  }
0x2: {  	[smem:$0x3F97] =	sst lr;
	_ =	strace $0xD0000000  }
0x3: {  	_ = 	snop  }
0x4: {  	_ = 	snop  }
0x5: {  	_ = 	snop  }
0x6: {  	_ = 	snop  }
0x7: {  	_ = 	snop  }
__scs_overlays_trampoline_lowered:
0x8: {  	[smem:$0x3FA6] =	sst s0  }
0x9: {  	[smem:$0x3FA7] =	sst s1  }
0xa: {  	[smem:$0x3FA8] =	sst s2  }
0xb: {  	[smem:$0x3FA9] =	sst s3  }
0xc: {  	[smem:$0x3FAA] =	sst s4  }
0xd: {  	[smem:$0x3FAB] =	sst s5  }
0xe: {  	[smem:$0x3FAC] =	sst s6  }
0xf: {  	[smem:$0x3FAD] =	sst s7  }
0x10: {  	[smem:$0x3FAE] =	sst s8  }
0x11: {  	[smem:$0x3FAF] =	sst s9;
	s0 =	simm.s32 @!p0 $0x0  }
0x12: {  	s1 =	sld [smem:$0x3F95];
	s0 =	simm.s32 @p0 $0x1  }
0x13: {  	[smem:$0x3FB0] =	sst s0;
	s0 =	simm.s32 @!p1 $0x0  }
0x14: {  	s2 =	sld [smem:$0x3F94];
	s0 =	simm.s32 @p1 $0x1  }
0x15: {  	[smem:$0x3FB1] =	sst s0;
	s0 =	simm.s32 @!p2 $0x0  }
0x16: {  	s3 =	sld [smem:$0x3FDB];
	s0 =	simm.s32 @p2 $0x1  }
0x17: {  	s4 =	simm.s32 $0x1BF5;
	[smem:$0x3FB3] =	sst s0  }
0x18: {  	s0 =	sld [smem:$0x3F96];
	_ =	swait.ge [sflag:s4], $0x0  }
0x19: {  	s7 =	sld [smem:$0x3F97]  }
0x1a: {  	s8 =	sadd.s32 $0xFFFFE003, lr  }
0x1b: {  	s9 =	sadd.s32 $0xFFFFFEF7, lr;
	s5 =	simm.s32 $0xFFFFFFFF;
	p2 =	slt.u32 s8, $0xFFFFF086  }
0x1c: {  	p1 =	slt.u32 s9, $0xF7A;
	s5 =	simm.s32 @!p2 $0x0  }
0x1d: {  	s5 =	simm.s32 @p1 $0x1;
	p0 =	seq.s32 s7, s2  }
0x1e: {  	s7 =	smul.u32 @!p0 $0xF7A, s2;
	p2 =	seq.s32 @!p0 s5, $0x0  }
0x1f: {  	s9 =	smul.u32 $0xF7A, s1;
	s8 =	simm.s32 @!p0 $0x1BF5;
	p2 =	por !p2, p0  }
0x20: {  	[sflag:s8] =	ssyncset.s32 @!p0 $0xFFFFF086;
	s6 =	sadd.s32 @!p0 s3, s7;
	s7 =	simm.s32 @!p0 $0x108  }
0x21: {  	s3 =	sadd.s32 s3, s9;
	s6 =	sadd.s32 @!p0 $0x88, s6;
	s7 =	simm.s32 @p2 $0x1082  }
0x22: {  	[simem:s7], [sflag:s8] =	dma.local @!p0 [hbm:s6], $0xF7A  }
0x23: {  	s9 =	sor.u32 $0xD0000000, s2;
	s6 =	simm.s32 $0x108;
	_ =	swait.ge @!p0 [sflag:s8], $0x0  }
0x24: {  	s3 =	sadd.s32 $0x88, s3;
	s6 =	simm.s32 @!p1 $0x1082;
	[sflag:s4] =	ssyncset.s32 $0xFFFFF086  }
0x25: {  	[simem:s6], [sflag:s4] =	dma.local [hbm:s3], $0xF7A  }
0x26: {  	[smem:$0x3F97] =	sst s1;
	(tag) =	ssettag s2;
	_ =	strace s9  }
0x27: {  	s1 =	sld [smem:$0x3FA7]  }
0x28: {  	s2 =	sld [smem:$0x3FA8]  }
0x29: {  	s4 =	sld [smem:$0x3FAA]  }
0x2a: {  	p0 =	seq.s32 s5, $0x0;
	s5 =	sld [smem:$0x3FAB]  }
0x2b: {  	s6 =	sld [smem:$0x3FAC]  }
0x2c: {  	s7 =	sld [smem:$0x3FAD]  }
0x2d: {  	s3 =	simm.s32 $0x108;
	s8 =	sld [smem:$0x3FAE]  }
0x2e: {  	s3 =	simm.s32 @!p0 $0x1082;
	s9 =	sld [smem:$0x3FAF]  }
0x2f: {  	lr =	sadd.s32 s0, s3;
	s0 =	sld [smem:$0x3FA6]  }
0x30: {  	s3 =	sld [smem:$0x3FA9]  }
0x31: {  	[smem:$0x3FB2] =	sst s10  }
0x32: {  	s10 =	sld [smem:$0x3FB0];
	_ =	sdelay $0x3  }
0x33: {  	p0 =	seq.s32 s10, $0x1;
	s10 =	sld [smem:$0x3FB2];
	_ =	sdelay $0x3  }
0x34: {  	[smem:$0x3FB2] =	sst s10  }
0x35: {  	s10 =	sld [smem:$0x3FB1];
	_ =	sdelay $0x3  }
0x36: {  	p1 =	seq.s32 s10, $0x1;
	s10 =	sld [smem:$0x3FB2];
	_ =	sdelay $0x3  }
0x37: {  	[smem:$0x3FB2] =	sst s10  }
0x38: {  	s10 =	sld [smem:$0x3FB3]  }
0x39: {  	_ = 	snop;
	(pc) =	sbr.ind lr, $3  }
0x3a: {  	_ = 	snop  }
0x3b: {  	_ = 	snop  }
0x3c: {  	p2 =	seq.s32 s10, $0x1;
	s10 =	sld [smem:$0x3FB2]  }
0x3d: {  	_ =	shalt  }
0x3e: {  	_ =	shalt  }
0x3f: {  	_ =	shalt  }
0x40: {  	_ =	shalt  }
0x41: {  	_ =	shalt  }
0x42: {  	_ =	shalt  }
0x43: {  	_ =	shalt  }
0x44: {  	_ =	shalt  }
0x45: {  	_ =	shalt  }
0x46: {  	_ =	shalt  }
0x47: {  	_ =	shalt  }
0x48: {  	_ =	shalt  }
0x49: {  	_ =	shalt  }
0x4a: {  	_ =	shalt  }
0x4b: {  	_ =	shalt  }
0x4c: {  	_ =	shalt  }
0x4d: {  	_ =	shalt  }
0x4e: {  	_ =	shalt  }
0x4f: {  	_ =	shalt  }
0x50: {  	_ =	shalt  }
0x51: {  	_ =	shalt  }
0x52: {  	_ =	shalt  }
0x53: {  	_ =	shalt  }
0x54: {  	_ =	shalt  }
0x55: {  	_ =	shalt  }
0x56: {  	_ =	shalt  }
0x57: {  	_ =	shalt  }
0x58: {  	_ =	shalt  }
0x59: {  	_ =	shalt  }
0x5a: {  	_ =	shalt  }
0x5b: {  	_ =	shalt  }
0x5c: {  	_ =	shalt  }
0x5d: {  	_ =	shalt  }
0x5e: {  	_ =	shalt  }
0x5f: {  	_ =	shalt  }
0x60: {  	_ =	shalt  }
0x61: {  	_ =	shalt  }
0x62: {  	_ =	shalt  }
0x63: {  	_ =	shalt  }
0x64: {  	_ =	shalt  }
0x65: {  	_ =	shalt  }
0x66: {  	_ =	shalt  }
0x67: {  	_ =	shalt  }
0x68: {  	_ =	shalt  }
0x69: {  	_ =	shalt  }
0x6a: {  	_ =	shalt  }
0x6b: {  	_ =	shalt  }
0x6c: {  	_ =	shalt  }
0x6d: {  	_ =	shalt  }
0x6e: {  	_ =	shalt  }
0x6f: {  	_ =	shalt  }
0x70: {  	_ =	shalt  }
0x71: {  	_ =	shalt  }
0x72: {  	_ =	shalt  }
0x73: {  	_ =	shalt  }
0x74: {  	_ =	shalt  }
0x75: {  	_ =	shalt  }
0x76: {  	_ =	shalt  }
0x77: {  	_ =	shalt  }
0x78: {  	_ =	shalt  }
0x79: {  	_ =	shalt  }
0x7a: {  	_ =	shalt  }
0x7b: {  	_ =	shalt  }
0x7c: {  	_ =	shalt  }
0x7d: {  	_ =	shalt  }
0x7e: {  	_ =	shalt  }
0x7f: {  	_ =	shalt  }
0x80: {  	_ =	shalt  }
0x81: {  	_ =	shalt  }
0x82: {  	_ =	shalt  }
0x83: {  	_ =	shalt  }
0x84: {  	_ =	shalt  }
0x85: {  	_ =	shalt  }
0x86: {  	_ =	shalt  }
0x87: {  	_ =	shalt  }
.Lfunc_end0:
.L_simem_size_0:
called_computation.1_lowered:
.L_overlay_start_0:
0x88: {  	s2 =	sld [smem:$0x3FD9]  }
0x89: {  	s3 =	sld [smem:$0x3FFE];
	_ =	sdelay $0x1  }
0x8a: {  	s1 =	srdreg.scid  }
0x8b: {  	s0 =	sand.u32 $0x1, s1  }
0x8c: {  	s17 =	sshll.u32 s0, $0xA;
	s2 =	sadd.s32 s3, s2  }
0x8d: {  	s2 =	sadd.s32 s2, s17  }
0x8e: {  	[smem:$0x3FBE] =	sst s2  }
0x8f: {  	_ = 	snop  }
0x90: {  	s2 =	sld [smem:$0x3FD0];
	(tm) =	ssettm $0x1  }
0x91: {  	s18 =	sld [smem:$0x3FFB];
	_ =	sdelay $0x3  }
0x92: {  	_ =	strace s18  }
0x93: {  	s3 =	sld [smem:$0x3FFC];
	_ =	sdelay $0x3  }
0x94: {  	_ =	strace s3  }
0x95: {  	s3 =	sld [smem:$0x3FFD];
	_ =	sdelay $0x3  }
0x96: {  	_ =	strace s3  }
0x97: {  	_ =	strace $0x8FFFFFFF  }
0x98: {  	s19 =	sld [smem:$0x3FDB];
	_ =	sdelay $0x1  }
0x99: {  	s4 =	simm.s32 $_scs_section_size  }
0x9a: {  	s5 =	simm.s32 $_size__tile_overlayer_lowered;
	s6 =	simm.s32 $_tile_overlayer_lowered  }
0x9b: {  	s22 =	simm.s32 $0x1BFF;
	s21 =	sshll.u32 s6, $0x1;
	s3 =	sadd.s32 s4, s19  }
0x9c: {  	s7 =	simm.s32 $0x0;
	s20 =	sshll.u32 s5, $0x1;
	s5 =	sadd.s32 s21, s3  }
0x9d: {  	[timem:s7], [sflag:s22] =	dma.local [hbm:s5], s20  }
0x9e: {  	_ =	swait.ge [sflag:s22], s20  }
0x9f: {  	s4 =	ssub.s32 $0x0, s20;
	[sflag:s22] =	ssyncset.done $0x0  }
0xa0: {  	[sflag:s22] =	ssyncadd.s32 s4;
	_ =	sdelay $0x1  }
0xa1: {  	s23 =	simm.s32 $0x1B8B  }
0xa2: {  	_ =	swait.ge [sflag:s23], $0x1  }
0xa3: {  	[sflag:s23] =	ssyncset.done $0x0  }
0xa4: {  	s25 =	simm.s32 $0x1B8E;
	s24 =	sld [smem:$0x3FFE];
	[sflag:s23] =	ssyncadd.s32 $0xFFFFFFFF  }
0xa5: {  	s26 =	simm.s32 $execute0_lowered;
	[smem:$0x3FD2] =	sst s25  }
0xa6: {  	s5 =	sshll.u32 s26, $0x1;
	_ =	strace $0x80000049;
	[dreg:$0x1] =	wrdreg $0xFFFFFFFF  }
0xa7: {  	s28 =	simm.s32 $_size_execute0_lowered;
	s3 =	sadd.s32 s3, s5;
	[dreg:$0x0] =	wrdreg $0x0  }
0xa8: {  	s5 =	sshll.u32 s28, $0x1;
	[dreg:$0x2] =	wrdreg s3  }
0xa9: {  	[dreg:$0x3] =	wrdreg s5  }
0xaa: {  	[dreg:$0x4] =	wrdreg $0xC0  }
0xab: {  	_ =	task [dreg:s7], $0x5FFFF  }
0xac: {  	[dreg:$0x1] =	wrdreg $0xFFFFFFFF  }
0xad: {  	[dreg:$0x0] =	wrdreg $0x60  }
0xae: {  	[dreg:$0x2] =	wrdreg s24  }
0xaf: {  	[dreg:$0x3] =	wrdreg s2  }
0xb0: {  	[dreg:$0x4] =	wrdreg $0xB0000  }
0xb1: {  	[dreg:$0x5] =	wrdreg $0x9  }
0xb2: {  	_ =	task.clear_ibuf [dreg:s7], $0x6FFFF;
	_ =	strace $0x90000049  }
0xb3: {  	s29 =	simm.s32 $0x9;
	_ =	strace $0x8000004B  }
0xb4: {  	_ =	swait.ge [sflag:s29], $0x1  }
0xb5: {  	[sflag:s29] =	ssyncadd.s32 $0xFFFFFFFF  }
0xb6: {  	_ =	strace $0x9000004B  }
0xb7: {  	_ =	sfence  }
0xb8: {  	s30 =	sld [smem:$0x0];
	_ =	sdelay $0x2  }
0xb9: {  	s31 =	sshll.u32 s1, $0xD;
	s1 =	sshrl.u32 s1, $0x2  }
0xba: {  	s3 =	sand.u32 $0x4000, s31;
	s1 =	sadd.s32 s1, s30  }
0xbb: {  	s0 =	sor.u32 s3, s0;
	s1 =	sshll.u32 s1, $0x11  }
0xbc: {  	s0 =	sor.u32 s1, s0  }
0xbd: {  	s0 =	sadd.s32 $0x8F2B, s0  }
0xbe: {  	[sflag:s0] =	ssyncadd.remote.s32 $0x1  }
0xbf: {  	_ =	sfence.sel $0xFFFF  }
0xc0: {  	[dreg:$0x0] =	wrdreg $0xFFFFFFFF;
	(pc) =	sbr.abs _section_cstart, $3  }
0xc1: {  	[dreg:$0x1] =	wrdreg $0xFFFFFFFF  }
0xc2: {  	_ =	task.clear_ibuf [dreg:s7], $0x2FFFF;
	_ =	strace $0x9FFFFFFF  }
0xc3: {  	(tm) =	ssettm $0x7FFFFFFF  }
tec
execute0_lowered:
.L_overlay_start_1:
0x0: {  	(tag) =	ssettag $0x1  }
0x1: {  	s0 =	srdreg.scid;
	s1 =	rddreg [dreg:$0x0]  }
0x2: {  	s9 =	stileid.u32;
	s2 =	rddreg [dreg:$0x1]  }
0x3: {  	s17 =	simm.s32 $0x9800;
	s18 =	simm.s32 $0x6;
	s19 =	simm.s32 $0x1  }
0x4: {  	s20 =	simm.s32 $0x80;
	s28 =	simm.s32 $0x3;
	s29 =	simm.s32 $0x8000  }
0x5: {  	s30 =	simm.s32 $0x4;
	s31 =	simm.s32 $0x5;
	s0 =	sand.u32 $0x1, s0  }
0x6: {  	s7 =	smul.u32 $0xF00, s9;
	s5 =	sadd.s32 $0x1C00, s1;
	s10 =	sadd.s32 $0x10C00, s1  }
0x7: {  	s3 =	sshll.u32 s0, $0x4;
	s8 =	smul.u32 $0xF000, s0;
	s0 =	ssub.s32 $0x2, s0  }
0x8: {  	s4 =	sor.u32 s9, s3;
	s3 =	rddreg [dreg:$0x2];
	s9 =	smul.u32 $0x1E000, s9  }
0x9: {  	s21 =	sshrl.u32 s0, $0x1;
	s6 =	smul.u32 $0x280, s4;
	s4 =	simm.s32 $0x0  }
0xa: {  	s7 =	sadd.s32 s7, s8;
	s0 =	ssub.s32 s0, s21;
	[smem:$0x7FF] =	sst s4  }
0xb: {  	s9 =	sshrl.u32 s9, $0x2;
	_ =	strace $0x8000004A;
	s6 =	sadd.s32 s6, s1  }
0xc: {  	[dreg:$0x4] =	wrdreg s10;
	s1 =	sadd.s32 s7, s1;
	s22 =	sadd.s32 $0x47C00, s6  }
0xd: {  	s7 =	sadd.s32 s9, s3;
	s6 =	sadd.s32 $0x42C00, s6;
	[dreg:$0x5] =	wrdreg s22  }
0xe: {  	s21 =	simm.s32 $0x2800;
	s23 =	sadd.s32 $0x1800, s7;
	[dreg:$0x6] =	wrdreg s6  }
0xf: {  	s15 =	smax.u32 s0, $0x1;
	s24 =	sadd.s32 $0x3000, s7;
	[dreg:$0x7] =	wrdreg s23  }
0x10: {  	s25 =	sadd.s32 $0x4800, s7;
	s26 =	sadd.s32 $0x6000, s7;
	[dreg:$0x8] =	wrdreg s24  }
0x11: {  	s14 =	sadd.s32 $0x11000, s1;
	s1 =	simm.s32 $0x0;
	[dreg:$0x9] =	wrdreg s25  }
0x12: {  	v1 =	vimm.f32 $0.0e+00;
	vm0 =	vcmask $0x2300;
	[dreg:$0xa] =	wrdreg s26;
	s22 =	simm.s32 $0x5800;
	s23 =	simm.s32 $0x4000  }
0x13: {  	v0 =	vimm.s32 $0x9;
	v1 =	vsel vm0, $0x3F800000, v1;
	s24 =	simm.s32 $0x6000;
	s25 =	simm.s32 $0x2;
	s26 =	simm.s32 $0x6800  }
.LBB2_1:
0x14: {  	s0 =	rddreg [dreg:$0x5]  }
0x15: {  	[tilespmem:s4], [sflag:$0x1] =	stream.linear.gather [hbm4b:s0+s4], $0x1400, $0x38;
	[tilespmem:$0x12800] =	vst v63  }
0x16: {  	s9 =	rddreg [dreg:$0x6];
	s6 =	simm.s32 $0x1400  }
0x17: {  	[tilespmem:s6], [sflag:$0x1] =	stream.linear.gather [hbm4b:s9+s4], $0x1400, $0x38;
	[tilespmem:$0x12800] =	vst v63  }
0x18: {  	s10 =	rddreg [dreg:$0x4]  }
0x19: {  	[tilespmem:s17], [sflag:$0x6] =	stream.linear.gather [hbm4b:s10+s4], $0x1800, $0x38;
	[tilespmem:$0x12800] =	vst v63  }
0x1a: {  	_ =	swait.ge [sflag:s18], $0x1800  }
0x1b: {  	[sflag:s18] =	ssyncset.done $0x0  }
0x1c: {  	[sflag:s18] =	ssyncadd.s32 $0xFFFFE800  }
0x1d: {  	[spmem:s7] =	stream.linear.scatter [tilespmem:s17], [sflag:$0x6], $0x1800, $0x38;
	[tilespmem:$0x12800] =	vst v63  }
0x1e: {  	_ =	swait.ge [sflag:s18], $0x1800  }
0x1f: {  	[sflag:s18] =	ssyncset.done $0x0  }
0x20: {  	s11 =	rddreg [dreg:$0x7];
	[sflag:s18] =	ssyncadd.s32 $0xFFFFE800  }
0x21: {  	[spmem:s11] =	stream.linear.scatter [tilespmem:s17], [sflag:$0x6], $0x1800, $0x38;
	[tilespmem:$0x12800] =	vst v63  }
0x22: {  	_ =	swait.ge [sflag:s18], $0x1800  }
0x23: {  	[sflag:s18] =	ssyncset.done $0x0  }
0x24: {  	s12 =	rddreg [dreg:$0x8];
	[sflag:s18] =	ssyncadd.s32 $0xFFFFE800  }
0x25: {  	[spmem:s12] =	stream.linear.scatter [tilespmem:s17], [sflag:$0x6], $0x1800, $0x38;
	[tilespmem:$0x12800] =	vst v63  }
0x26: {  	_ =	swait.ge [sflag:s18], $0x1800  }
0x27: {  	[sflag:s18] =	ssyncset.done $0x0  }
0x28: {  	s13 =	rddreg [dreg:$0x9];
	[sflag:s18] =	ssyncadd.s32 $0xFFFFE800  }
0x29: {  	[spmem:s13] =	stream.linear.scatter [tilespmem:s17], [sflag:$0x6], $0x1800, $0x38;
	[tilespmem:$0x12800] =	vst v63  }
0x2a: {  	_ =	swait.ge [sflag:s18], $0x1800  }
0x2b: {  	[sflag:s18] =	ssyncset.done $0x0  }
0x2c: {  	s16 =	rddreg [dreg:$0xa];
	[sflag:s18] =	ssyncadd.s32 $0xFFFFE800  }
0x2d: {  	[spmem:s16] =	stream.linear.scatter [tilespmem:s17], [sflag:$0x6], $0x1800, $0x38;
	[tilespmem:$0x12800] =	vst v63  }
0x2e: {  	_ =	swait.ge [sflag:s18], $0x1800  }
0x2f: {  	[sflag:s18] =	ssyncset.done $0x0  }
0x30: {  	[sflag:s18] =	ssyncadd.s32 $0xFFFFE800  }
0x31: {  	_ =	swait.ge [sflag:s19], $0x1400  }
0x32: {  	[sflag:s19] =	ssyncset.done $0x0  }
0x33: {  	[sflag:s19] =	ssyncadd.s32 $0xFFFFEC00  }
0x34: {  	_ =	swait.ge [sflag:s19], $0x1400  }
0x35: {  	[sflag:s19] =	ssyncset.done $0x0  }
0x36: {  	[sflag:s19] =	ssyncadd.s32 $0xFFFFEC00  }
0x37: {  	[bflag:$0x0] =	sbarrier.arrive $0xFFFF  }
0x38: {  	[tilespmem:s21], [sflag:$0x2] =	stream.indirect.gather [hbm4b:s5+s20], $0x30, s4, s20, $0xb8;
	[tilespmem:$0x12800] =	vst v63  }
0x39: {  	s0 =	simm.s32 $0x0  }
0x3a: {  	[tilespmem:s22], [sflag:$0x2] =	stream.indirect.gather [hbm4b:s2+s20], $0x10, s6, s20, $0xb8;
	[tilespmem:$0x12800] =	vst v63  }
.LBB2_2:
0x3b: {  	s6 =	sshllo.u32 s0, $0x1  }
0x3c: {  	s16 =	sshll.u32 s6, $0x7  }
0x3d: {  	[tilespmem:s23], [sflag:$0x3] =	stream.indirect.gather [hbm4b:s5+s20], $0x30, s16, s20, $0xb8;
	[tilespmem:$0x12800] =	vst v63  }
0x3e: {  	s6 =	sadd.s32 $0x1400, s16  }
0x3f: {  	[tilespmem:s24], [sflag:$0x3] =	stream.indirect.gather [hbm4b:s2+s20], $0x10, s6, s20, $0xb8;
	[tilespmem:$0x12800] =	vst v63  }
0x40: {  	_ =	swait.ge [sflag:s25], $0x1800  }
0x41: {  	[sflag:s25] =	ssyncset.done $0x0  }
0x42: {  	[sflag:s25] =	ssyncadd.s32 $0xFFFFE800  }
0x43: {  	_ =	swait.ge [sflag:s25], $0x800  }
0x44: {  	p0 =	seq.s32 s0, $0x0;
	[sflag:s25] =	ssyncset.done $0x0  }
0x45: {  	s6 =	simm.s32 @!p0 $0x4;
	[sflag:s25] =	ssyncadd.s32 $0xFFFFF800  }
0x46: {  	_ =	swait.ge @!p0 [sflag:s6], $0x1800  }
0x47: {  	[sflag:s6] =	ssyncset.done @!p0 $0x0  }
0x48: {  	s13 =	simm.s32 $0x5840;
	[sflag:s6] =	ssyncadd.s32 @!p0 $0xFFFFE800  }
0x49: {  	s8 =	simm.s32 $0x28C0;
	v2 =	vld [tilespmem:s13+$0x30]  }
0x4a: {  	v3 =	vld [tilespmem:s8+$0xB0]  }
0x4b: {  	v4 =	vld [tilespmem:s13+$0x20]  }
0x4c: {  	v6 =	vld [tilespmem:s8+$0x80]  }
0x4d: {  	v11 =	vld [tilespmem:s8+$0x20]  }
0x4e: {  	v5 =	vld [tilespmem:s13+$0xFFFFFFF0]  }
0x4f: {  	v14 =	vld [tilespmem:s8+$0x50]  }
0x50: {  	v10 =	vld [tilespmem:s8+$0xFFFFFFF0];
	v2 =	vadd.f32 v2, v3  }
0x51: {  	v13 =	vld [tilespmem:s8+$0xFFFFFF60]  }
0x52: {  	v12 =	vld [tilespmem:s13+$0x10];
	v7 =	vmul.f32 $2.000000030e-01, v2  }
0x53: {  	v9 =	vld [tilespmem:s13+$0xFFFFFFD0];
	v4 =	vadd.f32 v4, v6  }
0x54: {  	v15 =	vld [tilespmem:s8+$0xFFFFFF90];
	v2 =	vmax.f32 v2, v7  }
0x55: {  	v8 =	vmul.f32 $2.000000030e-01, v4;
	v7 =	vld [tilespmem:s13+$0xFFFFFFC0];
	v2 =	vmul.f32 $1.442695020e+00, v2  }
0x56: {  	v16 =	vld [tilespmem:s13+$0x0];
	v5 =	vadd.f32 v5, v10  }
0x57: {  	v17 =	vld [tilespmem:s13+$0xFFFFFFE0];
	v12 =	vadd.f32 v12, v14;
	v4 =	vmax.f32 v4, v8;
	(erf) = vpow2.f32 v2  }
0x58: {  	v18 =	vmul.f32 $2.000000030e-01, v5;
	v8 =	vld [tilespmem:s8+$0xFFFFFFC0];
	v4 =	vmul.f32 $1.442695020e+00, v4  }
0x59: {  	v20 =	vmul.f32 $2.000000030e-01, v12;
	v2 =	vadd.f32 v9, v15  }
0x5a: {  	(erf) = vpow2.f32 v4;
	v4 =	vmax.f32 v5, v18;
	v9 =	vadd.f32 v7, v13  }
0x5b: {  	v4 =	vmul.f32 $1.442695020e+00, v4;
	v18 =	vmul.f32 $2.000000030e-01, v2  }
0x5c: {  	v16 =	vadd.f32 v16, v11;
	v12 =	vmax.f32 v12, v20;
	v19 =	vmul.f32 $2.000000030e-01, v9  }
0x5d: {  	v2 =	vmax.f32 v2, v18;
	(erf) = vpow2.f32 v4;
	v4 =	vadd.f32 v17, v8  }
0x5e: {  	v31 =	vld [tilespmem:s8+$0x0];
	v18 =	vmul.f32 $2.000000030e-01, v16;
	v2 =	vmul.f32 $1.442695020e+00, v2;
	v9 =	vmax.f32 v9, v19  }
0x5f: {  	v21 =	vld [tilespmem:s8+$0x90];
	v20 =	vmul.f32 $2.000000030e-01, v4;
	v9 =	vmul.f32 $1.442695020e+00, v9  }
0x60: {  	s11 =	simm.s32 $0x58C0;
	v22 =	vld [tilespmem:s8+$0x60];
	(erf) = vpow2.f32 v2;
	v2 =	vmul.f32 $1.442695020e+00, v12;
	v12 =	vpop (erf)  }
0x61: {  	v23 =	vld [tilespmem:s11+$0x20];
	(erf) = vpow2.f32 v9;
	v9 =	vmax.f32 v16, v18;
	v18 =	vperm.xlane v12, v0  }
0x62: {  	v24 =	vld [tilespmem:s8+$0xFFFFFF70]  }
0x63: {  	s6 =	simm.s32 $0x2A40;
	v16 =	vld [tilespmem:s11+$0x30];
	v3 =	vmul.f32 v18, v3  }
0x64: {  	v4 =	vmax.f32 v4, v20;
	v12 =	vmul.f32 $1.442695020e+00, v9;
	v9 =	vld [tilespmem:s6+$0xB0]  }
0x65: {  	v26 =	vld [tilespmem:s11+$0xFFFFFFF0];
	v4 =	vmul.f32 $1.442695020e+00, v4;
	v20 =	vpop (erf)  }
0x66: {  	v33 =	vld [tilespmem:s11+$0x0];
	v20 =	vperm.xlane v20, v0;
	v21 =	vmul.f32 v21, v18  }
0x67: {  	s10 =	simm.s32 $0x68C0;
	v19 =	vld [tilespmem:s8+$0xFFFFFFD0];
	(erf) = vpow2.f32 v2;
	v25 =	vmul.f32 v1, v3;
	v3 =	vpop (erf)  }
0x68: {  	v5 =	vld [tilespmem:s8+$0xFFFFFFA0];
	[tilespmem:s10+$0x90] =	vst v21;
	v27 =	vperm.xlane v3, v0;
	v3 =	vmul.f32 v22, v20  }
0x69: {  	v21 =	vld [tilespmem:s8+$0xA0];
	v32 =	vadd.f32 v16, v9;
	(erf) = vpow2.f32 v12;
	v12 =	vmul.f32 v20, v6  }
0x6a: {  	v7 =	vld [tilespmem:s8+$0x30];
	[tilespmem:s10+$0xB0] =	vst v25  }
0x6b: {  	v17 =	vld [tilespmem:s8+$0xFFFFFF40];
	(erf) = vpow2.f32 v4;
	v25 =	vmul.f32 $2.000000030e-01, v32;
	[tilespmem:s10+$0x60] =	vst v3  }
0x6c: {  	v22 =	vmul.f32 v1, v12;
	v4 =	vmul.f32 v19, v27;
	v19 =	vld [tilespmem:s8+$0x70];
	v3 =	vpop (erf)  }
0x6d: {  	v6 =	vld [tilespmem:s6+$0x80];
	v10 =	vmul.f32 v27, v10;
	v28 =	vperm.xlane v3, v0;
	v12 =	vpop (erf)  }
0x6e: {  	v30 =	vmul.f32 v21, v18;
	[tilespmem:s10+$0xFFFFFFD0] =	vst v4;
	v3 =	vld [tilespmem:s6+$0x50];
	v12 =	vperm.xlane v12, v0  }
0x6f: {  	v29 =	vmul.f32 v1, v10;
	v10 =	vmul.f32 v28, v15;
	v15 =	vld [tilespmem:s8+$0xFFFFFFE0]  }
0x70: {  	v4 =	vmul.f32 v24, v28;
	v24 =	vld [tilespmem:s11+$0x10];
	v13 =	vmul.f32 v12, v13  }
0x71: {  	v2 =	vld [tilespmem:s6+$0x20];
	[tilespmem:s10+$0xFFFFFFF0] =	vst v29;
	v29 =	vmax.f32 v32, v25;
	v21 =	vmul.f32 v17, v12;
	v35 =	vmul.f32 v19, v20  }
0x72: {  	v36 =	vadd.f32 v23, v6;
	v23 =	vld [tilespmem:s11+$0xFFFFFFE0];
	v18 =	vpop (erf);
	v29 =	vmul.f32 $1.442695020e+00, v29;
	[tilespmem:s10+$0xFFFFFF70] =	vst v4;
	v17 =	vmul.f32 v1, v10  }
0x73: {  	v16 =	vmul.f32 v1, v13;
	v34 =	vld [tilespmem:s8+$0xFFFFFF80];
	v13 =	vperm.xlane v18, v0;
	v18 =	vpop (erf)  }
0x74: {  	v10 =	vld [tilespmem:s6+$0xFFFFFFF0];
	v18 =	vperm.xlane v18, v0;
	v27 =	vmul.f32 v15, v27  }
0x75: {  	[tilespmem:s10+$0x80] =	vst v22;
	v25 =	vld [tilespmem:s11+$0xFFFFFFD0];
	v19 =	vmul.f32 v13, v14;
	v14 =	vpop (erf);
	v37 =	vadd.f32 v24, v3;
	v24 =	vmul.f32 $2.000000030e-01, v36  }
0x76: {  	[tilespmem:s10+$0xA0] =	vst v30;
	v15 =	vld [tilespmem:s6+$0xFFFFFFC0];
	v14 =	vperm.xlane v14, v0;
	v22 =	vmul.f32 v18, v11  }
0x77: {  	v4 =	vld [tilespmem:s6+$0xFFFFFF60];
	[tilespmem:s10+$0xFFFFFF90] =	vst v17;
	v20 =	vmul.f32 v1, v19;
	v17 =	vmul.f32 $2.000000030e-01, v37  }
0x78: {  	[tilespmem:s10+$0x70] =	vst v35;
	v11 =	vld [tilespmem:s6+$0xFFFFFF90];
	v19 =	vadd.f32 v33, v2;
	v30 =	vmax.f32 v36, v24;
	v24 =	vmul.f32 v34, v28  }
0x79: {  	s9 =	sshll.u32 s0, $0x1;
	s12 =	simm.s32 $0x68C0;
	s13 =	simm.s32 $0x8;
	[tilespmem:s10+$0xFFFFFFE0] =	vst v27;
	v27 =	vld [tilespmem:s11+$0xFFFFFFC0];
	v28 =	vadd.f32 v26, v10;
	v26 =	vmax.f32 v37, v17;
	v17 =	vmul.f32 v31, v18  }
.LBB2_3:
0x7a: {  	s13 =	sadd.s32 $0x8, s13;
	v30 =	vmul.f32 $1.442695020e+00, v30;
	v31 =	vmul.f32 v14, v8;
	s10 =	sadd.s32 $0x180, s10  }
0x7b: {  	p1 =	slt.u32 s13, $0x78;
	v23 =	vadd.f32 v23, v15;
	v32 =	vld [tilespmem:s6+$0xFFFFFFA0];
	v33 =	vmul.f32 $2.000000030e-01, v28;
	(erf) = vpow2.f32 v29;
	[tilespmem:s12+$0x0] =	vst v17;
	v8 =	vmovc v15  }
0x7c: {  	(erf) = vpow2.f32 v30;
	v15 =	vmul.f32 v1, v31;
	v29 =	vld [tilespmem:s8+$0x10]  }
0x7d: {  	v25 =	vadd.f32 v25, v11;
	v17 =	vmax.f32 v28, v33;
	[tilespmem:s12+$0xFFFFFF40] =	vst v21;
	v21 =	vmul.f32 v7, v13;
	v7 =	vld [tilespmem:s6+$0x30]  }
0x7e: {  	v26 =	vmul.f32 $1.442695020e+00, v26;
	v27 =	vadd.f32 v27, v4;
	v28 =	vmul.f32 $1.442695020e+00, v17;
	v30 =	vld [tilespmem:s8+$0xFFFFFF50];
	[tilespmem:s12+$0xFFFFFF80] =	vst v24  }
0x7f: {  	v31 =	vmul.f32 v5, v14;
	v24 =	vmul.f32 $2.000000030e-01, v25;
	v17 =	vld [tilespmem:s6+$0x0];
	[tilespmem:s12+$0x30] =	vst v21  }
0x80: {  	v33 =	vmul.f32 $2.000000030e-01, v19;
	v21 =	vmul.f32 $2.000000030e-01, v27;
	[tilespmem:s12+$0xFFFFFF60] =	vst v16;
	v16 =	vld [tilespmem:s8+$0x40];
	v5 =	vmov v32  }
0x81: {  	v32 =	vld [tilespmem:s6+$0xFFFFFF40];
	v24 =	vmax.f32 v25, v24;
	v25 =	vmul.f32 $2.000000030e-01, v23;
	(erf) = vpow2.f32 v28;
	[tilespmem:s12+$0xFFFFFFA0] =	vst v31  }
0x82: {  	v22 =	vmul.f32 v1, v22;
	v21 =	vmax.f32 v27, v21;
	v28 =	vmul.f32 $1.442695020e+00, v24;
	v27 =	vld [tilespmem:s8+$0xFFFFFFB0];
	[tilespmem:s12+$0x50] =	vst v20;
	s8 =	smov.u32 s6  }
0x83: {  	v31 =	vmul.f32 $1.442695020e+00, v21;
	v21 =	vmax.f32 v23, v25;
	v23 =	vld [tilespmem:s6+$0xFFFFFFD0];
	v12 =	vmul.f32 v30, v12;
	[tilespmem:s12+$0xFFFFFFC0] =	vst v15  }
0x84: {  	v18 =	vmul.f32 v29, v18;
	v15 =	vmax.f32 v19, v33;
	v19 =	vld [tilespmem:s6+$0x90];
	(erf) = vpow2.f32 v28;
	v24 =	vpop (erf);
	[tilespmem:s12+$0x20] =	vst v22  }
0x85: {  	s11 =	sadd.s32 $0x80, s11;
	v22 =	vld [tilespmem:s6+$0x60];
	(erf) = vpow2.f32 v31;
	v20 =	vpop (erf);
	[tilespmem:s12+$0xFFFFFF50] =	vst v12;
	v12 =	vmul.f32 v16, v13  }
0x86: {  	v15 =	vmul.f32 $1.442695020e+00, v15;
	v16 =	vperm.xlane v24, v0;
	s6 =	sadd.s32 $0x180, s6;
	v13 =	vld [tilespmem:s11+$0x30];
	[tilespmem:s12+$0x10] =	vst v18  }
0x87: {  	v21 =	vmul.f32 $1.442695020e+00, v21;
	v18 =	vld [tilespmem:s6+$0xB0];
	v14 =	vmul.f32 v27, v14;
	[tilespmem:s12+$0x40] =	vst v12  }
0x88: {  	v27 =	vmul.f32 v16, v9;
	v24 =	vld [tilespmem:s11+$0x20];
	(erf) = vpow2.f32 v26  }
0x89: {  	v20 =	vperm.xlane v20, v0;
	v25 =	vld [tilespmem:s8+$0xFFFFFF70];
	v12 =	vmul.f32 v19, v16;
	[tilespmem:s12+$0xFFFFFFB0] =	vst v14;
	s12 =	smov.u32 s10  }
0x8a: {  	v14 =	vmul.f32 v1, v27;
	v26 =	vld [tilespmem:s6+$0x20];
	v9 =	vpop (erf);
	(erf) = vpow2.f32 v15  }
0x8b: {  	v27 =	vmul.f32 v22, v20;
	v28 =	vld [tilespmem:s11+$0xFFFFFFF0];
	v15 =	vperm.xlane v9, v0;
	[tilespmem:s10+$0x90] =	vst v12  }
0x8c: {  	v29 =	vmul.f32 v20, v6;
	v22 =	vadd.f32 v13, v18;
	v13 =	vld [tilespmem:s8+$0xA0];
	(erf) = vpow2.f32 v21;
	v9 =	vmovc v18  }
0x8d: {  	v6 =	vld [tilespmem:s6+$0x80];
	v18 =	vmul.f32 v23, v15;
	v10 =	vmul.f32 v15, v10;
	[tilespmem:s10+$0x60] =	vst v27;
	v19 =	vpop (erf)  }
0x8e: {  	v21 =	vmul.f32 v1, v29;
	v27 =	vperm.xlane v19, v0;
	v19 =	vld [tilespmem:s8+$0x70];
	[tilespmem:s10+$0xB0] =	vst v14;
	v12 =	vpop (erf)  }
0x8f: {  	v29 =	vld [tilespmem:s6+$0x50];
	v12 =	vperm.xlane v12, v0;
	[tilespmem:s10+$0xFFFFFFD0] =	vst v18;
	v10 =	vmul.f32 v1, v10  }
0x90: {  	v14 =	vmul.f32 v25, v27;
	v11 =	vmul.f32 v27, v11;
	v18 =	vld [tilespmem:s8+$0xFFFFFFE0];
	[tilespmem:s10+$0x80] =	vst v21  }
0x91: {  	v25 =	vld [tilespmem:s11+$0x10];
	v4 =	vmul.f32 v12, v4;
	[tilespmem:s10+$0xFFFFFFF0] =	vst v10;
	v10 =	vmul.f32 v13, v16;
	v13 =	vpop (erf)  }
0x92: {  	v21 =	vmul.f32 v32, v12;
	v30 =	vld [tilespmem:s11+$0x0];
	[tilespmem:s10+$0xFFFFFF70] =	vst v14;
	v11 =	vmul.f32 v1, v11  }
0x93: {  	v13 =	vperm.xlane v13, v0;
	v16 =	vmul.f32 v1, v4;
	v31 =	vld [tilespmem:s8+$0xFFFFFF80];
	[tilespmem:s10+$0xA0] =	vst v10;
	v32 =	vpop (erf)  }
0x94: {  	v33 =	vmul.f32 $2.000000030e-01, v22;
	v4 =	vld [tilespmem:s6+$0xFFFFFF60];
	[tilespmem:s10+$0xFFFFFF90] =	vst v11;
	v11 =	vmul.f32 v19, v20  }
0x95: {  	v24 =	vadd.f32 v24, v6;
	v35 =	vmul.f32 v13, v3;
	v10 =	vld [tilespmem:s6+$0xFFFFFFF0];
	v19 =	vmul.f32 v18, v15;
	v14 =	vpop (erf)  }
.Ltmp0:
0x96: {  	v18 =	vperm.xlane v32, v0;
	v23 =	vld [tilespmem:s11+$0xFFFFFFE0];
	v34 =	vadd.f32 v25, v29;
	v14 =	vperm.xlane v14, v0;
	[tilespmem:s10+$0x70] =	vst v11;
	(pc) =	sbr.rel @p1 .LBB2_3-.Ltmp0, $4  }
0x97: {  	v33 =	vmax.f32 v22, v33;
	v3 =	vmovc v29;
	v32 =	vmul.f32 $2.000000030e-01, v24;
	v20 =	vmul.f32 v1, v35;
	v15 =	vld [tilespmem:s6+$0xFFFFFFC0];
	[tilespmem:s10+$0xFFFFFFE0] =	vst v19  }
0x98: {  	v19 =	vadd.f32 v30, v26;
	v22 =	vmul.f32 v18, v2;
	v2 =	vmovc v26;
	v25 =	vld [tilespmem:s11+$0xFFFFFFD0];
	v35 =	vmul.f32 $2.000000030e-01, v34  }
0x99: {  	v29 =	vmul.f32 $1.442695020e+00, v33;
	v30 =	vmax.f32 v24, v32;
	v24 =	vmul.f32 v31, v27;
	v11 =	vld [tilespmem:s6+$0xFFFFFF90]  }
0x9a: {  	v17 =	vmul.f32 v17, v18;
	v27 =	vld [tilespmem:s11+$0xFFFFFFC0];
	v28 =	vadd.f32 v28, v10;
	v26 =	vmax.f32 v34, v35  }
0x9b: {  	v30 =	vmul.f32 $1.442695020e+00, v30  }
0x9c: {  	v8 =	vmul.f32 v14, v8;
	(erf) = vpow2.f32 v29  }
0x9d: {  	v7 =	vmul.f32 v7, v13;
	v31 =	vmul.f32 $2.000000030e-01, v28  }
0x9e: {  	[tilespmem:s12+$0xFFFFFF40] =	vst v21;
	v26 =	vmul.f32 $1.442695020e+00, v26;
	v5 =	vmul.f32 v5, v14;
	v25 =	vadd.f32 v25, v11  }
0x9f: {  	[tilespmem:s12+$0x0] =	vst v17;
	v23 =	vadd.f32 v23, v15;
	v29 =	vld [tilespmem:s8+$0xFFFFFF50];
	(erf) = vpow2.f32 v30;
	v17 =	vmax.f32 v28, v31  }
0xa0: {  	v21 =	vadd.f32 v27, v4;
	v17 =	vmul.f32 $1.442695020e+00, v17;
	v27 =	vmul.f32 $2.000000030e-01, v25  }
0xa1: {  	[tilespmem:s12+$0xFFFFFF80] =	vst v24;
	v8 =	vmul.f32 v1, v8;
	v28 =	vld [tilespmem:s8+$0x10];
	v24 =	vmul.f32 $2.000000030e-01, v23  }
0xa2: {  	[tilespmem:s12+$0x30] =	vst v7;
	v7 =	vmul.f32 $2.000000030e-01, v21;
	(erf) = vpow2.f32 v17;
	v25 =	vmax.f32 v25, v27  }
0xa3: {  	v17 =	vmul.f32 $2.000000030e-01, v19;
	v27 =	vld [tilespmem:s8+$0x40];
	v25 =	vmul.f32 $1.442695020e+00, v25  }
0xa4: {  	[tilespmem:s12+$0xFFFFFFA0] =	vst v5;
	v5 =	vmul.f32 v29, v12;
	v12 =	vld [tilespmem:s6+$0x90];
	v7 =	vmax.f32 v21, v7;
	v21 =	vmul.f32 v1, v22  }
0xa5: {  	[tilespmem:s12+$0xFFFFFF60] =	vst v16;
	v22 =	vld [tilespmem:s8+$0xFFFFFFB0];
	v17 =	vmax.f32 v19, v17;
	v7 =	vmul.f32 $1.442695020e+00, v7;
	(erf) = vpow2.f32 v25  }
0xa6: {  	v18 =	vmul.f32 v28, v18;
	[tilespmem:s12+$0xFFFFFFC0] =	vst v8;
	v8 =	vld [tilespmem:s6+$0x60];
	v16 =	vpop (erf);
	v17 =	vmul.f32 $1.442695020e+00, v17  }
0xa7: {  	(erf) = vpow2.f32 v7;
	v7 =	vperm.xlane v16, v0;
	v16 =	vmax.f32 v23, v24  }
0xa8: {  	[tilespmem:s12+$0x50] =	vst v20;
	v20 =	vpop (erf);
	v13 =	vmul.f32 v27, v13;
	v16 =	vmul.f32 $1.442695020e+00, v16  }
0xa9: {  	[tilespmem:s12+$0xFFFFFF50] =	vst v5;
	(erf) = vpow2.f32 v26;
	v5 =	vperm.xlane v20, v0  }
0xaa: {  	v19 =	vld [tilespmem:s6+$0xFFFFFFD0];
	[tilespmem:s12+$0x10] =	vst v18;
	v9 =	vmul.f32 v7, v9;
	v12 =	vmul.f32 v12, v7  }
0xab: {  	s13 =	sadd.s32 $0x180, s10;
	v14 =	vmul.f32 v22, v14;
	[tilespmem:s12+$0x40] =	vst v13;
	v8 =	vmul.f32 v8, v5  }
0xac: {  	v13 =	vld [tilespmem:s6+$0xFFFFFF70];
	v6 =	vmul.f32 v5, v6;
	v18 =	vpop (erf);
	(erf) = vpow2.f32 v17;
	[tilespmem:s13+$0x90] =	vst v12  }
0xad: {  	v9 =	vmul.f32 v1, v9;
	[tilespmem:s12+$0xFFFFFFB0] =	vst v14;
	v17 =	vperm.xlane v18, v0  }
0xae: {  	v12 =	vld [tilespmem:s6+$0xA0];
	(erf) = vpow2.f32 v16;
	[tilespmem:s13+$0x60] =	vst v8;
	v6 =	vmul.f32 v1, v6;
	v18 =	vpop (erf)  }
0xaf: {  	v16 =	vld [tilespmem:s6+$0x70];
	[tilespmem:s13+$0xB0] =	vst v9;
	v14 =	vmul.f32 v19, v17;
	v8 =	vperm.xlane v18, v0  }
0xb0: {  	v10 =	vmul.f32 v17, v10;
	[tilespmem:s13+$0x80] =	vst v6  }
0xb1: {  	v6 =	vld [tilespmem:s6+$0xFFFFFF40];
	[tilespmem:s13+$0xFFFFFFD0] =	vst v14;
	v9 =	vmul.f32 v13, v8;
	v11 =	vmul.f32 v8, v11  }
0xb2: {  	[tilespmem:s12+$0x20] =	vst v21;
	v10 =	vmul.f32 v1, v10;
	v13 =	vld [tilespmem:s6+$0xFFFFFFE0]  }
0xb3: {  	v14 =	vld [tilespmem:s6+$0x0];
	v18 =	vpop (erf);
	v7 =	vmul.f32 v12, v7;
	[tilespmem:s13+$0xFFFFFF70] =	vst v9  }
0xb4: {  	v12 =	vpop (erf);
	[tilespmem:s13+$0xFFFFFFF0] =	vst v10;
	v5 =	vmul.f32 v16, v5;
	v16 =	vperm.xlane v18, v0;
	v10 =	vld [tilespmem:s6+$0xFFFFFF80]  }
0xb5: {  	v19 =	vld [tilespmem:s6+$0x30];
	[tilespmem:s13+$0xA0] =	vst v7;
	v9 =	vmul.f32 v1, v11;
	v11 =	vpop (erf)  }
0xb6: {  	[tilespmem:s13+$0x70] =	vst v5;
	v6 =	vmul.f32 v6, v16;
	v7 =	vperm.xlane v11, v0;
	v11 =	vld [tilespmem:s6+$0xFFFFFFA0]  }
0xb7: {  	[tilespmem:s13+$0xFFFFFF90] =	vst v9;
	v9 =	vmul.f32 v13, v17  }
0xb8: {  	v12 =	vperm.xlane v12, v0;
	[tilespmem:s13+$0xFFFFFF40] =	vst v6;
	v13 =	vpop (erf);
	v5 =	vmul.f32 v14, v7  }
0xb9: {  	[tilespmem:s13+$0xFFFFFFE0] =	vst v9;
	v9 =	vperm.xlane v13, v0;
	v8 =	vmul.f32 v10, v8  }
0xba: {  	v4 =	vmul.f32 v16, v4;
	[tilespmem:s13+$0x0] =	vst v5;
	v5 =	vmul.f32 v19, v12  }
0xbb: {  	v6 =	vld [tilespmem:s6+$0xFFFFFF50];
	v2 =	vmul.f32 v7, v2;
	[tilespmem:s13+$0xFFFFFF80] =	vst v8;
	v8 =	vmul.f32 v11, v9  }
0xbc: {  	v3 =	vmul.f32 v12, v3;
	v4 =	vmul.f32 v1, v4;
	v11 =	vld [tilespmem:s6+$0x10];
	[tilespmem:s13+$0x30] =	vst v5  }
0xbd: {  	v10 =	vmul.f32 v9, v15;
	v2 =	vmul.f32 v1, v2;
	v5 =	vld [tilespmem:s6+$0x40];
	[tilespmem:s13+$0xFFFFFFA0] =	vst v8  }
0xbe: {  	v3 =	vmul.f32 v1, v3;
	[tilespmem:s13+$0xFFFFFF60] =	vst v4;
	v4 =	vld [tilespmem:s6+$0xFFFFFFB0]  }
0xbf: {  	[tilespmem:s13+$0x20] =	vst v2;
	v8 =	vmul.f32 v1, v10  }
0xc0: {  	[tilespmem:s13+$0x50] =	vst v3;
	v3 =	vmul.f32 v6, v16  }
0xc1: {  	[tilespmem:s13+$0xFFFFFFC0] =	vst v8;
	v6 =	vmul.f32 v11, v7  }
0xc2: {  	[tilespmem:s13+$0xFFFFFF50] =	vst v3;
	v2 =	vmul.f32 v5, v12  }
0xc3: {  	s10 =	sshll.u32 s0, $0x8;
	[tilespmem:s13+$0x10] =	vst v6;
	v3 =	vmul.f32 v4, v9  }
0xc4: {  	s6 =	sand.u32 $0x3FFFFF00, s10;
	[tilespmem:s13+$0x40] =	vst v2  }
0xc5: {  	s11 =	smin.u32 s9, $0x25;
	s6 =	sadd.s32 $0x1400, s6;
	[tilespmem:s13+$0xFFFFFFB0] =	vst v3  }
0xc6: {  	[spmem:s3] =	stream.indirect.scatter.add.f32 [tilespmem:s26], [sflag:$0x4], $0x30, s6, s20, $0xb8;
	[tilespmem:$0x12800] =	vst v63  }
0xc7: {  	s6 =	sshll.u32 s11, $0x7  }
0xc8: {  	s12 =	sadd.s32 $0x100, s6  }
0xc9: {  	[tilespmem:s21], [sflag:$0x2] =	stream.indirect.gather [hbm4b:s5+s20], $0x30, s12, s20, $0xb8;
	[tilespmem:$0x12800] =	vst v63  }
0xca: {  	s6 =	sadd.s32 $0x1500, s6  }
0xcb: {  	[tilespmem:s22], [sflag:$0x2] =	stream.indirect.gather [hbm4b:s2+s20], $0x10, s6, s20, $0xb8;
	[tilespmem:$0x12800] =	vst v63  }
0xcc: {  	_ =	swait.ge [sflag:s28], $0x1800  }
0xcd: {  	[sflag:s28] =	ssyncset.done $0x0  }
0xce: {  	[sflag:s28] =	ssyncadd.s32 $0xFFFFE800  }
0xcf: {  	_ =	swait.ge [sflag:s28], $0x800  }
0xd0: {  	[sflag:s28] =	ssyncset.done $0x0  }
0xd1: {  	s6 =	simm.s32 @!p0 $0x5;
	[sflag:s28] =	ssyncadd.s32 $0xFFFFF800  }
0xd2: {  	_ =	swait.ge @!p0 [sflag:s6], $0x1800  }
0xd3: {  	[sflag:s6] =	ssyncset.done @!p0 $0x0  }
0xd4: {  	s13 =	simm.s32 $0x6040;
	[sflag:s6] =	ssyncadd.s32 @!p0 $0xFFFFE800  }
0xd5: {  	s8 =	simm.s32 $0x40C0;
	v2 =	vld [tilespmem:s13+$0x30]  }
0xd6: {  	v3 =	vld [tilespmem:s8+$0xB0]  }
0xd7: {  	v4 =	vld [tilespmem:s13+$0x20]  }
0xd8: {  	v6 =	vld [tilespmem:s8+$0x80]  }
0xd9: {  	v11 =	vld [tilespmem:s8+$0x20]  }
0xda: {  	v5 =	vld [tilespmem:s13+$0xFFFFFFF0]  }
0xdb: {  	v14 =	vld [tilespmem:s8+$0x50]  }
0xdc: {  	v10 =	vld [tilespmem:s8+$0xFFFFFFF0];
	v2 =	vadd.f32 v2, v3  }
0xdd: {  	v13 =	vld [tilespmem:s8+$0xFFFFFF60]  }
0xde: {  	v12 =	vld [tilespmem:s13+$0x10];
	v7 =	vmul.f32 $2.000000030e-01, v2  }
0xdf: {  	v9 =	vld [tilespmem:s13+$0xFFFFFFD0];
	v4 =	vadd.f32 v4, v6  }
0xe0: {  	v15 =	vld [tilespmem:s8+$0xFFFFFF90];
	v2 =	vmax.f32 v2, v7  }
0xe1: {  	v8 =	vmul.f32 $2.000000030e-01, v4;
	v7 =	vld [tilespmem:s13+$0xFFFFFFC0];
	v2 =	vmul.f32 $1.442695020e+00, v2  }
0xe2: {  	v16 =	vld [tilespmem:s13+$0x0];
	v5 =	vadd.f32 v5, v10  }
0xe3: {  	v17 =	vld [tilespmem:s13+$0xFFFFFFE0];
	v12 =	vadd.f32 v12, v14;
	v4 =	vmax.f32 v4, v8;
	(erf) = vpow2.f32 v2  }
0xe4: {  	v18 =	vmul.f32 $2.000000030e-01, v5;
	v8 =	vld [tilespmem:s8+$0xFFFFFFC0];
	v4 =	vmul.f32 $1.442695020e+00, v4  }
0xe5: {  	v20 =	vmul.f32 $2.000000030e-01, v12;
	v2 =	vadd.f32 v9, v15  }
0xe6: {  	(erf) = vpow2.f32 v4;
	v4 =	vmax.f32 v5, v18;
	v9 =	vadd.f32 v7, v13  }
0xe7: {  	v4 =	vmul.f32 $1.442695020e+00, v4;
	v18 =	vmul.f32 $2.000000030e-01, v2  }
0xe8: {  	v16 =	vadd.f32 v16, v11;
	v12 =	vmax.f32 v12, v20;
	v19 =	vmul.f32 $2.000000030e-01, v9  }
0xe9: {  	v2 =	vmax.f32 v2, v18;
	(erf) = vpow2.f32 v4;
	v4 =	vadd.f32 v17, v8  }
0xea: {  	v31 =	vld [tilespmem:s8+$0x0];
	v18 =	vmul.f32 $2.000000030e-01, v16;
	v2 =	vmul.f32 $1.442695020e+00, v2;
	v9 =	vmax.f32 v9, v19  }
0xeb: {  	v21 =	vld [tilespmem:s8+$0x90];
	v20 =	vmul.f32 $2.000000030e-01, v4;
	v9 =	vmul.f32 $1.442695020e+00, v9  }
0xec: {  	s10 =	simm.s32 $0x60C0;
	v22 =	vld [tilespmem:s8+$0x60];
	(erf) = vpow2.f32 v2;
	v2 =	vmul.f32 $1.442695020e+00, v12;
	v12 =	vpop (erf)  }
0xed: {  	v23 =	vld [tilespmem:s10+$0x20];
	(erf) = vpow2.f32 v9;
	v9 =	vmax.f32 v16, v18;
	v18 =	vperm.xlane v12, v0  }
0xee: {  	v24 =	vld [tilespmem:s8+$0xFFFFFF70]  }
0xef: {  	v26 =	vld [tilespmem:s10+$0xFFFFFFF0];
	v3 =	vmul.f32 v18, v3  }
0xf0: {  	v32 =	vld [tilespmem:s10+$0x0];
	v4 =	vmax.f32 v4, v20  }
0xf1: {  	s6 =	simm.s32 $0x4240;
	v16 =	vld [tilespmem:s10+$0x30];
	v4 =	vmul.f32 $1.442695020e+00, v4;
	v12 =	vmul.f32 $1.442695020e+00, v9;
	v20 =	vpop (erf)  }
0xf2: {  	v9 =	vld [tilespmem:s6+$0xB0];
	v20 =	vperm.xlane v20, v0;
	v21 =	vmul.f32 v21, v18  }
0xf3: {  	s9 =	simm.s32 $0x80C0;
	v19 =	vld [tilespmem:s8+$0xFFFFFFD0];
	(erf) = vpow2.f32 v2;
	v25 =	vmul.f32 v1, v3;
	v3 =	vpop (erf)  }
0xf4: {  	v5 =	vld [tilespmem:s8+$0xFFFFFFA0];
	[tilespmem:s9+$0x90] =	vst v21;
	v27 =	vperm.xlane v3, v0;
	v3 =	vmul.f32 v22, v20  }
0xf5: {  	(erf) = vpow2.f32 v12;
	v12 =	vmul.f32 v20, v6;
	v21 =	vld [tilespmem:s8+$0xA0]  }
0xf6: {  	v7 =	vld [tilespmem:s8+$0x30]  }
0xf7: {  	v17 =	vld [tilespmem:s8+$0xFFFFFF40];
	v16 =	vadd.f32 v16, v9;
	(erf) = vpow2.f32 v4;
	v22 =	vmul.f32 v1, v12  }
0xf8: {  	v6 =	vld [tilespmem:s6+$0x80];
	v4 =	vmul.f32 v19, v27;
	v10 =	vmul.f32 v27, v10;
	[tilespmem:s9+$0x60] =	vst v3;
	v3 =	vpop (erf)  }
0xf9: {  	[tilespmem:s9+$0xB0] =	vst v25;
	v25 =	vmul.f32 $2.000000030e-01, v16;
	v19 =	vld [tilespmem:s8+$0x70];
	v28 =	vperm.xlane v3, v0  }
0xfa: {  	v30 =	vmul.f32 v21, v18;
	[tilespmem:s9+$0xFFFFFFD0] =	vst v4;
	v29 =	vmul.f32 v1, v10;
	v12 =	vpop (erf);
	v3 =	vld [tilespmem:s6+$0x50]  }
0xfb: {  	v16 =	vmax.f32 v16, v25;
	v12 =	vperm.xlane v12, v0;
	v10 =	vmul.f32 v28, v15;
	v15 =	vld [tilespmem:s8+$0xFFFFFFE0]  }
0xfc: {  	v4 =	vmul.f32 v24, v28;
	v24 =	vld [tilespmem:s10+$0x10];
	[tilespmem:s9+$0xFFFFFFF0] =	vst v29;
	v29 =	vmul.f32 $1.442695020e+00, v16  }
0xfd: {  	v2 =	vld [tilespmem:s6+$0x20];
	v13 =	vmul.f32 v12, v13;
	v21 =	vmul.f32 v17, v12  }
0xfe: {  	v36 =	vadd.f32 v23, v6;
	v23 =	vld [tilespmem:s10+$0xFFFFFFE0];
	v18 =	vpop (erf);
	v35 =	vmul.f32 v19, v20;
	v33 =	vmul.f32 v1, v10  }
0xff: {  	[tilespmem:s9+$0xFFFFFF70] =	vst v4;
	v10 =	vld [tilespmem:s6+$0xFFFFFFF0];
	v17 =	vmul.f32 v1, v13;
	v13 =	vperm.xlane v18, v0;
	v18 =	vpop (erf)  }
0x100: {  	v34 =	vld [tilespmem:s8+$0xFFFFFF80];
	v18 =	vperm.xlane v18, v0;
	v27 =	vmul.f32 v15, v27  }
0x101: {  	v25 =	vld [tilespmem:s10+$0xFFFFFFD0];
	[tilespmem:s9+$0x80] =	vst v22;
	v19 =	vmul.f32 v13, v14;
	v14 =	vpop (erf);
	v37 =	vadd.f32 v24, v3;
	v24 =	vmul.f32 $2.000000030e-01, v36  }
0x102: {  	[tilespmem:s9+$0xA0] =	vst v30;
	v15 =	vld [tilespmem:s6+$0xFFFFFFC0];
	v14 =	vperm.xlane v14, v0;
	v22 =	vmul.f32 v18, v11  }
0x103: {  	v4 =	vld [tilespmem:s6+$0xFFFFFF60];
	[tilespmem:s9+$0x70] =	vst v35;
	v16 =	vmul.f32 v31, v18;
	v63 =	vmul.f32 $2.000000030e-01, v37  }
0x104: {  	[tilespmem:s9+$0xFFFFFF90] =	vst v33;
	v11 =	vld [tilespmem:s6+$0xFFFFFF90];
	v20 =	vmul.f32 v1, v19;
	v19 =	vadd.f32 v32, v2;
	v30 =	vmax.f32 v36, v24  }
0x105: {  	s11 =	simm.s32 $0x80C0;
	s12 =	simm.s32 $0x8;
	[tilespmem:s9+$0xFFFFFFE0] =	vst v27;
	v27 =	vld [tilespmem:s10+$0xFFFFFFC0];
	v24 =	vmul.f32 v34, v28;
	v28 =	vadd.f32 v26, v10;
	v26 =	vmax.f32 v37, v63  }
.LBB2_5:
0x106: {  	s12 =	sadd.s32 $0x8, s12;
	v30 =	vmul.f32 $1.442695020e+00, v30;
	v31 =	vmul.f32 v14, v8;
	s9 =	sadd.s32 $0x180, s9  }
0x107: {  	p0 =	slt.u32 s12, $0x78;
	v23 =	vadd.f32 v23, v15;
	v32 =	vld [tilespmem:s6+$0xFFFFFFA0];
	v33 =	vmul.f32 $2.000000030e-01, v28;
	(erf) = vpow2.f32 v29;
	[tilespmem:s11+$0x0] =	vst v16;
	v8 =	vmovc v15  }
0x108: {  	(erf) = vpow2.f32 v30;
	v15 =	vmul.f32 v1, v31;
	v29 =	vld [tilespmem:s8+$0x10]  }
0x109: {  	v25 =	vadd.f32 v25, v11;
	v16 =	vmax.f32 v28, v33;
	[tilespmem:s11+$0xFFFFFF40] =	vst v21;
	v21 =	vmul.f32 v7, v13;
	v7 =	vld [tilespmem:s6+$0x30]  }
0x10a: {  	v26 =	vmul.f32 $1.442695020e+00, v26;
	v27 =	vadd.f32 v27, v4;
	v28 =	vmul.f32 $1.442695020e+00, v16;
	v30 =	vld [tilespmem:s8+$0xFFFFFF50];
	[tilespmem:s11+$0xFFFFFF80] =	vst v24  }
0x10b: {  	v31 =	vmul.f32 v5, v14;
	v24 =	vmul.f32 $2.000000030e-01, v25;
	v16 =	vld [tilespmem:s6+$0x0];
	[tilespmem:s11+$0x30] =	vst v21  }
0x10c: {  	v33 =	vmul.f32 $2.000000030e-01, v19;
	v21 =	vmul.f32 $2.000000030e-01, v27;
	[tilespmem:s11+$0xFFFFFF60] =	vst v17;
	v17 =	vld [tilespmem:s8+$0x40];
	v5 =	vmov v32  }
0x10d: {  	v32 =	vld [tilespmem:s6+$0xFFFFFF40];
	v24 =	vmax.f32 v25, v24;
	v25 =	vmul.f32 $2.000000030e-01, v23;
	(erf) = vpow2.f32 v28;
	[tilespmem:s11+$0xFFFFFFA0] =	vst v31  }
0x10e: {  	v22 =	vmul.f32 v1, v22;
	v21 =	vmax.f32 v27, v21;
	v28 =	vmul.f32 $1.442695020e+00, v24;
	v27 =	vld [tilespmem:s8+$0xFFFFFFB0];
	[tilespmem:s11+$0x50] =	vst v20;
	s8 =	smov.u32 s6  }
0x10f: {  	v31 =	vmul.f32 $1.442695020e+00, v21;
	v21 =	vmax.f32 v23, v25;
	v23 =	vld [tilespmem:s6+$0xFFFFFFD0];
	v12 =	vmul.f32 v30, v12;
	[tilespmem:s11+$0xFFFFFFC0] =	vst v15  }
0x110: {  	v18 =	vmul.f32 v29, v18;
	v15 =	vmax.f32 v19, v33;
	v19 =	vld [tilespmem:s6+$0x90];
	(erf) = vpow2.f32 v28;
	v24 =	vpop (erf);
	[tilespmem:s11+$0x20] =	vst v22  }
0x111: {  	s10 =	sadd.s32 $0x80, s10;
	v22 =	vld [tilespmem:s6+$0x60];
	(erf) = vpow2.f32 v31;
	v20 =	vpop (erf);
	[tilespmem:s11+$0xFFFFFF50] =	vst v12;
	v12 =	vmul.f32 v17, v13  }
0x112: {  	v15 =	vmul.f32 $1.442695020e+00, v15;
	v17 =	vperm.xlane v24, v0;
	s6 =	sadd.s32 $0x180, s6;
	v13 =	vld [tilespmem:s10+$0x30];
	[tilespmem:s11+$0x10] =	vst v18  }
0x113: {  	v21 =	vmul.f32 $1.442695020e+00, v21;
	v18 =	vld [tilespmem:s6+$0xB0];
	v14 =	vmul.f32 v27, v14;
	[tilespmem:s11+$0x40] =	vst v12  }
0x114: {  	v27 =	vmul.f32 v17, v9;
	v24 =	vld [tilespmem:s10+$0x20];
	(erf) = vpow2.f32 v26  }
0x115: {  	v20 =	vperm.xlane v20, v0;
	v25 =	vld [tilespmem:s8+$0xFFFFFF70];
	v12 =	vmul.f32 v19, v17;
	[tilespmem:s11+$0xFFFFFFB0] =	vst v14;
	s11 =	smov.u32 s9  }
0x116: {  	v14 =	vmul.f32 v1, v27;
	v26 =	vld [tilespmem:s6+$0x20];
	v9 =	vpop (erf);
	(erf) = vpow2.f32 v15  }
0x117: {  	v27 =	vmul.f32 v22, v20;
	v28 =	vld [tilespmem:s10+$0xFFFFFFF0];
	v15 =	vperm.xlane v9, v0;
	[tilespmem:s9+$0x90] =	vst v12  }
0x118: {  	v29 =	vmul.f32 v20, v6;
	v22 =	vadd.f32 v13, v18;
	v13 =	vld [tilespmem:s8+$0xA0];
	(erf) = vpow2.f32 v21;
	v9 =	vmovc v18  }
0x119: {  	v6 =	vld [tilespmem:s6+$0x80];
	v18 =	vmul.f32 v23, v15;
	v10 =	vmul.f32 v15, v10;
	[tilespmem:s9+$0x60] =	vst v27;
	v19 =	vpop (erf)  }
0x11a: {  	v21 =	vmul.f32 v1, v29;
	v27 =	vperm.xlane v19, v0;
	v19 =	vld [tilespmem:s8+$0x70];
	[tilespmem:s9+$0xB0] =	vst v14;
	v12 =	vpop (erf)  }
0x11b: {  	v29 =	vld [tilespmem:s6+$0x50];
	v12 =	vperm.xlane v12, v0;
	[tilespmem:s9+$0xFFFFFFD0] =	vst v18;
	v10 =	vmul.f32 v1, v10  }
0x11c: {  	v14 =	vmul.f32 v25, v27;
	v11 =	vmul.f32 v27, v11;
	v18 =	vld [tilespmem:s8+$0xFFFFFFE0];
	[tilespmem:s9+$0x80] =	vst v21  }
0x11d: {  	v25 =	vld [tilespmem:s10+$0x10];
	v4 =	vmul.f32 v12, v4;
	[tilespmem:s9+$0xFFFFFFF0] =	vst v10;
	v10 =	vmul.f32 v13, v17;
	v13 =	vpop (erf)  }
0x11e: {  	v21 =	vmul.f32 v32, v12;
	v30 =	vld [tilespmem:s10+$0x0];
	[tilespmem:s9+$0xFFFFFF70] =	vst v14;
	v11 =	vmul.f32 v1, v11  }
0x11f: {  	v13 =	vperm.xlane v13, v0;
	v17 =	vmul.f32 v1, v4;
	v31 =	vld [tilespmem:s8+$0xFFFFFF80];
	[tilespmem:s9+$0xA0] =	vst v10;
	v32 =	vpop (erf)  }
0x120: {  	v33 =	vmul.f32 $2.000000030e-01, v22;
	v4 =	vld [tilespmem:s6+$0xFFFFFF60];
	[tilespmem:s9+$0xFFFFFF90] =	vst v11;
	v11 =	vmul.f32 v19, v20  }
0x121: {  	v24 =	vadd.f32 v24, v6;
	v35 =	vmul.f32 v13, v3;
	v10 =	vld [tilespmem:s6+$0xFFFFFFF0];
	v19 =	vmul.f32 v18, v15;
	v14 =	vpop (erf)  }
.Ltmp1:
0x122: {  	v18 =	vperm.xlane v32, v0;
	v23 =	vld [tilespmem:s10+$0xFFFFFFE0];
	v34 =	vadd.f32 v25, v29;
	v14 =	vperm.xlane v14, v0;
	[tilespmem:s9+$0x70] =	vst v11;
	(pc) =	sbr.rel @p0 .LBB2_5-.Ltmp1, $4  }
0x123: {  	v33 =	vmax.f32 v22, v33;
	v3 =	vmovc v29;
	v32 =	vmul.f32 $2.000000030e-01, v24;
	v20 =	vmul.f32 v1, v35;
	v15 =	vld [tilespmem:s6+$0xFFFFFFC0];
	[tilespmem:s9+$0xFFFFFFE0] =	vst v19  }
0x124: {  	v19 =	vadd.f32 v30, v26;
	v22 =	vmul.f32 v18, v2;
	v2 =	vmovc v26;
	v25 =	vld [tilespmem:s10+$0xFFFFFFD0];
	v35 =	vmul.f32 $2.000000030e-01, v34  }
0x125: {  	v29 =	vmul.f32 $1.442695020e+00, v33;
	v30 =	vmax.f32 v24, v32;
	v24 =	vmul.f32 v31, v27;
	v11 =	vld [tilespmem:s6+$0xFFFFFF90]  }
0x126: {  	v16 =	vmul.f32 v16, v18;
	v27 =	vld [tilespmem:s10+$0xFFFFFFC0];
	v28 =	vadd.f32 v28, v10;
	v26 =	vmax.f32 v34, v35  }
0x127: {  	v30 =	vmul.f32 $1.442695020e+00, v30;
	v8 =	vmul.f32 v14, v8  }
0x128: {  	(erf) = vpow2.f32 v29;
	v7 =	vmul.f32 v7, v13  }
0x129: {  	v26 =	vmul.f32 $1.442695020e+00, v26;
	v31 =	vmul.f32 $2.000000030e-01, v28  }
0x12a: {  	[tilespmem:s11+$0xFFFFFF40] =	vst v21;
	v5 =	vmul.f32 v5, v14;
	v54 =	vmul.f32 $2.000000030e-01, v19;
	v25 =	vadd.f32 v25, v11  }
0x12b: {  	[tilespmem:s11+$0x0] =	vst v16;
	v23 =	vadd.f32 v23, v15;
	v52 =	vld [tilespmem:s8+$0xFFFFFF50];
	(erf) = vpow2.f32 v30;
	v48 =	vmax.f32 v28, v31  }
0x12c: {  	v49 =	vld [tilespmem:s8+$0x10];
	v16 =	vmul.f32 $1.442695020e+00, v48;
	v51 =	vmul.f32 $2.000000030e-01, v25  }
0x12d: {  	v57 =	vmul.f32 v1, v22;
	[tilespmem:s11+$0xFFFFFFA0] =	vst v5;
	v56 =	vmul.f32 $2.000000030e-01, v23;
	v50 =	vadd.f32 v27, v4  }
0x12e: {  	v8 =	vmul.f32 v1, v8;
	[tilespmem:s11+$0x30] =	vst v7;
	v61 =	vld [tilespmem:s8+$0xFFFFFFB0];
	(erf) = vpow2.f32 v16;
	v25 =	vmax.f32 v25, v51  }
0x12f: {  	v55 =	vld [tilespmem:s8+$0x40];
	v63 =	vmax.f32 v23, v56;
	v53 =	vmul.f32 $2.000000030e-01, v50;
	v25 =	vmul.f32 $1.442695020e+00, v25  }
0x130: {  	v59 =	vld [tilespmem:s6+$0x90];
	[tilespmem:s11+$0xFFFFFF60] =	vst v17;
	v58 =	vmul.f32 v52, v12;
	v16 =	vmax.f32 v19, v54;
	v17 =	vmul.f32 $1.442695020e+00, v63  }
0x131: {  	[tilespmem:s11+$0xFFFFFF80] =	vst v24;
	v18 =	vmul.f32 v49, v18;
	v7 =	vmax.f32 v50, v53;
	(erf) = vpow2.f32 v25  }
0x132: {  	v24 =	vld [tilespmem:s6+$0x60];
	[tilespmem:s11+$0x20] =	vst v57;
	v16 =	vmul.f32 $1.442695020e+00, v16;
	v7 =	vmul.f32 $1.442695020e+00, v7;
	v60 =	vpop (erf)  }
0x133: {  	[tilespmem:s11+$0x50] =	vst v20;
	v31 =	vmul.f32 v61, v14;
	v62 =	vperm.xlane v60, v0  }
0x134: {  	[tilespmem:s11+$0xFFFFFFC0] =	vst v8;
	v25 =	vmul.f32 v55, v13;
	(erf) = vpow2.f32 v7;
	v28 =	vpop (erf)  }
0x135: {  	[tilespmem:s11+$0xFFFFFF50] =	vst v58;
	v29 =	vperm.xlane v28, v0;
	v12 =	vmul.f32 v59, v62  }
0x136: {  	s13 =	sadd.s32 $0x180, s9;
	v27 =	vld [tilespmem:s6+$0xFFFFFFD0];
	[tilespmem:s11+$0x10] =	vst v18;
	v9 =	vmul.f32 v62, v9;
	(erf) = vpow2.f32 v26  }
0x137: {  	v8 =	vmul.f32 v24, v29;
	[tilespmem:s13+$0x90] =	vst v12;
	v6 =	vmul.f32 v29, v6;
	v30 =	vpop (erf)  }
0x138: {  	[tilespmem:s11+$0xFFFFFFB0] =	vst v31;
	v9 =	vmul.f32 v1, v9;
	v12 =	vld [tilespmem:s6+$0xA0];
	v33 =	vperm.xlane v30, v0  }
0x139: {  	v32 =	vld [tilespmem:s6+$0xFFFFFF70];
	(erf) = vpow2.f32 v16;
	[tilespmem:s13+$0x60] =	vst v8;
	v6 =	vmul.f32 v1, v6  }
0x13a: {  	[tilespmem:s11+$0x40] =	vst v25;
	v37 =	vld [tilespmem:s6+$0x70];
	v10 =	vmul.f32 v33, v10;
	v35 =	vpop (erf);
	(erf) = vpow2.f32 v17  }
0x13b: {  	v43 =	vld [tilespmem:s6+$0xFFFFFF40];
	[tilespmem:s13+$0xB0] =	vst v9;
	v34 =	vmul.f32 v27, v33  }
0x13c: {  	[tilespmem:s13+$0x80] =	vst v6;
	v36 =	vperm.xlane v35, v0;
	v10 =	vmul.f32 v1, v10  }
0x13d: {  	v48 =	vld [tilespmem:s6+$0x30];
	[tilespmem:s13+$0xFFFFFFD0] =	vst v34;
	v41 =	vpop (erf);
	v7 =	vmul.f32 v12, v62  }
0x13e: {  	v39 =	vld [tilespmem:s6+$0xFFFFFFE0];
	v51 =	vperm.xlane v41, v0;
	v38 =	vmul.f32 v32, v36;
	[tilespmem:s13+$0xFFFFFFF0] =	vst v10  }
0x13f: {  	v44 =	vpop (erf);
	v42 =	vmul.f32 v36, v11;
	[tilespmem:s13+$0xA0] =	vst v7;
	v5 =	vmul.f32 v37, v29  }
0x140: {  	v40 =	vld [tilespmem:s6+$0x0];
	v12 =	vperm.xlane v44, v0;
	v6 =	vmul.f32 v43, v51;
	[tilespmem:s13+$0xFFFFFF70] =	vst v38  }
0x141: {  	v50 =	vld [tilespmem:s6+$0xFFFFFFA0];
	v56 =	vmul.f32 v51, v4;
	v45 =	vmul.f32 v1, v42;
	[tilespmem:s13+$0x70] =	vst v5  }
0x142: {  	v47 =	vpop (erf);
	v57 =	vmul.f32 v48, v12;
	[tilespmem:s13+$0xFFFFFF40] =	vst v6  }
0x143: {  	v46 =	vld [tilespmem:s6+$0xFFFFFF80];
	v49 =	vperm.xlane v47, v0;
	v4 =	vmul.f32 v1, v56;
	[tilespmem:s13+$0xFFFFFF90] =	vst v45;
	v54 =	vpop (erf)  }
0x144: {  	v52 =	vmul.f32 v39, v33;
	[tilespmem:s13+$0x30] =	vst v57;
	v55 =	vperm.xlane v54, v0  }
0x145: {  	v3 =	vmul.f32 v12, v3;
	v6 =	vld [tilespmem:s6+$0xFFFFFF50];
	v53 =	vmul.f32 v40, v49;
	[tilespmem:s13+$0xFFFFFF60] =	vst v4  }
0x146: {  	v2 =	vmul.f32 v49, v2;
	v5 =	vld [tilespmem:s6+$0x40];
	[tilespmem:s13+$0xFFFFFFE0] =	vst v52;
	v58 =	vmul.f32 v50, v55  }
0x147: {  	v3 =	vmul.f32 v1, v3;
	[tilespmem:s13+$0x0] =	vst v53  }
0x148: {  	v2 =	vmul.f32 v1, v2;
	v60 =	vld [tilespmem:s6+$0x10];
	[tilespmem:s13+$0xFFFFFFA0] =	vst v58  }
0x149: {  	[tilespmem:s13+$0x50] =	vst v3;
	v8 =	vmul.f32 v46, v36;
	v62 =	vld [tilespmem:s6+$0xFFFFFFB0]  }
0x14a: {  	v59 =	vmul.f32 v55, v15;
	v3 =	vmul.f32 v6, v51;
	[tilespmem:s13+$0x20] =	vst v2  }
0x14b: {  	s0 =	sadd.s32 $0x1, s0;
	[tilespmem:s13+$0xFFFFFF80] =	vst v8;
	v2 =	vmul.f32 v5, v12  }
0x14c: {  	p0 =	sne.s32 s0, $0x14;
	v61 =	vmul.f32 v1, v59;
	[tilespmem:s13+$0xFFFFFF50] =	vst v3  }
.Ltmp2:
0x14d: {  	[tilespmem:s13+$0x40] =	vst v2;
	v63 =	vmul.f32 v60, v49;
	(pc) =	sbr.rel @p0 .LBB2_2-.Ltmp2, $4  }
0x14e: {  	[tilespmem:s13+$0xFFFFFFC0] =	vst v61;
	v3 =	vmul.f32 v62, v55  }
0x14f: {  	s16 =	sand.u32 $0x3FFFFF80, s16;
	[tilespmem:s13+$0x10] =	vst v63  }
0x150: {  	s6 =	sadd.s32 $0x1400, s16;
	[tilespmem:s13+$0xFFFFFFB0] =	vst v3  }
0x151: {  	[spmem:s3] =	stream.indirect.scatter.add.f32 [tilespmem:s29], [sflag:$0x5], $0x30, s6, s20, $0xb8;
	[tilespmem:$0x12800] =	vst v63  }
0x152: {  	_ =	swait.ge [sflag:s25], $0x1800  }
0x153: {  	[sflag:s25] =	ssyncset.done $0x0  }
0x154: {  	[sflag:s25] =	ssyncadd.s32 $0xFFFFE800  }
0x155: {  	_ =	swait.ge [sflag:s25], $0x800  }
0x156: {  	[sflag:s25] =	ssyncset.done $0x0  }
0x157: {  	[sflag:s25] =	ssyncadd.s32 $0xFFFFF800  }
0x158: {  	_ =	swait.ge [sflag:s30], $0x1800  }
0x159: {  	[sflag:s30] =	ssyncset.done $0x0  }
0x15a: {  	[sflag:s30] =	ssyncadd.s32 $0xFFFFE800  }
0x15b: {  	s0 =	stileid.u32;
	_ =	swait.ge [sflag:s31], $0x1800  }
0x15c: {  	s6 =	sshrl.u32 s7, $0x3;
	s1 =	sadd.s32 $0x1, s1;
	[sflag:s31] =	ssyncset.done $0x0  }
0x15d: {  	s0 =	sshll.u32 s0, $0x6;
	p0 =	sne.s32 s1, s15;
	[sflag:s31] =	ssyncadd.s32 $0xFFFFE800  }
.Ltmp3:
0x15e: {  	s0 =	sor.u32 $0x1C06, s0;
	[bflag:$0x0] =	sbarrier.arrive $0xFFFF;
	(pc) =	sbr.rel @p0 .LBB2_1-.Ltmp3, $4  }
0x15f: {  	[hbm:s14], [sflag:s0] =	dma.local [spmem:s6], $0xF00  }
0x160: {  	_ =	swait.ge [sflag:s18], $0xF00  }
0x161: {  	[sflag:s18] =	ssyncset.done $0x0  }
0x162: {  	[sflag:s18] =	ssyncadd.s32 $0xFFFFF100  }
0x163: {  	_ =	sfence.sel $0x180000  }
0x164: {  	[bflag:$0x0] =	sbarrier.arrive $0xFFFF  }
0x165: {  	_ =	strace $0x9000004A  }
0x166: {  	s0 =	stileid.u32;
	[bflag:$0x2] =	sbarrier.arrive $0xFFFF  }
0x167: {  	p0 =	sne.s32 s0, $0x0;
	s0 =	rddreg [dreg:$0x3]  }
0x168: {  	s0 =	sadd.s32 @!p0 $0x100000, s0  }
0x169: {  	[sflag:s0] =	ssyncadd.tile.s32 @!p0 $0x1;
	_ =	shalt  }
.Lfunc_end2:
_tile_overlayer_lowered:
.L_overlay_start_2:
0x16a: {  	(tag) =	ssettag $0x2  }
0x16b: {  	s0 =	rddreg [dreg:$0x0];
	s2 =	stileid.u32  }
0x16c: {  	s1 =	rddreg [dreg:$0x1];
	p0 =	sne.s32 s2, $0x0  }
0x16d: {  	s3 =	rddreg [dreg:$0x2];
	[bflag:$0x3] =	sbarrier.arrive $0xFFFF;
	s2 =	simm.s32 @!p0 $0x1C06  }
0x16e: {  	[timem:s3], [sflag:s2] =	dma.local @!p0 [hbm:s0], s1  }
0x16f: {  	s0 =	simm.s32 @!p0 $0x6  }
0x170: {  	_ =	swait.ge @!p0 [sflag:s0], s1  }
0x171: {  	s1 =	ssub.s32 @!p0 $0x0, s1;
	[sflag:s0] =	ssyncset.done @!p0 $0x0  }
0x172: {  	[sflag:s0] =	ssyncadd.s32 @!p0 s1  }
0x173: {  	[bflag:$0x3] =	sbarrier.arrive $0xFFFF  }
0x174: {  	_ =	shalt  }

// kernel: kernel.7.cloned.1.call-start
scs
__scs_entry_jumppad:
0x0: {  	(pc) =	sbr.rel $0x88, $3  }
0x1: {  	(tag) =	ssettag $0x0;
	lr =	simm.s32 $0x1  }
0x2: {  	[smem:$0x3F97] =	sst lr;
	_ =	strace $0xD0000000  }
0x3: {  	_ = 	snop  }
0x4: {  	_ = 	snop  }
0x5: {  	_ = 	snop  }
0x6: {  	_ = 	snop  }
0x7: {  	_ = 	snop  }
__scs_overlays_trampoline_lowered:
0x8: {  	[smem:$0x3FA6] =	sst s0  }
0x9: {  	[smem:$0x3FA7] =	sst s1  }
0xa: {  	[smem:$0x3FA8] =	sst s2  }
0xb: {  	[smem:$0x3FA9] =	sst s3  }
0xc: {  	[smem:$0x3FAA] =	sst s4  }
0xd: {  	[smem:$0x3FAB] =	sst s5  }
0xe: {  	[smem:$0x3FAC] =	sst s6  }
0xf: {  	[smem:$0x3FAD] =	sst s7  }
0x10: {  	[smem:$0x3FAE] =	sst s8  }
0x11: {  	[smem:$0x3FAF] =	sst s9;
	s0 =	simm.s32 @!p0 $0x0  }
0x12: {  	s1 =	sld [smem:$0x3F95];
	s0 =	simm.s32 @p0 $0x1  }
0x13: {  	[smem:$0x3FB0] =	sst s0;
	s0 =	simm.s32 @!p1 $0x0  }
0x14: {  	s2 =	sld [smem:$0x3F94];
	s0 =	simm.s32 @p1 $0x1  }
0x15: {  	[smem:$0x3FB1] =	sst s0;
	s0 =	simm.s32 @!p2 $0x0  }
0x16: {  	s3 =	sld [smem:$0x3FDB];
	s0 =	simm.s32 @p2 $0x1  }
0x17: {  	s4 =	simm.s32 $0x1BF5;
	[smem:$0x3FB3] =	sst s0  }
0x18: {  	s0 =	sld [smem:$0x3F96];
	_ =	swait.ge [sflag:s4], $0x0  }
0x19: {  	s7 =	sld [smem:$0x3F97]  }
0x1a: {  	s8 =	sadd.s32 $0xFFFFE003, lr  }
0x1b: {  	s9 =	sadd.s32 $0xFFFFFEF7, lr;
	s5 =	simm.s32 $0xFFFFFFFF;
	p2 =	slt.u32 s8, $0xFFFFF086  }
0x1c: {  	p1 =	slt.u32 s9, $0xF7A;
	s5 =	simm.s32 @!p2 $0x0  }
0x1d: {  	s5 =	simm.s32 @p1 $0x1;
	p0 =	seq.s32 s7, s2  }
0x1e: {  	s7 =	smul.u32 @!p0 $0xF7A, s2;
	p2 =	seq.s32 @!p0 s5, $0x0  }
0x1f: {  	s9 =	smul.u32 $0xF7A, s1;
	s8 =	simm.s32 @!p0 $0x1BF5;
	p2 =	por !p2, p0  }
0x20: {  	[sflag:s8] =	ssyncset.s32 @!p0 $0xFFFFF086;
	s6 =	sadd.s32 @!p0 s3, s7;
	s7 =	simm.s32 @!p0 $0x108  }
0x21: {  	s3 =	sadd.s32 s3, s9;
	s6 =	sadd.s32 @!p0 $0x88, s6;
	s7 =	simm.s32 @p2 $0x1082  }
0x22: {  	[simem:s7], [sflag:s8] =	dma.local @!p0 [hbm:s6], $0xF7A  }
0x23: {  	s9 =	sor.u32 $0xD0000000, s2;
	s6 =	simm.s32 $0x108;
	_ =	swait.ge @!p0 [sflag:s8], $0x0  }
0x24: {  	s3 =	sadd.s32 $0x88, s3;
	s6 =	simm.s32 @!p1 $0x1082;
	[sflag:s4] =	ssyncset.s32 $0xFFFFF086  }
0x25: {  	[simem:s6], [sflag:s4] =	dma.local [hbm:s3], $0xF7A  }
0x26: {  	[smem:$0x3F97] =	sst s1;
	(tag) =	ssettag s2;
	_ =	strace s9  }
0x27: {  	s1 =	sld [smem:$0x3FA7]  }
0x28: {  	s2 =	sld [smem:$0x3FA8]  }
0x29: {  	s4 =	sld [smem:$0x3FAA]  }
0x2a: {  	p0 =	seq.s32 s5, $0x0;
	s5 =	sld [smem:$0x3FAB]  }
0x2b: {  	s6 =	sld [smem:$0x3FAC]  }
0x2c: {  	s7 =	sld [smem:$0x3FAD]  }
0x2d: {  	s3 =	simm.s32 $0x108;
	s8 =	sld [smem:$0x3FAE]  }
0x2e: {  	s3 =	simm.s32 @!p0 $0x1082;
	s9 =	sld [smem:$0x3FAF]  }
0x2f: {  	lr =	sadd.s32 s0, s3;
	s0 =	sld [smem:$0x3FA6]  }
0x30: {  	s3 =	sld [smem:$0x3FA9]  }
0x31: {  	[smem:$0x3FB2] =	sst s10  }
0x32: {  	s10 =	sld [smem:$0x3FB0];
	_ =	sdelay $0x3  }
0x33: {  	p0 =	seq.s32 s10, $0x1;
	s10 =	sld [smem:$0x3FB2];
	_ =	sdelay $0x3  }
0x34: {  	[smem:$0x3FB2] =	sst s10  }
0x35: {  	s10 =	sld [smem:$0x3FB1];
	_ =	sdelay $0x3  }
0x36: {  	p1 =	seq.s32 s10, $0x1;
	s10 =	sld [smem:$0x3FB2];
	_ =	sdelay $0x3  }
0x37: {  	[smem:$0x3FB2] =	sst s10  }
0x38: {  	s10 =	sld [smem:$0x3FB3]  }
0x39: {  	_ = 	snop;
	(pc) =	sbr.ind lr, $3  }
0x3a: {  	_ = 	snop  }
0x3b: {  	_ = 	snop  }
0x3c: {  	p2 =	seq.s32 s10, $0x1;
	s10 =	sld [smem:$0x3FB2]  }
0x3d: {  	_ =	shalt  }
0x3e: {  	_ =	shalt  }
0x3f: {  	_ =	shalt  }
0x40: {  	_ =	shalt  }
0x41: {  	_ =	shalt  }
0x42: {  	_ =	shalt  }
0x43: {  	_ =	shalt  }
0x44: {  	_ =	shalt  }
0x45: {  	_ =	shalt  }
0x46: {  	_ =	shalt  }
0x47: {  	_ =	shalt  }
0x48: {  	_ =	shalt  }
0x49: {  	_ =	shalt  }
0x4a: {  	_ =	shalt  }
0x4b: {  	_ =	shalt  }
0x4c: {  	_ =	shalt  }
0x4d: {  	_ =	shalt  }
0x4e: {  	_ =	shalt  }
0x4f: {  	_ =	shalt  }
0x50: {  	_ =	shalt  }
0x51: {  	_ =	shalt  }
0x52: {  	_ =	shalt  }
0x53: {  	_ =	shalt  }
0x54: {  	_ =	shalt  }
0x55: {  	_ =	shalt  }
0x56: {  	_ =	shalt  }
0x57: {  	_ =	shalt  }
0x58: {  	_ =	shalt  }
0x59: {  	_ =	shalt  }
0x5a: {  	_ =	shalt  }
0x5b: {  	_ =	shalt  }
0x5c: {  	_ =	shalt  }
0x5d: {  	_ =	shalt  }
0x5e: {  	_ =	shalt  }
0x5f: {  	_ =	shalt  }
0x60: {  	_ =	shalt  }
0x61: {  	_ =	shalt  }
0x62: {  	_ =	shalt  }
0x63: {  	_ =	shalt  }
0x64: {  	_ =	shalt  }
0x65: {  	_ =	shalt  }
0x66: {  	_ =	shalt  }
0x67: {  	_ =	shalt  }
0x68: {  	_ =	shalt  }
0x69: {  	_ =	shalt  }
0x6a: {  	_ =	shalt  }
0x6b: {  	_ =	shalt  }
0x6c: {  	_ =	shalt  }
0x6d: {  	_ =	shalt  }
0x6e: {  	_ =	shalt  }
0x6f: {  	_ =	shalt  }
0x70: {  	_ =	shalt  }
0x71: {  	_ =	shalt  }
0x72: {  	_ =	shalt  }
0x73: {  	_ =	shalt  }
0x74: {  	_ =	shalt  }
0x75: {  	_ =	shalt  }
0x76: {  	_ =	shalt  }
0x77: {  	_ =	shalt  }
0x78: {  	_ =	shalt  }
0x79: {  	_ =	shalt  }
0x7a: {  	_ =	shalt  }
0x7b: {  	_ =	shalt  }
0x7c: {  	_ =	shalt  }
0x7d: {  	_ =	shalt  }
0x7e: {  	_ =	shalt  }
0x7f: {  	_ =	shalt  }
0x80: {  	_ =	shalt  }
0x81: {  	_ =	shalt  }
0x82: {  	_ =	shalt  }
0x83: {  	_ =	shalt  }
0x84: {  	_ =	shalt  }
0x85: {  	_ =	shalt  }
0x86: {  	_ =	shalt  }
0x87: {  	_ =	shalt  }
.Lfunc_end0:
.L_simem_size_0:
called_computation_lowered:
.L_overlay_start_0:
0x88: {  	s2 =	sld [smem:$0x3FD9]  }
0x89: {  	s3 =	sld [smem:$0x3FFE];
	_ =	sdelay $0x1  }
0x8a: {  	s1 =	srdreg.scid  }
0x8b: {  	s0 =	sand.u32 $0x1, s1  }
0x8c: {  	s17 =	sshll.u32 s0, $0xA;
	s2 =	sadd.s32 s3, s2  }
0x8d: {  	s2 =	sadd.s32 s2, s17  }
0x8e: {  	[smem:$0x3FBE] =	sst s2  }
0x8f: {  	_ = 	snop  }
0x90: {  	s2 =	sld [smem:$0x3FD0];
	(tm) =	ssettm $0x1  }
0x91: {  	s18 =	sld [smem:$0x3FFB];
	_ =	sdelay $0x3  }
0x92: {  	_ =	strace s18  }
0x93: {  	s3 =	sld [smem:$0x3FFC];
	_ =	sdelay $0x3  }
0x94: {  	_ =	strace s3  }
0x95: {  	s3 =	sld [smem:$0x3FFD];
	_ =	sdelay $0x3  }
0x96: {  	_ =	strace s3  }
0x97: {  	_ =	strace $0x8FFFFFFF  }
0x98: {  	s19 =	sld [smem:$0x3FDB];
	_ =	sdelay $0x1  }
0x99: {  	s4 =	simm.s32 $_scs_section_size  }
0x9a: {  	s5 =	simm.s32 $_size__tile_overlayer_lowered;
	s6 =	simm.s32 $_tile_overlayer_lowered  }
0x9b: {  	s22 =	simm.s32 $0x1BFF;
	s21 =	sshll.u32 s6, $0x1;
	s3 =	sadd.s32 s4, s19  }
0x9c: {  	s7 =	simm.s32 $0x0;
	s20 =	sshll.u32 s5, $0x1;
	s5 =	sadd.s32 s21, s3  }
0x9d: {  	[timem:s7], [sflag:s22] =	dma.local [hbm:s5], s20  }
0x9e: {  	_ =	swait.ge [sflag:s22], s20  }
0x9f: {  	s4 =	ssub.s32 $0x0, s20;
	[sflag:s22] =	ssyncset.done $0x0  }
0xa0: {  	[sflag:s22] =	ssyncadd.s32 s4;
	_ =	sdelay $0x1  }
0xa1: {  	s23 =	simm.s32 $0x1B8B  }
0xa2: {  	_ =	swait.ge [sflag:s23], $0x1  }
0xa3: {  	[sflag:s23] =	ssyncset.done $0x0  }
0xa4: {  	s25 =	simm.s32 $0x1B8E;
	s24 =	sld [smem:$0x3FFE];
	[sflag:s23] =	ssyncadd.s32 $0xFFFFFFFF  }
0xa5: {  	s26 =	simm.s32 $execute0_lowered;
	[smem:$0x3FD2] =	sst s25  }
0xa6: {  	s5 =	sshll.u32 s26, $0x1;
	_ =	strace $0x80000046;
	[dreg:$0x1] =	wrdreg $0xFFFFFFFF  }
0xa7: {  	s28 =	simm.s32 $_size_execute0_lowered;
	s3 =	sadd.s32 s3, s5;
	[dreg:$0x0] =	wrdreg $0x0  }
0xa8: {  	s5 =	sshll.u32 s28, $0x1;
	[dreg:$0x2] =	wrdreg s3  }
0xa9: {  	[dreg:$0x3] =	wrdreg s5  }
0xaa: {  	[dreg:$0x4] =	wrdreg $0xC0  }
0xab: {  	_ =	task [dreg:s7], $0x5FFFF  }
0xac: {  	[dreg:$0x1] =	wrdreg $0xFFFFFFFF  }
0xad: {  	[dreg:$0x0] =	wrdreg $0x60  }
0xae: {  	[dreg:$0x2] =	wrdreg s24  }
0xaf: {  	[dreg:$0x3] =	wrdreg s2  }
0xb0: {  	[dreg:$0x4] =	wrdreg $0x100000  }
0xb1: {  	[dreg:$0x5] =	wrdreg $0x9  }
0xb2: {  	_ =	task.clear_ibuf [dreg:s7], $0x6FFFF;
	_ =	strace $0x90000046  }
0xb3: {  	s29 =	simm.s32 $0x9;
	_ =	strace $0x80000048  }
0xb4: {  	_ =	swait.ge [sflag:s29], $0x1  }
0xb5: {  	[sflag:s29] =	ssyncadd.s32 $0xFFFFFFFF  }
0xb6: {  	_ =	strace $0x90000048  }
0xb7: {  	_ =	sfence  }
0xb8: {  	s30 =	sld [smem:$0x0];
	_ =	sdelay $0x2  }
0xb9: {  	s31 =	sshll.u32 s1, $0xD;
	s1 =	sshrl.u32 s1, $0x2  }
0xba: {  	s3 =	sand.u32 $0x4000, s31;
	s1 =	sadd.s32 s1, s30  }
0xbb: {  	s0 =	sor.u32 s3, s0;
	s1 =	sshll.u32 s1, $0x11  }
0xbc: {  	s0 =	sor.u32 s1, s0  }
0xbd: {  	s0 =	sadd.s32 $0x8F2B, s0  }
0xbe: {  	[sflag:s0] =	ssyncadd.remote.s32 $0x1  }
0xbf: {  	_ =	sfence.sel $0xFFFF  }
0xc0: {  	[dreg:$0x0] =	wrdreg $0xFFFFFFFF;
	(pc) =	sbr.abs _section_cstart, $3  }
0xc1: {  	[dreg:$0x1] =	wrdreg $0xFFFFFFFF  }
0xc2: {  	_ =	task.clear_ibuf [dreg:s7], $0x2FFFF;
	_ =	strace $0x9FFFFFFF  }
0xc3: {  	(tm) =	ssettm $0x7FFFFFFF  }
tec
execute0_lowered:
.L_overlay_start_1:
0x0: {  	(tag) =	ssettag $0x1  }
0x1: {  	s0 =	srdreg.scid;
	s1 =	rddreg [dreg:$0x0]  }
0x2: {  	s9 =	stileid.u32;
	s2 =	rddreg [dreg:$0x1]  }
0x3: {  	s17 =	simm.s32 $0xD800;
	s18 =	simm.s32 $0x6;
	s19 =	simm.s32 $0x1  }
0x4: {  	s20 =	simm.s32 $0x80;
	s28 =	simm.s32 $0x3;
	s29 =	simm.s32 $0xB000  }
0x5: {  	s30 =	simm.s32 $0x4;
	s31 =	simm.s32 $0x5;
	s0 =	sand.u32 $0x1, s0  }
0x6: {  	s7 =	smul.u32 $0x1900, s9;
	s5 =	sadd.s32 $0x29C00, s1;
	s10 =	sadd.s32 $0x4CC00, s1  }
0x7: {  	s3 =	sshll.u32 s0, $0x4;
	s8 =	smul.u32 $0x19000, s0;
	s0 =	ssub.s32 $0x2, s0  }
0x8: {  	s4 =	sor.u32 s9, s3;
	s3 =	rddreg [dreg:$0x2];
	s9 =	smul.u32 $0x32000, s9  }
0x9: {  	s21 =	sshrl.u32 s0, $0x1;
	s6 =	smul.u32 $0x280, s4;
	s4 =	simm.s32 $0x0  }
0xa: {  	s7 =	sadd.s32 s7, s8;
	s0 =	ssub.s32 s0, s21;
	[smem:$0x7FF] =	sst s4  }
0xb: {  	s9 =	sshrl.u32 s9, $0x2;
	_ =	strace $0x80000047;
	s6 =	sadd.s32 s6, s1  }
0xc: {  	[dreg:$0x4] =	wrdreg s10;
	s1 =	sadd.s32 s7, s1;
	s22 =	sadd.s32 $0x47C00, s6  }
0xd: {  	s7 =	sadd.s32 s9, s3;
	s6 =	sadd.s32 $0x42C00, s6;
	[dreg:$0x5] =	wrdreg s22  }
0xe: {  	s21 =	simm.s32 $0x2800;
	s23 =	sadd.s32 $0x2800, s7;
	[dreg:$0x6] =	wrdreg s6  }
0xf: {  	s15 =	smax.u32 s0, $0x1;
	s24 =	sadd.s32 $0x5000, s7;
	[dreg:$0x7] =	wrdreg s23  }
0x10: {  	v4 =	vlaneseq.u32;
	s25 =	sadd.s32 $0x7800, s7;
	s26 =	sadd.s32 $0xA000, s7;
	[dreg:$0x8] =	wrdreg s24  }
0x11: {  	v5 =	vimm.f32 $0.0e+00;
	vm0 =	vcmask $0x1F00;
	v3 =	vshrl.u32 v4, $0x3;
	s14 =	sadd.s32 $0x4D200, s1;
	s1 =	simm.s32 $0x0;
	[dreg:$0x9] =	wrdreg s25  }
0x12: {  	v4 =	vor.u32 $0x8, v4;
	v5 =	vsel vm0, $0x3F800000, v5;
	v0 =	vor.u32 $0x8, v3;
	[dreg:$0xa] =	wrdreg s26;
	s22 =	simm.s32 $0x7800;
	s23 =	simm.s32 $0x5000  }
0x13: {  	v1 =	vor.u32 $0xA, v3;
	v2 =	vor.u32 $0xC, v3;
	v3 =	vor.u32 $0xE, v3;
	s24 =	simm.s32 $0x8000;
	s25 =	simm.s32 $0x2;
	s26 =	simm.s32 $0x8800  }
.LBB2_1:
0x14: {  	s0 =	rddreg [dreg:$0x5]  }
0x15: {  	[tilespmem:s4], [sflag:$0x1] =	stream.linear.gather [hbm4b:s0+s4], $0x1400, $0x38;
	[tilespmem:$0x1C800] =	vst v63  }
0x16: {  	s9 =	rddreg [dreg:$0x6];
	s6 =	simm.s32 $0x1400  }
0x17: {  	[tilespmem:s6], [sflag:$0x1] =	stream.linear.gather [hbm4b:s9+s4], $0x1400, $0x38;
	[tilespmem:$0x1C800] =	vst v63  }
0x18: {  	s10 =	rddreg [dreg:$0x4]  }
0x19: {  	[tilespmem:s17], [sflag:$0x6] =	stream.linear.gather [hbm4b:s10+s4], $0x2800, $0x38;
	[tilespmem:$0x1C800] =	vst v63  }
0x1a: {  	_ =	swait.ge [sflag:s18], $0x2800  }
0x1b: {  	[sflag:s18] =	ssyncset.done $0x0  }
0x1c: {  	[sflag:s18] =	ssyncadd.s32 $0xFFFFD800  }
0x1d: {  	[spmem:s7] =	stream.linear.scatter [tilespmem:s17], [sflag:$0x6], $0x2800, $0x38;
	[tilespmem:$0x1C800] =	vst v63  }
0x1e: {  	_ =	swait.ge [sflag:s18], $0x2800  }
0x1f: {  	[sflag:s18] =	ssyncset.done $0x0  }
0x20: {  	s11 =	rddreg [dreg:$0x7];
	[sflag:s18] =	ssyncadd.s32 $0xFFFFD800  }
0x21: {  	[spmem:s11] =	stream.linear.scatter [tilespmem:s17], [sflag:$0x6], $0x2800, $0x38;
	[tilespmem:$0x1C800] =	vst v63  }
0x22: {  	_ =	swait.ge [sflag:s18], $0x2800  }
0x23: {  	[sflag:s18] =	ssyncset.done $0x0  }
0x24: {  	s12 =	rddreg [dreg:$0x8];
	[sflag:s18] =	ssyncadd.s32 $0xFFFFD800  }
0x25: {  	[spmem:s12] =	stream.linear.scatter [tilespmem:s17], [sflag:$0x6], $0x2800, $0x38;
	[tilespmem:$0x1C800] =	vst v63  }
0x26: {  	_ =	swait.ge [sflag:s18], $0x2800  }
0x27: {  	[sflag:s18] =	ssyncset.done $0x0  }
0x28: {  	s13 =	rddreg [dreg:$0x9];
	[sflag:s18] =	ssyncadd.s32 $0xFFFFD800  }
0x29: {  	[spmem:s13] =	stream.linear.scatter [tilespmem:s17], [sflag:$0x6], $0x2800, $0x38;
	[tilespmem:$0x1C800] =	vst v63  }
0x2a: {  	_ =	swait.ge [sflag:s18], $0x2800  }
0x2b: {  	[sflag:s18] =	ssyncset.done $0x0  }
0x2c: {  	s16 =	rddreg [dreg:$0xa];
	[sflag:s18] =	ssyncadd.s32 $0xFFFFD800  }
0x2d: {  	[spmem:s16] =	stream.linear.scatter [tilespmem:s17], [sflag:$0x6], $0x2800, $0x38;
	[tilespmem:$0x1C800] =	vst v63  }
0x2e: {  	_ =	swait.ge [sflag:s18], $0x2800  }
0x2f: {  	[sflag:s18] =	ssyncset.done $0x0  }
0x30: {  	[sflag:s18] =	ssyncadd.s32 $0xFFFFD800  }
0x31: {  	_ =	swait.ge [sflag:s19], $0x1400  }
0x32: {  	[sflag:s19] =	ssyncset.done $0x0  }
0x33: {  	[sflag:s19] =	ssyncadd.s32 $0xFFFFEC00  }
0x34: {  	_ =	swait.ge [sflag:s19], $0x1400  }
0x35: {  	[sflag:s19] =	ssyncset.done $0x0  }
0x36: {  	[sflag:s19] =	ssyncadd.s32 $0xFFFFEC00  }
0x37: {  	[bflag:$0x0] =	sbarrier.arrive $0xFFFF  }
0x38: {  	[tilespmem:s21], [sflag:$0x2] =	stream.indirect.gather [hbm4b:s5+s20], $0x50, s4, s20, $0xb8;
	[tilespmem:$0x1C800] =	vst v63  }
0x39: {  	s0 =	simm.s32 $0x0  }
0x3a: {  	[tilespmem:s22], [sflag:$0x2] =	stream.indirect.gather [hbm4b:s2+s20], $0x10, s6, s20, $0xb8;
	[tilespmem:$0x1C800] =	vst v63  }
.LBB2_2:
0x3b: {  	s6 =	sshllo.u32 s0, $0x1  }
0x3c: {  	s16 =	sshll.u32 s6, $0x7  }
0x3d: {  	[tilespmem:s23], [sflag:$0x3] =	stream.indirect.gather [hbm4b:s5+s20], $0x50, s16, s20, $0xb8;
	[tilespmem:$0x1C800] =	vst v63  }
0x3e: {  	s6 =	sadd.s32 $0x1400, s16  }
0x3f: {  	[tilespmem:s24], [sflag:$0x3] =	stream.indirect.gather [hbm4b:s2+s20], $0x10, s6, s20, $0xb8;
	[tilespmem:$0x1C800] =	vst v63  }
0x40: {  	_ =	swait.ge [sflag:s25], $0x2800  }
0x41: {  	[sflag:s25] =	ssyncset.done $0x0  }
0x42: {  	[sflag:s25] =	ssyncadd.s32 $0xFFFFD800  }
0x43: {  	_ =	swait.ge [sflag:s25], $0x800  }
0x44: {  	p0 =	seq.s32 s0, $0x0;
	[sflag:s25] =	ssyncset.done $0x0  }
0x45: {  	s6 =	simm.s32 @!p0 $0x4;
	[sflag:s25] =	ssyncadd.s32 $0xFFFFF800  }
0x46: {  	_ =	swait.ge @!p0 [sflag:s6], $0x2800  }
0x47: {  	[sflag:s6] =	ssyncset.done @!p0 $0x0  }
0x48: {  	s11 =	simm.s32 $0x2940;
	[sflag:s6] =	ssyncadd.s32 @!p0 $0xFFFFD800  }
0x49: {  	s13 =	simm.s32 $0x7840;
	v16 =	vld [tilespmem:s11+$0x130]  }
0x4a: {  	v6 =	vld [tilespmem:s13+$0x30]  }
0x4b: {  	v7 =	vld [tilespmem:s13+$0xFFFFFFC0]  }
0x4c: {  	v17 =	vld [tilespmem:s11+$0xFFFFFF50]  }
0x4d: {  	v8 =	vld [tilespmem:s13+$0xFFFFFFD0]  }
0x4e: {  	v14 =	vld [tilespmem:s11+$0xFFFFFFA0]  }
0x4f: {  	v9 =	vld [tilespmem:s13+$0xFFFFFFE0];
	v6 =	vadd.f32 v6, v16  }
0x50: {  	v18 =	vld [tilespmem:s11+$0xFFFFFFF0]  }
0x51: {  	v11 =	vld [tilespmem:s13+$0xFFFFFFF0];
	v10 =	vmul.f32 $2.000000030e-01, v6  }
0x52: {  	v13 =	vld [tilespmem:s11+$0x40]  }
0x53: {  	v8 =	vadd.f32 v8, v17;
	v6 =	vmax.f32 v6, v10;
	v10 =	vld [tilespmem:s13+$0x0]  }
0x54: {  	v15 =	vld [tilespmem:s11+$0x90];
	v9 =	vadd.f32 v9, v14;
	v6 =	vmul.f32 $1.442695020e+00, v6  }
0x55: {  	v21 =	vld [tilespmem:s13+$0x10];
	v12 =	vmul.f32 $2.000000030e-01, v8  }
0x56: {  	v20 =	vld [tilespmem:s11+$0xFFFFFF00];
	v11 =	vadd.f32 v11, v18;
	(erf) = vpow2.f32 v6;
	v6 =	vmul.f32 $2.000000030e-01, v9  }
0x57: {  	v19 =	vld [tilespmem:s11+$0xE0];
	v8 =	vmax.f32 v8, v12  }
0x58: {  	v12 =	vld [tilespmem:s13+$0x20];
	v6 =	vmax.f32 v9, v6;
	v9 =	vmul.f32 $2.000000030e-01, v11;
	v10 =	vadd.f32 v10, v13  }
0x59: {  	v8 =	vmul.f32 $1.442695020e+00, v8  }
0x5a: {  	v21 =	vadd.f32 v21, v15;
	v9 =	vmax.f32 v11, v9;
	v11 =	vmul.f32 $2.000000030e-01, v10  }
0x5b: {  	v7 =	vadd.f32 v7, v20;
	(erf) = vpow2.f32 v8;
	v6 =	vmul.f32 $1.442695020e+00, v6  }
0x5c: {  	v9 =	vmul.f32 $1.442695020e+00, v9;
	v8 =	vmax.f32 v10, v11;
	v10 =	vmul.f32 $2.000000030e-01, v21  }
0x5d: {  	(erf) = vpow2.f32 v6;
	v11 =	vadd.f32 v12, v19  }
0x5e: {  	v12 =	vld [tilespmem:s11+$0xF0];
	v8 =	vmul.f32 $1.442695020e+00, v8;
	v10 =	vmax.f32 v21, v10;
	v21 =	vmul.f32 $2.000000030e-01, v7  }
0x5f: {  	(erf) = vpow2.f32 v9;
	v6 =	vmul.f32 $2.000000030e-01, v11  }
0x60: {  	v9 =	vpop (erf);
	v10 =	vmul.f32 $1.442695020e+00, v10;
	(erf) = vpow2.f32 v8;
	v7 =	vmax.f32 v7, v21  }
0x61: {  	v22 =	vperm.xlane v9, v0;
	v6 =	vmax.f32 v11, v6;
	v7 =	vmul.f32 $1.442695020e+00, v7  }
0x62: {  	v11 =	vperm.xlane v9, v4;
	v6 =	vmul.f32 $1.442695020e+00, v6  }
0x63: {  	(erf) = vpow2.f32 v10;
	v10 =	vld [tilespmem:s11+$0xFFFFFF10];
	v8 =	vmul.f32 v12, v22  }
0x64: {  	s6 =	simm.s32 $0x8940;
	v26 =	vperm.xlane v9, v1;
	(erf) = vpow2.f32 v6  }
0x65: {  	v42 =	vmul.f32 v5, v11;
	[tilespmem:s6+$0xF0] =	vst v8;
	(erf) = vpow2.f32 v7;
	v8 =	vld [tilespmem:s11+$0xFFFFFF60];
	v7 =	vpop (erf)  }
0x66: {  	v6 =	vld [tilespmem:s11+$0x100];
	v12 =	vperm.xlane v7, v0;
	v22 =	vperm.xlane v7, v1  }
0x67: {  	v21 =	vld [tilespmem:s11+$0xFFFFFFB0];
	v23 =	vperm.xlane v7, v2;
	v24 =	vperm.xlane v7, v4;
	v25 =	vpop (erf)  }
0x68: {  	v10 =	vmul.f32 v10, v12;
	v12 =	vperm.xlane v25, v0  }
0x69: {  	v27 =	vld [tilespmem:s11+$0x0];
	v11 =	vperm.xlane v7, v3;
	v28 =	vpop (erf);
	v31 =	vperm.xlane v25, v1  }
0x6a: {  	v29 =	vld [tilespmem:s11+$0x50];
	v30 =	vperm.xlane v28, v0;
	v24 =	vmul.f32 v5, v24  }
0x6b: {  	s9 =	simm.s32 $0x78C0;
	v32 =	vld [tilespmem:s11+$0xFFFFFEC0];
	v6 =	vmul.f32 v6, v26;
	v8 =	vmul.f32 v8, v12  }
0x6c: {  	v41 =	vld [tilespmem:s9+$0x30];
	v21 =	vmul.f32 v21, v30;
	[tilespmem:s6+$0xFFFFFF10] =	vst v10;
	v10 =	vperm.xlane v28, v1;
	v12 =	vpop (erf)  }
0x6d: {  	v26 =	vld [tilespmem:s11+$0xA0];
	v17 =	vmul.f32 v24, v17;
	[tilespmem:s6+$0x100] =	vst v6;
	v33 =	vperm.xlane v12, v0;
	v34 =	vpop (erf)  }
0x6e: {  	v43 =	vld [tilespmem:s9+$0xFFFFFFD0];
	[tilespmem:s6+$0xFFFFFF60] =	vst v8;
	v6 =	vperm.xlane v34, v0;
	v53 =	vperm.xlane v34, v2  }
0x6f: {  	v37 =	vld [tilespmem:s11+$0xFFFFFF70];
	v30 =	vpop (erf);
	v57 =	vperm.xlane v34, v4;
	v8 =	vmul.f32 v27, v33  }
0x70: {  	v35 =	vld [tilespmem:s11+$0x110];
	v27 =	vperm.xlane v30, v0;
	v47 =	vpop (erf);
	v49 =	vperm.xlane v30, v1  }
0x71: {  	v36 =	vld [tilespmem:s11+$0xFFFFFF20];
	[tilespmem:s6+$0xFFFFFFB0] =	vst v21;
	v6 =	vmul.f32 v29, v6;
	v21 =	vperm.xlane v47, v0  }
0x72: {  	v62 =	vld [tilespmem:s9+$0xFFFFFFF0];
	v55 =	vperm.xlane v30, v2;
	[tilespmem:s6+$0x0] =	vst v8;
	v8 =	vmul.f32 v26, v27  }
0x73: {  	v29 =	vld [tilespmem:s11+$0xFFFFFFC0];
	v26 =	vperm.xlane v9, v2;
	[tilespmem:s6+$0x50] =	vst v6;
	v6 =	vmul.f32 v32, v21  }
0x74: {  	v58 =	vperm.xlane v30, v4;
	v38 =	vld [tilespmem:s11+$0x10];
	v31 =	vmul.f32 v37, v31;
	[tilespmem:s6+$0xA0] =	vst v8  }
0x75: {  	v7 =	vperm.xlane v30, v3;
	v48 =	vld [tilespmem:s11+$0x60];
	v8 =	vmul.f32 v35, v26;
	[tilespmem:s6+$0xFFFFFEC0] =	vst v6  }
0x76: {  	v27 =	vperm.xlane v47, v1;
	v6 =	vmul.f32 v36, v22;
	v22 =	vld [tilespmem:s11+$0xB0];
	[tilespmem:s6+$0xFFFFFF70] =	vst v31  }
0x77: {  	v9 =	vperm.xlane v9, v3;
	v21 =	vperm.xlane v12, v1;
	v50 =	vld [tilespmem:s11+$0xFFFFFED0];
	[tilespmem:s6+$0x110] =	vst v8  }
0x78: {  	v26 =	vperm.xlane v34, v1;
	v8 =	vmul.f32 v29, v10;
	v52 =	vld [tilespmem:s11+$0xFFFFFF80];
	[tilespmem:s6+$0xFFFFFF20] =	vst v6  }
0x79: {  	v32 =	vmul.f32 v5, v57;
	v21 =	vmul.f32 v38, v21;
	v51 =	vld [tilespmem:s11+$0xFFFFFF30]  }
0x7a: {  	v35 =	vmul.f32 v5, v58;
	v6 =	vld [tilespmem:s11+$0x120];
	[tilespmem:s6+$0xFFFFFFC0] =	vst v8;
	v26 =	vmul.f32 v48, v26  }
0x7b: {  	v31 =	vperm.xlane v28, v2;
	v39 =	vld [tilespmem:s11+$0xFFFFFFD0];
	[tilespmem:s6+$0x10] =	vst v21;
	v21 =	vmul.f32 v22, v49  }
0x7c: {  	v45 =	vld [tilespmem:s9+$0x10];
	v10 =	vperm.xlane v47, v2;
	v22 =	vmul.f32 v50, v27;
	[tilespmem:s6+$0x60] =	vst v26  }
0x7d: {  	v29 =	vperm.xlane v25, v2;
	v35 =	vmul.f32 v35, v19;
	v27 =	vld [tilespmem:s11+$0x20];
	[tilespmem:s6+$0xB0] =	vst v21  }
0x7e: {  	v26 =	vperm.xlane v47, v4;
	v54 =	vld [tilespmem:s11+$0x70];
	[tilespmem:s6+$0xFFFFFED0] =	vst v22;
	v22 =	vmul.f32 v51, v23  }
0x7f: {  	v21 =	vmul.f32 v52, v29;
	v29 =	vmul.f32 v6, v9;
	v6 =	vld [tilespmem:s11+$0xC0]  }
0x80: {  	v8 =	vperm.xlane v12, v2;
	v56 =	vld [tilespmem:s11+$0xFFFFFEE0];
	v9 =	vmul.f32 v39, v31;
	[tilespmem:s6+$0xFFFFFF30] =	vst v22  }
0x81: {  	v23 =	vperm.xlane v25, v4;
	v26 =	vmul.f32 v5, v26;
	[tilespmem:s6+$0xFFFFFF80] =	vst v21;
	v31 =	vld [tilespmem:s11+$0xFFFFFF40]  }
0x82: {  	v25 =	vperm.xlane v25, v3;
	v8 =	vmul.f32 v27, v8;
	v27 =	vld [tilespmem:s11+$0xFFFFFF90];
	[tilespmem:s6+$0xFFFFFFD0] =	vst v9  }
0x83: {  	s8 =	simm.s32 $0x2BC0;
	v21 =	vperm.xlane v12, v4;
	v12 =	vperm.xlane v12, v3;
	v59 =	vld [tilespmem:s11+$0xFFFFFFE0]  }
0x84: {  	v9 =	vmul.f32 v54, v53;
	[tilespmem:s6+$0x20] =	vst v8;
	v36 =	vmul.f32 v6, v55;
	v6 =	vld [tilespmem:s8+$0x130]  }
0x85: {  	v22 =	vperm.xlane v28, v4;
	v23 =	vmul.f32 v5, v23;
	v60 =	vld [tilespmem:s11+$0x30]  }
0x86: {  	v28 =	vperm.xlane v28, v3;
	v26 =	vmul.f32 v26, v20;
	[tilespmem:s6+$0x70] =	vst v9;
	v9 =	vld [tilespmem:s8+$0xFFFFFF50]  }
0x87: {  	v21 =	vmul.f32 v5, v21;
	v37 =	vmul.f32 v56, v10;
	v10 =	vld [tilespmem:s8+$0xFFFFFFA0]  }
0x88: {  	v22 =	vmul.f32 v5, v22;
	v30 =	vmul.f32 v31, v11;
	v31 =	vld [tilespmem:s9+$0xFFFFFFE0]  }
0x89: {  	v20 =	vld [tilespmem:s9+$0x0];
	[tilespmem:s6+$0xFFFFFF50] =	vst v17;
	v17 =	vmul.f32 v42, v16;
	v23 =	vmul.f32 v23, v14;
	v41 =	vadd.f32 v41, v6  }
0x8a: {  	v8 =	vperm.xlane v47, v3;
	v22 =	vmul.f32 v22, v18;
	v11 =	vld [tilespmem:s8+$0xFFFFFFF0]  }
0x8b: {  	v14 =	vld [tilespmem:s8+$0x90];
	v25 =	vmul.f32 v27, v25;
	v63 =	vmul.f32 $2.000000030e-01, v41  }
0x8c: {  	v27 =	vmul.f32 v59, v28;
	v28 =	vmul.f32 v60, v12;
	v12 =	vld [tilespmem:s8+$0x40]  }
0x8d: {  	v44 =	vadd.f32 v43, v9;
	v18 =	vadd.f32 v31, v10;
	v24 =	vmax.f32 v41, v63  }
0x8e: {  	v61 =	vld [tilespmem:s9+$0xFFFFFFC0];
	v21 =	vmul.f32 v21, v13;
	v24 =	vmul.f32 $1.442695020e+00, v24  }
0x8f: {  	v13 =	vld [tilespmem:s8+$0xE0];
	v31 =	vmul.f32 $2.000000030e-01, v44;
	v38 =	vadd.f32 v62, v11;
	v46 =	vmul.f32 $2.000000030e-01, v18  }
0x90: {  	v39 =	vadd.f32 v45, v14;
	(erf) = vpow2.f32 v24;
	v24 =	vmul.f32 v32, v15;
	v15 =	vld [tilespmem:s8+$0xFFFFFF00]  }
0x91: {  	v47 =	vld [tilespmem:s9+$0x20];
	v31 =	vmax.f32 v44, v31;
	v19 =	vmul.f32 $2.000000030e-01, v38;
	v20 =	vadd.f32 v20, v12  }
0x92: {  	[tilespmem:s6+$0x120] =	vst v29;
	v29 =	vmul.f32 $2.000000030e-01, v39;
	v31 =	vmul.f32 $1.442695020e+00, v31  }
0x93: {  	v18 =	vmax.f32 v18, v46;
	v19 =	vmax.f32 v38, v19;
	v48 =	vmul.f32 $2.000000030e-01, v20  }
0x94: {  	v18 =	vmul.f32 $1.442695020e+00, v18;
	v19 =	vmul.f32 $1.442695020e+00, v19  }
0x95: {  	(erf) = vpow2.f32 v31;
	v20 =	vmax.f32 v20, v48;
	v49 =	vadd.f32 v61, v15  }
0x96: {  	v31 =	vadd.f32 v47, v13;
	(erf) = vpow2.f32 v18;
	v20 =	vmul.f32 $1.442695020e+00, v20  }
0x97: {  	v18 =	vmax.f32 v39, v29;
	(erf) = vpow2.f32 v19;
	v19 =	vmul.f32 $2.000000030e-01, v49  }
0x98: {  	v50 =	vld [tilespmem:s8+$0xF0];
	[tilespmem:s6+$0x130] =	vst v17;
	v29 =	vmul.f32 $2.000000030e-01, v31;
	v18 =	vmul.f32 $1.442695020e+00, v18  }
0x99: {  	[tilespmem:s6+$0xFFFFFF40] =	vst v30;
	(erf) = vpow2.f32 v20;
	v19 =	vmax.f32 v49, v19  }
0x9a: {  	v40 =	vld [tilespmem:s11+$0x80];
	[tilespmem:s6+$0xFFFFFF90] =	vst v25;
	v25 =	vmax.f32 v31, v29;
	(erf) = vpow2.f32 v18;
	v30 =	vpop (erf);
	v18 =	vmul.f32 $1.442695020e+00, v19  }
0x9b: {  	[tilespmem:s6+$0xFFFFFFE0] =	vst v27;
	v20 =	vmul.f32 $1.442695020e+00, v25;
	v27 =	vperm.xlane v30, v0  }
0x9c: {  	v34 =	vperm.xlane v34, v3;
	[tilespmem:s6+$0xFFFFFFA0] =	vst v23  }
0x9d: {  	v51 =	vld [tilespmem:s8+$0x0];
	[tilespmem:s6+$0xC0] =	vst v36;
	(erf) = vpow2.f32 v20;
	v19 =	vmul.f32 v50, v27  }
0x9e: {  	s10 =	simm.s32 $0x8BC0;
	[tilespmem:s6+$0x30] =	vst v28;
	v25 =	vld [tilespmem:s8+$0xFFFFFF10];
	(erf) = vpow2.f32 v18;
	v18 =	vpop (erf)  }
0x9f: {  	v34 =	vmul.f32 v40, v34;
	v28 =	vld [tilespmem:s8+$0xFFFFFF60];
	v16 =	vperm.xlane v30, v4;
	[tilespmem:s10+$0xF0] =	vst v19;
	v20 =	vpop (erf)  }
0xa0: {  	[tilespmem:s6+$0x90] =	vst v24;
	v24 =	vperm.xlane v30, v1;
	v31 =	vld [tilespmem:s8+$0x100];
	v23 =	vperm.xlane v20, v0  }
0xa1: {  	[tilespmem:s6+$0xFFFFFFF0] =	vst v22;
	v22 =	vld [tilespmem:s8+$0xFFFFFFB0];
	v19 =	vperm.xlane v18, v0;
	v29 =	vperm.xlane v18, v1  }
0xa2: {  	v53 =	vld [tilespmem:s8+$0xA0];
	[tilespmem:s6+$0x40] =	vst v21;
	v32 =	vperm.xlane v18, v2;
	v36 =	vperm.xlane v18, v4  }
0xa3: {  	[tilespmem:s6+$0xFFFFFEE0] =	vst v37;
	v21 =	vpop (erf);
	v54 =	vperm.xlane v20, v1;
	v19 =	vmul.f32 v25, v19;
	v25 =	vld [tilespmem:s8+$0x50]  }
0xa4: {  	v17 =	vld [tilespmem:s11+$0xFFFFFEF0];
	[tilespmem:s6+$0xFFFFFF00] =	vst v26;
	v52 =	vperm.xlane v21, v0;
	v28 =	vmul.f32 v28, v23;
	v23 =	vpop (erf)  }
0xa5: {  	v27 =	vld [tilespmem:s8+$0xFFFFFEC0];
	[tilespmem:s10+$0xFFFFFF10] =	vst v19;
	v31 =	vmul.f32 v31, v24;
	v19 =	vperm.xlane v23, v0;
	v24 =	vpop (erf)  }
0xa6: {  	v55 =	vld [tilespmem:s8+$0xFFFFFF20];
	[tilespmem:s10+$0xFFFFFF60] =	vst v28;
	v28 =	vmul.f32 v22, v52;
	v56 =	vperm.xlane v24, v0  }
0xa7: {  	v58 =	vperm.xlane v21, v1;
	v57 =	vld [tilespmem:s8+$0xFFFFFF70];
	[tilespmem:s10+$0x100] =	vst v31;
	v22 =	vpop (erf);
	v19 =	vmul.f32 v51, v19  }
0xa8: {  	[tilespmem:s10+$0xFFFFFFB0] =	vst v28;
	v31 =	vperm.xlane v22, v0;
	v59 =	vld [tilespmem:s8+$0x110];
	v28 =	vmul.f32 v25, v56;
	v25 =	vpop (erf)  }
0xa9: {  	v52 =	vperm.xlane v21, v2;
	v62 =	vld [tilespmem:s8+$0xFFFFFFC0];
	v60 =	vperm.xlane v25, v0;
	[tilespmem:s10+$0x0] =	vst v19  }
0xaa: {  	v44 =	vperm.xlane v23, v1;
	v19 =	vld [tilespmem:s11+$0xD0];
	[tilespmem:s10+$0x50] =	vst v28;
	v28 =	vmul.f32 v53, v31  }
0xab: {  	[tilespmem:s6+$0x80] =	vst v34;
	v63 =	vperm.xlane v24, v1;
	v45 =	vld [tilespmem:s8+$0x10];
	v26 =	vmul.f32 v27, v60  }
0xac: {  	v34 =	vperm.xlane v24, v4;
	v31 =	vperm.xlane v30, v2;
	v27 =	vld [tilespmem:s8+$0x60];
	[tilespmem:s10+$0xA0] =	vst v28  }
0xad: {  	v47 =	vmul.f32 v57, v54;
	[tilespmem:s10+$0xFFFFFEC0] =	vst v26;
	v26 =	vmul.f32 v55, v29;
	v29 =	vld [tilespmem:s8+$0xB0]  }
0xae: {  	v61 =	vperm.xlane v25, v1;
	[tilespmem:s6+$0xE0] =	vst v35;
	v31 =	vmul.f32 v59, v31;
	v46 =	vld [tilespmem:s8+$0xFFFFFED0]  }
0xaf: {  	v49 =	vperm.xlane v25, v2;
	v48 =	vmul.f32 v62, v58;
	[tilespmem:s10+$0xFFFFFF70] =	vst v47  }
0xb0: {  	v53 =	vperm.xlane v23, v2;
	v30 =	vperm.xlane v30, v3;
	v54 =	vld [tilespmem:s8+$0xFFFFFF80];
	[tilespmem:s10+$0x110] =	vst v31  }
0xb1: {  	v28 =	vperm.xlane v22, v1;
	[tilespmem:s10+$0xFFFFFFC0] =	vst v48;
	v50 =	vmul.f32 v45, v44;
	v31 =	vld [tilespmem:s8+$0x120]  }
0xb2: {  	[tilespmem:s10+$0xFFFFFF20] =	vst v26;
	v26 =	vperm.xlane v20, v2;
	v56 =	vld [tilespmem:s8+$0xFFFFFFD0];
	v27 =	vmul.f32 v27, v63  }
0xb3: {  	v51 =	vld [tilespmem:s8+$0xFFFFFF30];
	[tilespmem:s10+$0x10] =	vst v50;
	v28 =	vmul.f32 v29, v28;
	v29 =	vmul.f32 v46, v61  }
0xb4: {  	v57 =	vperm.xlane v25, v4;
	v62 =	vperm.xlane v23, v4;
	v58 =	vld [tilespmem:s8+$0x20];
	[tilespmem:s10+$0x60] =	vst v27  }
0xb5: {  	v55 =	vperm.xlane v24, v2;
	v26 =	vmul.f32 v54, v26;
	v59 =	vld [tilespmem:s8+$0x70];
	[tilespmem:s10+$0xFFFFFED0] =	vst v29  }
0xb6: {  	v27 =	vperm.xlane v22, v2;
	v30 =	vmul.f32 v31, v30;
	[tilespmem:s10+$0xB0] =	vst v28;
	v60 =	vld [tilespmem:s8+$0xFFFFFEE0]  }
0xb7: {  	v61 =	vperm.xlane v21, v4;
	v28 =	vmul.f32 v56, v52;
	[tilespmem:s10+$0xFFFFFF80] =	vst v26;
	v46 =	vld [tilespmem:s8+$0xC0]  }
0xb8: {  	v26 =	vmul.f32 v5, v57;
	v31 =	vmul.f32 v51, v32;
	[tilespmem:s10+$0x120] =	vst v30  }
0xb9: {  	v29 =	vperm.xlane v20, v4;
	v33 =	vld [tilespmem:s8+$0xFFFFFF90];
	[tilespmem:s10+$0xFFFFFFD0] =	vst v28;
	v30 =	vmul.f32 v58, v53  }
0xba: {  	v32 =	vperm.xlane v22, v4;
	[tilespmem:s10+$0xFFFFFF30] =	vst v31;
	v35 =	vld [tilespmem:s8+$0xFFFFFFE0];
	v37 =	vmul.f32 v59, v55  }
0xbb: {  	v28 =	vmul.f32 v5, v36;
	v31 =	vld [tilespmem:s8+$0xFFFFFF40];
	[tilespmem:s10+$0x20] =	vst v30;
	v63 =	vmul.f32 v60, v49  }
0xbc: {  	v29 =	vmul.f32 v5, v29;
	v36 =	vld [tilespmem:s8+$0x30];
	[tilespmem:s10+$0x70] =	vst v37;
	v38 =	vmul.f32 v46, v27  }
0xbd: {  	s12 =	simm.s32 $0x8;
	s13 =	simm.s32 $0x2E40;
	s11 =	sshll.u32 s0, $0x1;
	v30 =	vmul.f32 v5, v61;
	v27 =	vmul.f32 v5, v62;
	v37 =	vld [tilespmem:s8+$0x80];
	[tilespmem:s10+$0xFFFFFEE0] =	vst v63  }
.LBB2_3:
0xbe: {  	v39 =	vld [tilespmem:s13+$0x130];
	v34 =	vmul.f32 v5, v34;
	v32 =	vmul.f32 v5, v32;
	[tilespmem:s10+$0xC0] =	vst v38;
	s9 =	sadd.s32 $0x80, s9  }
0xbf: {  	s12 =	sadd.s32 $0x8, s12;
	v25 =	vperm.xlane v25, v3;
	v16 =	vmul.f32 v5, v16;
	v38 =	vld [tilespmem:s9+$0x30]  }
0xc0: {  	v18 =	vperm.xlane v18, v3;
	v20 =	vperm.xlane v20, v3;
	p1 =	slt.u32 s12, $0x78;
	v40 =	vld [tilespmem:s9+$0xFFFFFFC0]  }
0xc1: {  	v21 =	vperm.xlane v21, v3;
	v23 =	vperm.xlane v23, v3;
	v41 =	vld [tilespmem:s13+$0xFFFFFF50]  }
0xc2: {  	v24 =	vperm.xlane v24, v3;
	v22 =	vperm.xlane v22, v3;
	v42 =	vld [tilespmem:s9+$0xFFFFFFD0]  }
0xc3: {  	v17 =	vmul.f32 v17, v8;
	v18 =	vmul.f32 v31, v18;
	v8 =	vmov v25;
	v43 =	vld [tilespmem:s13+$0xFFFFFFA0]  }
0xc4: {  	v20 =	vmul.f32 v33, v20;
	v21 =	vmul.f32 v35, v21;
	v25 =	vld [tilespmem:s9+$0xFFFFFFE0];
	v31 =	vadd.f32 v38, v39  }
0xc5: {  	v23 =	vmul.f32 v36, v23;
	v24 =	vmul.f32 v37, v24;
	v33 =	vld [tilespmem:s13+$0xFFFFFFF0];
	[tilespmem:s6+$0xFFFFFEF0] =	vst v17  }
0xc6: {  	v17 =	vld [tilespmem:s9+$0xFFFFFFF0];
	v35 =	vmul.f32 $2.000000030e-01, v31;
	[tilespmem:s10+$0xFFFFFF40] =	vst v18;
	v18 =	vmul.f32 v19, v7;
	v7 =	vmov v22  }
0xc7: {  	v26 =	vmul.f32 v26, v15;
	v15 =	vmul.f32 v28, v9;
	v19 =	vadd.f32 v42, v41;
	v22 =	vld [tilespmem:s13+$0x40];
	[tilespmem:s10+$0xFFFFFF90] =	vst v20  }
0xc8: {  	v28 =	vmul.f32 v29, v10;
	v20 =	vld [tilespmem:s9+$0x0];
	v35 =	vmax.f32 v31, v35;
	[tilespmem:s10+$0xFFFFFFE0] =	vst v21;
	v21 =	vmul.f32 v30, v11  }
0xc9: {  	v9 =	vmovc v41;
	v10 =	vmovc v43;
	v29 =	vmul.f32 $2.000000030e-01, v19;
	v25 =	vadd.f32 v25, v43;
	v30 =	vld [tilespmem:s13+$0x90];
	v31 =	vmul.f32 $1.442695020e+00, v35;
	[tilespmem:s10+$0x30] =	vst v23  }
0xca: {  	v27 =	vmul.f32 v27, v12;
	v23 =	vld [tilespmem:s9+$0x10];
	[tilespmem:s10+$0x80] =	vst v24;
	v24 =	vmul.f32 v34, v14;
	v11 =	vmov v33  }
0xcb: {  	v35 =	vmul.f32 $2.000000030e-01, v25;
	v17 =	vadd.f32 v17, v11;
	v33 =	vld [tilespmem:s13+$0xE0];
	(erf) = vpow2.f32 v31;
	[tilespmem:s6+$0xD0] =	vst v18;
	s6 =	smov.u32 s10  }
0xcc: {  	v16 =	vmul.f32 v16, v6;
	v34 =	vmax.f32 v19, v29;
	v29 =	vmul.f32 v32, v13;
	v18 =	vld [tilespmem:s9+$0x20];
	[tilespmem:s10+$0xFFFFFF50] =	vst v15  }
0xcd: {  	v6 =	vmovc v39;
	v15 =	vld [tilespmem:s13+$0xFFFFFF00];
	v31 =	vmax.f32 v25, v35;
	v32 =	vmul.f32 $2.000000030e-01, v17;
	v19 =	vadd.f32 v20, v22;
	[tilespmem:s10+$0xFFFFFFA0] =	vst v28  }
0xce: {  	v12 =	vmovc v22;
	v20 =	vmul.f32 $1.442695020e+00, v34;
	v28 =	vld [tilespmem:s13+$0xFFFFFEC0];
	v25 =	vmul.f32 $1.442695020e+00, v31;
	[tilespmem:s10+$0xFFFFFFF0] =	vst v21;
	v14 =	vmov v30  }
0xcf: {  	v21 =	vld [tilespmem:s13+$0xFFFFFF10];
	v30 =	vmax.f32 v17, v32;
	v17 =	vmul.f32 $2.000000030e-01, v19;
	v22 =	vadd.f32 v23, v14;
	[tilespmem:s10+$0x40] =	vst v27  }
0xd0: {  	v23 =	vld [tilespmem:s13+$0xFFFFFF60];
	v27 =	vmul.f32 $1.442695020e+00, v30;
	(erf) = vpow2.f32 v20;
	[tilespmem:s10+$0x90] =	vst v24;
	v13 =	vmov v33  }
0xd1: {  	v30 =	vld [tilespmem:s13+$0xFFFFFFB0];
	v17 =	vmax.f32 v19, v17;
	v19 =	vmul.f32 $2.000000030e-01, v22;
	v18 =	vadd.f32 v18, v13;
	[tilespmem:s10+$0x130] =	vst v16  }
0xd2: {  	v16 =	vadd.f32 v40, v15;
	v17 =	vmul.f32 $1.442695020e+00, v17;
	v20 =	vld [tilespmem:s13+$0xF0];
	(erf) = vpow2.f32 v25  }
0xd3: {  	v25 =	vld [tilespmem:s13+$0x0];
	v19 =	vmax.f32 v22, v19;
	v22 =	vmul.f32 $2.000000030e-01, v18;
	(erf) = vpow2.f32 v27  }
0xd4: {  	v24 =	vmul.f32 $2.000000030e-01, v16;
	v19 =	vmul.f32 $1.442695020e+00, v19;
	v27 =	vld [tilespmem:s13+$0x50];
	v31 =	vpop (erf)  }
0xd5: {  	v18 =	vmax.f32 v18, v22;
	v32 =	vld [tilespmem:s13+$0xA0];
	v22 =	vperm.xlane v31, v0;
	(erf) = vpow2.f32 v17  }
0xd6: {  	v16 =	vmax.f32 v16, v24;
	v33 =	vmul.f32 $1.442695020e+00, v18;
	(erf) = vpow2.f32 v19;
	v17 =	vld [tilespmem:s8+$0xFFFFFEF0];
	[tilespmem:s10+$0xFFFFFF00] =	vst v26  }
0xd7: {  	v24 =	vmul.f32 $1.442695020e+00, v16;
	v20 =	vmul.f32 v20, v22;
	v19 =	vld [tilespmem:s8+$0xD0];
	[tilespmem:s10+$0xE0] =	vst v29;
	s8 =	smov.u32 s13  }
0xd8: {  	v16 =	vperm.xlane v31, v4;
	s10 =	sadd.s32 $0x280, s10;
	(erf) = vpow2.f32 v33  }
0xd9: {  	[tilespmem:s10+$0xF0] =	vst v20;
	(erf) = vpow2.f32 v24;
	v18 =	vpop (erf)  }
0xda: {  	v22 =	vperm.xlane v18, v0;
	v26 =	vperm.xlane v18, v1;
	v24 =	vld [tilespmem:s13+$0x100]  }
0xdb: {  	v29 =	vperm.xlane v18, v2;
	v35 =	vperm.xlane v18, v4;
	v20 =	vpop (erf)  }
0xdc: {  	v22 =	vmul.f32 v21, v22;
	v33 =	vperm.xlane v20, v0;
	v21 =	vpop (erf)  }
0xdd: {  	v36 =	vperm.xlane v31, v1;
	v34 =	vperm.xlane v21, v0  }
0xde: {  	v37 =	vperm.xlane v20, v1;
	[tilespmem:s10+$0xFFFFFF10] =	vst v22;
	v41 =	vmul.f32 v23, v33;
	v23 =	vpop (erf)  }
0xdf: {  	v33 =	vld [tilespmem:s13+$0xFFFFFF20];
	v38 =	vperm.xlane v23, v0;
	v36 =	vmul.f32 v24, v36;
	v24 =	vpop (erf)  }
0xe0: {  	v30 =	vmul.f32 v30, v34;
	[tilespmem:s10+$0xFFFFFF60] =	vst v41;
	v34 =	vperm.xlane v24, v0  }
0xe1: {  	v40 =	vperm.xlane v21, v1;
	v39 =	vld [tilespmem:s13+$0xFFFFFF70];
	v38 =	vmul.f32 v25, v38;
	[tilespmem:s10+$0x100] =	vst v36;
	v22 =	vpop (erf)  }
0xe2: {  	[tilespmem:s10+$0xFFFFFFB0] =	vst v30;
	v27 =	vmul.f32 v27, v34;
	v30 =	vperm.xlane v22, v0;
	v34 =	vld [tilespmem:s13+$0x110];
	v25 =	vpop (erf)  }
0xe3: {  	v36 =	vperm.xlane v25, v0;
	v41 =	vperm.xlane v25, v1;
	v42 =	vld [tilespmem:s13+$0xFFFFFFC0];
	[tilespmem:s10+$0x0] =	vst v38  }
0xe4: {  	v38 =	vperm.xlane v23, v1;
	v43 =	vld [tilespmem:s13+$0x10];
	[tilespmem:s10+$0x50] =	vst v27;
	v27 =	vmul.f32 v32, v30  }
0xe5: {  	v32 =	vperm.xlane v31, v2;
	v28 =	vmul.f32 v28, v36;
	v30 =	vld [tilespmem:s13+$0x60]  }
0xe6: {  	v44 =	vperm.xlane v22, v1;
	v36 =	vperm.xlane v24, v1;
	[tilespmem:s10+$0xA0] =	vst v27  }
0xe7: {  	v26 =	vmul.f32 v33, v26;
	[tilespmem:s10+$0xFFFFFEC0] =	vst v28;
	v27 =	vld [tilespmem:s13+$0xB0];
	v28 =	vmul.f32 v34, v32  }
0xe8: {  	v33 =	vmul.f32 v39, v37;
	v32 =	vld [tilespmem:s13+$0xFFFFFED0];
	v34 =	vmul.f32 v42, v40  }
0xe9: {  	v37 =	vperm.xlane v25, v2;
	v38 =	vmul.f32 v43, v38;
	[tilespmem:s10+$0x110] =	vst v28  }
0xea: {  	[tilespmem:s10+$0xFFFFFF20] =	vst v26;
	v26 =	vperm.xlane v20, v2;
	v28 =	vmul.f32 v30, v36;
	v30 =	vld [tilespmem:s13+$0x120]  }
0xeb: {  	v39 =	vperm.xlane v23, v2;
	v36 =	vld [tilespmem:s13+$0xFFFFFF30];
	[tilespmem:s10+$0xFFFFFF70] =	vst v33;
	v33 =	vperm.xlane v21, v2  }
0xec: {  	v42 =	vperm.xlane v24, v2;
	v40 =	vld [tilespmem:s13+$0xFFFFFF80];
	[tilespmem:s10+$0xFFFFFFC0] =	vst v34;
	v27 =	vmul.f32 v27, v44  }
0xed: {  	v31 =	vperm.xlane v31, v3;
	v32 =	vmul.f32 v32, v41;
	v34 =	vld [tilespmem:s13+$0xFFFFFFD0];
	[tilespmem:s10+$0x10] =	vst v38  }
0xee: {  	v43 =	vperm.xlane v22, v2;
	v38 =	vperm.xlane v25, v4;
	v41 =	vld [tilespmem:s13+$0x20];
	[tilespmem:s10+$0x60] =	vst v28  }
0xef: {  	v44 =	vperm.xlane v20, v4;
	[tilespmem:s10+$0xFFFFFED0] =	vst v32;
	v28 =	vld [tilespmem:s13+$0x70];
	v30 =	vmul.f32 v30, v31  }
0xf0: {  	v46 =	vperm.xlane v21, v4;
	v45 =	vld [tilespmem:s13+$0xFFFFFEE0];
	v29 =	vmul.f32 v36, v29;
	[tilespmem:s10+$0xB0] =	vst v27  }
0xf1: {  	v27 =	vperm.xlane v23, v4;
	v26 =	vmul.f32 v40, v26;
	v40 =	vld [tilespmem:s13+$0xC0];
	[tilespmem:s10+$0x120] =	vst v30  }
0xf2: {  	[tilespmem:s10+$0xFFFFFF30] =	vst v29;
	v29 =	vmul.f32 v34, v33;
	v34 =	vperm.xlane v24, v4  }
.Ltmp0:
0xf3: {  	v32 =	vperm.xlane v22, v4;
	v31 =	vld [tilespmem:s13+$0xFFFFFF40];
	[tilespmem:s10+$0xFFFFFF80] =	vst v26;
	v30 =	vmul.f32 v41, v39;
	(pc) =	sbr.rel @p1 .LBB2_3-.Ltmp0, $4  }
0xf4: {  	v26 =	vmul.f32 v5, v38;
	v33 =	vld [tilespmem:s13+$0xFFFFFF90];
	[tilespmem:s10+$0xFFFFFFD0] =	vst v29;
	v38 =	vmul.f32 v28, v42  }
0xf5: {  	v28 =	vmul.f32 v5, v35;
	v37 =	vmul.f32 v45, v37;
	v35 =	vld [tilespmem:s13+$0xFFFFFFE0];
	[tilespmem:s10+$0x20] =	vst v30  }
0xf6: {  	v29 =	vmul.f32 v5, v44;
	v36 =	vld [tilespmem:s13+$0x30];
	[tilespmem:s10+$0x70] =	vst v38;
	v38 =	vmul.f32 v40, v43  }
0xf7: {  	v27 =	vmul.f32 v5, v27;
	v30 =	vmul.f32 v5, v46;
	s13 =	sadd.s32 $0x280, s13;
	[tilespmem:s10+$0xFFFFFEE0] =	vst v37;
	v37 =	vld [tilespmem:s8+$0x80]  }
0xf8: {  	v8 =	vmul.f32 v17, v8  }
0xf9: {  	v18 =	vperm.xlane v18, v3;
	[tilespmem:s10+$0xC0] =	vst v38;
	v7 =	vmul.f32 v19, v7  }
0xfa: {  	v20 =	vperm.xlane v20, v3;
	v9 =	vmul.f32 v28, v9;
	[tilespmem:s6+$0xFFFFFEF0] =	vst v8  }
0xfb: {  	v17 =	vperm.xlane v21, v3;
	v18 =	vmul.f32 v31, v18;
	[tilespmem:s6+$0xD0] =	vst v7  }
0xfc: {  	v20 =	vmul.f32 v33, v20;
	v8 =	vperm.xlane v24, v3;
	[tilespmem:s10+$0xFFFFFF50] =	vst v9  }
0xfd: {  	v21 =	vperm.xlane v23, v3;
	v17 =	vmul.f32 v35, v17;
	[tilespmem:s10+$0xFFFFFF40] =	vst v18  }
0xfe: {  	[tilespmem:s10+$0xFFFFFF90] =	vst v20;
	v8 =	vmul.f32 v37, v8  }
0xff: {  	v18 =	vmul.f32 v36, v21;
	[tilespmem:s10+$0xFFFFFFE0] =	vst v17  }
0x100: {  	v7 =	vmul.f32 v5, v34;
	[tilespmem:s10+$0x80] =	vst v8;
	v8 =	vmul.f32 v29, v10  }
0x101: {  	[tilespmem:s10+$0x30] =	vst v18;
	v10 =	vmul.f32 v30, v11  }
0x102: {  	v9 =	vmul.f32 v5, v16;
	v7 =	vmul.f32 v7, v14;
	[tilespmem:s10+$0xFFFFFFA0] =	vst v8;
	v8 =	vld [tilespmem:s8+$0xFFFFFEF0]  }
0x103: {  	v11 =	vmul.f32 v27, v12;
	[tilespmem:s10+$0xFFFFFFF0] =	vst v10;
	v10 =	vld [tilespmem:s8+$0xD0]  }
0x104: {  	v6 =	vmul.f32 v9, v6;
	v12 =	vmul.f32 v5, v32;
	[tilespmem:s10+$0x90] =	vst v7  }
0x105: {  	v9 =	vperm.xlane v25, v3;
	[tilespmem:s10+$0x40] =	vst v11;
	v11 =	vmul.f32 v26, v15  }
0x106: {  	v7 =	vperm.xlane v22, v3;
	[tilespmem:s10+$0x130] =	vst v6;
	v12 =	vmul.f32 v12, v13  }
0x107: {  	[tilespmem:s10+$0xFFFFFF00] =	vst v11;
	v6 =	vmul.f32 v8, v9  }
0x108: {  	s9 =	sshll.u32 s0, $0x8;
	[tilespmem:s10+$0xE0] =	vst v12;
	v7 =	vmul.f32 v10, v7  }
0x109: {  	s6 =	sand.u32 $0x3FFFFF00, s9;
	[tilespmem:s10+$0xFFFFFEF0] =	vst v6  }
0x10a: {  	s6 =	sadd.s32 $0x1400, s6;
	[tilespmem:s10+$0xD0] =	vst v7;
	s10 =	smin.u32 s11, $0x25  }
0x10b: {  	[spmem:s3] =	stream.indirect.scatter.add.f32 [tilespmem:s26], [sflag:$0x4], $0x50, s6, s20, $0xb8;
	[tilespmem:$0x1C800] =	vst v63  }
0x10c: {  	s6 =	sshll.u32 s10, $0x7  }
0x10d: {  	s11 =	sadd.s32 $0x100, s6  }
0x10e: {  	[tilespmem:s21], [sflag:$0x2] =	stream.indirect.gather [hbm4b:s5+s20], $0x50, s11, s20, $0xb8;
	[tilespmem:$0x1C800] =	vst v63  }
0x10f: {  	s6 =	sadd.s32 $0x1500, s6  }
0x110: {  	[tilespmem:s22], [sflag:$0x2] =	stream.indirect.gather [hbm4b:s2+s20], $0x10, s6, s20, $0xb8;
	[tilespmem:$0x1C800] =	vst v63  }
0x111: {  	_ =	swait.ge [sflag:s28], $0x2800  }
0x112: {  	[sflag:s28] =	ssyncset.done $0x0  }
0x113: {  	[sflag:s28] =	ssyncadd.s32 $0xFFFFD800  }
0x114: {  	_ =	swait.ge [sflag:s28], $0x800  }
0x115: {  	[sflag:s28] =	ssyncset.done $0x0  }
0x116: {  	s6 =	simm.s32 @!p0 $0x5;
	[sflag:s28] =	ssyncadd.s32 $0xFFFFF800  }
0x117: {  	_ =	swait.ge @!p0 [sflag:s6], $0x2800  }
0x118: {  	[sflag:s6] =	ssyncset.done @!p0 $0x0  }
0x119: {  	s12 =	simm.s32 $0x5140;
	[sflag:s6] =	ssyncadd.s32 @!p0 $0xFFFFD800  }
0x11a: {  	s13 =	simm.s32 $0x8040;
	v16 =	vld [tilespmem:s12+$0x130]  }
0x11b: {  	v6 =	vld [tilespmem:s13+$0x30]  }
0x11c: {  	v7 =	vld [tilespmem:s13+$0xFFFFFFC0]  }
0x11d: {  	v17 =	vld [tilespmem:s12+$0xFFFFFF50]  }
0x11e: {  	v8 =	vld [tilespmem:s13+$0xFFFFFFD0]  }
0x11f: {  	v14 =	vld [tilespmem:s12+$0xFFFFFFA0]  }
0x120: {  	v9 =	vld [tilespmem:s13+$0xFFFFFFE0];
	v6 =	vadd.f32 v6, v16  }
0x121: {  	v18 =	vld [tilespmem:s12+$0xFFFFFFF0]  }
0x122: {  	v11 =	vld [tilespmem:s13+$0xFFFFFFF0];
	v10 =	vmul.f32 $2.000000030e-01, v6  }
0x123: {  	v13 =	vld [tilespmem:s12+$0x40]  }
0x124: {  	v8 =	vadd.f32 v8, v17;
	v6 =	vmax.f32 v6, v10;
	v10 =	vld [tilespmem:s13+$0x0]  }
0x125: {  	v15 =	vld [tilespmem:s12+$0x90];
	v9 =	vadd.f32 v9, v14;
	v6 =	vmul.f32 $1.442695020e+00, v6  }
0x126: {  	v21 =	vld [tilespmem:s13+$0x10];
	v12 =	vmul.f32 $2.000000030e-01, v8  }
0x127: {  	v20 =	vld [tilespmem:s12+$0xFFFFFF00];
	v11 =	vadd.f32 v11, v18;
	(erf) = vpow2.f32 v6;
	v6 =	vmul.f32 $2.000000030e-01, v9  }
0x128: {  	v19 =	vld [tilespmem:s12+$0xE0];
	v8 =	vmax.f32 v8, v12  }
0x129: {  	v12 =	vld [tilespmem:s13+$0x20];
	v6 =	vmax.f32 v9, v6;
	v9 =	vmul.f32 $2.000000030e-01, v11;
	v10 =	vadd.f32 v10, v13  }
0x12a: {  	v8 =	vmul.f32 $1.442695020e+00, v8  }
0x12b: {  	v21 =	vadd.f32 v21, v15;
	v9 =	vmax.f32 v11, v9;
	v11 =	vmul.f32 $2.000000030e-01, v10  }
0x12c: {  	v7 =	vadd.f32 v7, v20;
	(erf) = vpow2.f32 v8;
	v6 =	vmul.f32 $1.442695020e+00, v6  }
0x12d: {  	v9 =	vmul.f32 $1.442695020e+00, v9;
	v8 =	vmax.f32 v10, v11;
	v10 =	vmul.f32 $2.000000030e-01, v21  }
0x12e: {  	v11 =	vadd.f32 v12, v19  }
0x12f: {  	(erf) = vpow2.f32 v6;
	v12 =	vld [tilespmem:s12+$0xF0];
	v10 =	vmax.f32 v21, v10;
	v21 =	vmul.f32 $2.000000030e-01, v7  }
0x130: {  	v8 =	vmul.f32 $1.442695020e+00, v8;
	v6 =	vmul.f32 $2.000000030e-01, v11  }
0x131: {  	(erf) = vpow2.f32 v9;
	v9 =	vpop (erf);
	v10 =	vmul.f32 $1.442695020e+00, v10;
	v7 =	vmax.f32 v7, v21  }
0x132: {  	v22 =	vperm.xlane v9, v0;
	v6 =	vmax.f32 v11, v6;
	v7 =	vmul.f32 $1.442695020e+00, v7  }
0x133: {  	(erf) = vpow2.f32 v8;
	v6 =	vmul.f32 $1.442695020e+00, v6  }
0x134: {  	(erf) = vpow2.f32 v10;
	v10 =	vld [tilespmem:s12+$0xFFFFFF10];
	v8 =	vmul.f32 v12, v22  }
0x135: {  	s6 =	simm.s32 $0xB140;
	v11 =	vperm.xlane v9, v4;
	(erf) = vpow2.f32 v6  }
0x136: {  	v21 =	vld [tilespmem:s12+$0xFFFFFFB0];
	v26 =	vperm.xlane v9, v1;
	[tilespmem:s6+$0xF0] =	vst v8;
	(erf) = vpow2.f32 v7;
	v7 =	vpop (erf)  }
0x137: {  	v42 =	vmul.f32 v5, v11;
	v6 =	vld [tilespmem:s12+$0x100];
	v12 =	vperm.xlane v7, v0  }
0x138: {  	v8 =	vld [tilespmem:s12+$0xFFFFFF60];
	v22 =	vperm.xlane v7, v1;
	v23 =	vperm.xlane v7, v2;
	v25 =	vpop (erf)  }
0x139: {  	v10 =	vmul.f32 v10, v12;
	v12 =	vperm.xlane v25, v0  }
0x13a: {  	v24 =	vperm.xlane v7, v4;
	v11 =	vperm.xlane v7, v3;
	v28 =	vpop (erf)  }
0x13b: {  	v27 =	vld [tilespmem:s12+$0x0];
	v31 =	vperm.xlane v25, v1;
	v30 =	vperm.xlane v28, v0  }
0x13c: {  	v29 =	vld [tilespmem:s12+$0x50];
	v24 =	vmul.f32 v5, v24;
	v6 =	vmul.f32 v6, v26  }
0x13d: {  	s9 =	simm.s32 $0x80C0;
	v61 =	vld [tilespmem:s12+$0xFFFFFEC0];
	v8 =	vmul.f32 v8, v12;
	v21 =	vmul.f32 v21, v30;
	v12 =	vpop (erf)  }
0x13e: {  	v41 =	vld [tilespmem:s9+$0x30];
	[tilespmem:s6+$0xFFFFFF10] =	vst v10;
	v10 =	vperm.xlane v28, v1;
	v17 =	vmul.f32 v24, v17;
	v63 =	vpop (erf)  }
0x13f: {  	v26 =	vld [tilespmem:s12+$0xA0];
	[tilespmem:s6+$0x100] =	vst v6;
	v62 =	vperm.xlane v12, v0;
	v6 =	vperm.xlane v63, v0  }
0x140: {  	v44 =	vld [tilespmem:s12+$0xFFFFFF20];
	[tilespmem:s6+$0xFFFFFF60] =	vst v8;
	v53 =	vperm.xlane v63, v2;
	v57 =	vperm.xlane v63, v4  }
0x141: {  	v46 =	vld [tilespmem:s12+$0xFFFFFF70];
	v30 =	vpop (erf);
	v34 =	vperm.xlane v63, v3;
	v8 =	vmul.f32 v27, v62  }
0x142: {  	v43 =	vld [tilespmem:s12+$0x110];
	v27 =	vperm.xlane v30, v0;
	v45 =	vpop (erf);
	v49 =	vperm.xlane v30, v1  }
0x143: {  	[tilespmem:s6+$0xFFFFFFB0] =	vst v21;
	v62 =	vld [tilespmem:s9+$0xFFFFFFF0];
	v6 =	vmul.f32 v29, v6;
	v21 =	vperm.xlane v45, v0  }
0x144: {  	v55 =	vperm.xlane v30, v2;
	v29 =	vld [tilespmem:s12+$0xFFFFFFC0];
	[tilespmem:s6+$0x0] =	vst v8;
	v8 =	vmul.f32 v26, v27  }
0x145: {  	v26 =	vperm.xlane v9, v2;
	v47 =	vld [tilespmem:s12+$0x10];
	[tilespmem:s6+$0x50] =	vst v6;
	v6 =	vmul.f32 v61, v21  }
0x146: {  	v58 =	vperm.xlane v30, v4;
	v31 =	vmul.f32 v46, v31;
	v48 =	vld [tilespmem:s12+$0x60];
	[tilespmem:s6+$0xA0] =	vst v8  }
0x147: {  	v8 =	vmul.f32 v43, v26;
	[tilespmem:s6+$0xFFFFFEC0] =	vst v6;
	v6 =	vmul.f32 v44, v22;
	v22 =	vld [tilespmem:s12+$0xB0]  }
0x148: {  	v7 =	vperm.xlane v30, v3;
	v32 =	vmul.f32 v5, v57;
	[tilespmem:s6+$0xFFFFFF70] =	vst v31;
	v50 =	vld [tilespmem:s12+$0xFFFFFED0]  }
0x149: {  	v27 =	vperm.xlane v45, v1;
	v21 =	vperm.xlane v12, v1;
	[tilespmem:s6+$0x110] =	vst v8;
	v52 =	vld [tilespmem:s12+$0xFFFFFF80]  }
0x14a: {  	v26 =	vperm.xlane v63, v1;
	v8 =	vmul.f32 v29, v10;
	[tilespmem:s6+$0xFFFFFF20] =	vst v6;
	v6 =	vld [tilespmem:s12+$0x120]  }
0x14b: {  	v9 =	vperm.xlane v9, v3;
	v21 =	vmul.f32 v47, v21;
	v51 =	vld [tilespmem:s12+$0xFFFFFF30]  }
0x14c: {  	v43 =	vld [tilespmem:s9+$0xFFFFFFD0];
	v31 =	vperm.xlane v28, v2;
	[tilespmem:s6+$0xFFFFFFC0] =	vst v8;
	v26 =	vmul.f32 v48, v26  }
0x14d: {  	v29 =	vperm.xlane v25, v2;
	v39 =	vld [tilespmem:s12+$0xFFFFFFD0];
	[tilespmem:s6+$0x10] =	vst v21;
	v21 =	vmul.f32 v22, v49  }
0x14e: {  	v22 =	vmul.f32 v50, v27;
	v27 =	vld [tilespmem:s12+$0x20];
	[tilespmem:s6+$0x60] =	vst v26;
	v26 =	vperm.xlane v45, v4  }
0x14f: {  	v54 =	vld [tilespmem:s12+$0x70];
	[tilespmem:s6+$0xB0] =	vst v21;
	v21 =	vmul.f32 v52, v29;
	v29 =	vmul.f32 v6, v9  }
0x150: {  	[tilespmem:s6+$0xFFFFFED0] =	vst v22;
	v22 =	vmul.f32 v51, v23;
	v6 =	vld [tilespmem:s12+$0xC0];
	v26 =	vmul.f32 v5, v26  }
0x151: {  	v35 =	vmul.f32 v5, v58;
	v8 =	vperm.xlane v12, v2;
	v56 =	vld [tilespmem:s12+$0xFFFFFEE0]  }
0x152: {  	v9 =	vmul.f32 v39, v31;
	[tilespmem:s6+$0xFFFFFF30] =	vst v22;
	v26 =	vmul.f32 v26, v20;
	v20 =	vld [tilespmem:s9+$0x0]  }
0x153: {  	v35 =	vmul.f32 v35, v19;
	v10 =	vperm.xlane v45, v2;
	[tilespmem:s6+$0xFFFFFF80] =	vst v21;
	v31 =	vld [tilespmem:s12+$0xFFFFFF40]  }
0x154: {  	v23 =	vperm.xlane v25, v4;
	v8 =	vmul.f32 v27, v8;
	v27 =	vld [tilespmem:s12+$0xFFFFFF90];
	[tilespmem:s6+$0xFFFFFFD0] =	vst v9  }
0x155: {  	s8 =	simm.s32 $0x53C0;
	v25 =	vperm.xlane v25, v3;
	v21 =	vperm.xlane v12, v4;
	v59 =	vld [tilespmem:s12+$0xFFFFFFE0]  }
0x156: {  	v9 =	vmul.f32 v54, v53;
	[tilespmem:s6+$0x20] =	vst v8;
	v36 =	vmul.f32 v6, v55;
	v6 =	vld [tilespmem:s8+$0x130]  }
0x157: {  	v12 =	vperm.xlane v12, v3;
	v22 =	vperm.xlane v28, v4;
	v60 =	vld [tilespmem:s12+$0x30]  }
0x158: {  	v23 =	vmul.f32 v5, v23;
	v28 =	vperm.xlane v28, v3;
	[tilespmem:s6+$0x70] =	vst v9;
	v9 =	vld [tilespmem:s8+$0xFFFFFF50]  }
0x159: {  	v21 =	vmul.f32 v5, v21;
	v37 =	vmul.f32 v56, v10;
	v10 =	vld [tilespmem:s8+$0xFFFFFFA0]  }
0x15a: {  	v22 =	vmul.f32 v5, v22;
	v30 =	vmul.f32 v31, v11;
	v31 =	vld [tilespmem:s9+$0xFFFFFFE0]  }
0x15b: {  	[tilespmem:s6+$0xFFFFFF50] =	vst v17;
	v17 =	vmul.f32 v42, v16;
	v23 =	vmul.f32 v23, v14;
	v14 =	vld [tilespmem:s8+$0x90];
	v41 =	vadd.f32 v41, v6  }
0x15c: {  	v8 =	vperm.xlane v45, v3;
	v22 =	vmul.f32 v22, v18;
	v11 =	vld [tilespmem:s8+$0xFFFFFFF0]  }
0x15d: {  	v45 =	vld [tilespmem:s9+$0x10];
	v25 =	vmul.f32 v27, v25;
	v63 =	vmul.f32 $2.000000030e-01, v41  }
0x15e: {  	v27 =	vmul.f32 v59, v28;
	v28 =	vmul.f32 v60, v12;
	v12 =	vld [tilespmem:s8+$0x40]  }
0x15f: {  	v44 =	vadd.f32 v43, v9;
	v18 =	vadd.f32 v31, v10;
	v24 =	vmax.f32 v41, v63  }
0x160: {  	v61 =	vld [tilespmem:s9+$0xFFFFFFC0];
	v21 =	vmul.f32 v21, v13;
	v24 =	vmul.f32 $1.442695020e+00, v24  }
0x161: {  	v47 =	vld [tilespmem:s9+$0x20];
	v31 =	vmul.f32 $2.000000030e-01, v44;
	v38 =	vadd.f32 v62, v11;
	v46 =	vmul.f32 $2.000000030e-01, v18  }
0x162: {  	v39 =	vadd.f32 v45, v14;
	(erf) = vpow2.f32 v24;
	v24 =	vmul.f32 v32, v15;
	v15 =	vld [tilespmem:s8+$0xFFFFFF00]  }
0x163: {  	v13 =	vld [tilespmem:s8+$0xE0];
	v31 =	vmax.f32 v44, v31;
	v19 =	vmul.f32 $2.000000030e-01, v38;
	v20 =	vadd.f32 v20, v12  }
0x164: {  	[tilespmem:s6+$0x120] =	vst v29;
	v29 =	vmul.f32 $2.000000030e-01, v39;
	v31 =	vmul.f32 $1.442695020e+00, v31  }
0x165: {  	v18 =	vmax.f32 v18, v46;
	v19 =	vmax.f32 v38, v19;
	v48 =	vmul.f32 $2.000000030e-01, v20  }
0x166: {  	v18 =	vmul.f32 $1.442695020e+00, v18;
	v19 =	vmul.f32 $1.442695020e+00, v19  }
0x167: {  	(erf) = vpow2.f32 v31;
	v20 =	vmax.f32 v20, v48;
	v49 =	vadd.f32 v61, v15  }
0x168: {  	v31 =	vadd.f32 v47, v13;
	(erf) = vpow2.f32 v18;
	v20 =	vmul.f32 $1.442695020e+00, v20  }
0x169: {  	v18 =	vmax.f32 v39, v29;
	(erf) = vpow2.f32 v19;
	v19 =	vmul.f32 $2.000000030e-01, v49  }
0x16a: {  	v50 =	vld [tilespmem:s8+$0xF0];
	[tilespmem:s6+$0x130] =	vst v17;
	v29 =	vmul.f32 $2.000000030e-01, v31;
	v18 =	vmul.f32 $1.442695020e+00, v18  }
0x16b: {  	[tilespmem:s6+$0xFFFFFF40] =	vst v30;
	(erf) = vpow2.f32 v20;
	v19 =	vmax.f32 v49, v19  }
0x16c: {  	v40 =	vld [tilespmem:s12+$0x80];
	[tilespmem:s6+$0xFFFFFF90] =	vst v25;
	v25 =	vmax.f32 v31, v29;
	(erf) = vpow2.f32 v18;
	v30 =	vpop (erf);
	v18 =	vmul.f32 $1.442695020e+00, v19  }
0x16d: {  	[tilespmem:s6+$0xFFFFFFE0] =	vst v27;
	v20 =	vmul.f32 $1.442695020e+00, v25;
	v27 =	vperm.xlane v30, v0  }
0x16e: {  	[tilespmem:s6+$0xFFFFFFA0] =	vst v23  }
0x16f: {  	v51 =	vld [tilespmem:s8+$0x0];
	[tilespmem:s6+$0xC0] =	vst v36;
	(erf) = vpow2.f32 v20;
	v19 =	vmul.f32 v50, v27  }
0x170: {  	s10 =	simm.s32 $0xB3C0;
	[tilespmem:s6+$0x30] =	vst v28;
	v25 =	vld [tilespmem:s8+$0xFFFFFF10];
	(erf) = vpow2.f32 v18;
	v18 =	vpop (erf)  }
0x171: {  	v34 =	vmul.f32 v40, v34;
	v28 =	vld [tilespmem:s8+$0xFFFFFF60];
	v16 =	vperm.xlane v30, v4;
	[tilespmem:s10+$0xF0] =	vst v19;
	v20 =	vpop (erf)  }
0x172: {  	[tilespmem:s6+$0x90] =	vst v24;
	v24 =	vperm.xlane v30, v1;
	v31 =	vld [tilespmem:s8+$0x100];
	v23 =	vperm.xlane v20, v0  }
0x173: {  	[tilespmem:s6+$0xFFFFFFF0] =	vst v22;
	v22 =	vld [tilespmem:s8+$0xFFFFFFB0];
	v19 =	vperm.xlane v18, v0;
	v29 =	vperm.xlane v18, v1  }
0x174: {  	v53 =	vld [tilespmem:s8+$0xA0];
	[tilespmem:s6+$0x40] =	vst v21;
	v32 =	vperm.xlane v18, v2;
	v36 =	vperm.xlane v18, v4  }
0x175: {  	[tilespmem:s6+$0xFFFFFEE0] =	vst v37;
	v21 =	vpop (erf);
	v54 =	vperm.xlane v20, v1;
	v19 =	vmul.f32 v25, v19;
	v25 =	vld [tilespmem:s8+$0x50]  }
0x176: {  	v17 =	vld [tilespmem:s12+$0xFFFFFEF0];
	[tilespmem:s6+$0xFFFFFF00] =	vst v26;
	v52 =	vperm.xlane v21, v0;
	v28 =	vmul.f32 v28, v23;
	v23 =	vpop (erf)  }
0x177: {  	v27 =	vld [tilespmem:s8+$0xFFFFFEC0];
	[tilespmem:s10+$0xFFFFFF10] =	vst v19;
	v31 =	vmul.f32 v31, v24;
	v19 =	vperm.xlane v23, v0;
	v24 =	vpop (erf)  }
0x178: {  	v55 =	vld [tilespmem:s8+$0xFFFFFF20];
	[tilespmem:s10+$0xFFFFFF60] =	vst v28;
	v28 =	vmul.f32 v22, v52;
	v56 =	vperm.xlane v24, v0  }
0x179: {  	v58 =	vperm.xlane v21, v1;
	v57 =	vld [tilespmem:s8+$0xFFFFFF70];
	[tilespmem:s10+$0x100] =	vst v31;
	v22 =	vpop (erf);
	v19 =	vmul.f32 v51, v19  }
0x17a: {  	[tilespmem:s10+$0xFFFFFFB0] =	vst v28;
	v31 =	vperm.xlane v22, v0;
	v59 =	vld [tilespmem:s8+$0x110];
	v28 =	vmul.f32 v25, v56;
	v25 =	vpop (erf)  }
0x17b: {  	v52 =	vperm.xlane v21, v2;
	v62 =	vld [tilespmem:s8+$0xFFFFFFC0];
	v60 =	vperm.xlane v25, v0;
	[tilespmem:s10+$0x0] =	vst v19  }
0x17c: {  	v44 =	vperm.xlane v23, v1;
	v19 =	vld [tilespmem:s12+$0xD0];
	[tilespmem:s10+$0x50] =	vst v28;
	v28 =	vmul.f32 v53, v31  }
0x17d: {  	[tilespmem:s6+$0x80] =	vst v34;
	v63 =	vperm.xlane v24, v1;
	v45 =	vld [tilespmem:s8+$0x10];
	v26 =	vmul.f32 v27, v60  }
0x17e: {  	v34 =	vperm.xlane v24, v4;
	v31 =	vperm.xlane v30, v2;
	v27 =	vld [tilespmem:s8+$0x60];
	[tilespmem:s10+$0xA0] =	vst v28  }
0x17f: {  	v47 =	vmul.f32 v57, v54;
	[tilespmem:s10+$0xFFFFFEC0] =	vst v26;
	v26 =	vmul.f32 v55, v29;
	v29 =	vld [tilespmem:s8+$0xB0]  }
0x180: {  	v61 =	vperm.xlane v25, v1;
	[tilespmem:s6+$0xE0] =	vst v35;
	v31 =	vmul.f32 v59, v31;
	v46 =	vld [tilespmem:s8+$0xFFFFFED0]  }
0x181: {  	v49 =	vperm.xlane v25, v2;
	v48 =	vmul.f32 v62, v58;
	[tilespmem:s10+$0xFFFFFF70] =	vst v47  }
0x182: {  	v53 =	vperm.xlane v23, v2;
	v30 =	vperm.xlane v30, v3;
	v54 =	vld [tilespmem:s8+$0xFFFFFF80];
	[tilespmem:s10+$0x110] =	vst v31  }
0x183: {  	v28 =	vperm.xlane v22, v1;
	[tilespmem:s10+$0xFFFFFFC0] =	vst v48;
	v50 =	vmul.f32 v45, v44;
	v31 =	vld [tilespmem:s8+$0x120]  }
0x184: {  	[tilespmem:s10+$0xFFFFFF20] =	vst v26;
	v26 =	vperm.xlane v20, v2;
	v56 =	vld [tilespmem:s8+$0xFFFFFFD0];
	v27 =	vmul.f32 v27, v63  }
0x185: {  	v51 =	vld [tilespmem:s8+$0xFFFFFF30];
	[tilespmem:s10+$0x10] =	vst v50;
	v28 =	vmul.f32 v29, v28;
	v29 =	vmul.f32 v46, v61  }
0x186: {  	v57 =	vperm.xlane v25, v4;
	v62 =	vperm.xlane v23, v4;
	v58 =	vld [tilespmem:s8+$0x20];
	[tilespmem:s10+$0x60] =	vst v27  }
0x187: {  	v55 =	vperm.xlane v24, v2;
	v26 =	vmul.f32 v54, v26;
	v59 =	vld [tilespmem:s8+$0x70];
	[tilespmem:s10+$0xFFFFFED0] =	vst v29  }
0x188: {  	v27 =	vperm.xlane v22, v2;
	v30 =	vmul.f32 v31, v30;
	[tilespmem:s10+$0xB0] =	vst v28;
	v60 =	vld [tilespmem:s8+$0xFFFFFEE0]  }
0x189: {  	v61 =	vperm.xlane v21, v4;
	v28 =	vmul.f32 v56, v52;
	[tilespmem:s10+$0xFFFFFF80] =	vst v26;
	v46 =	vld [tilespmem:s8+$0xC0]  }
0x18a: {  	v26 =	vmul.f32 v5, v57;
	v31 =	vmul.f32 v51, v32;
	[tilespmem:s10+$0x120] =	vst v30  }
0x18b: {  	v29 =	vperm.xlane v20, v4;
	v33 =	vld [tilespmem:s8+$0xFFFFFF90];
	[tilespmem:s10+$0xFFFFFFD0] =	vst v28;
	v30 =	vmul.f32 v58, v53  }
0x18c: {  	v32 =	vperm.xlane v22, v4;
	[tilespmem:s10+$0xFFFFFF30] =	vst v31;
	v35 =	vld [tilespmem:s8+$0xFFFFFFE0];
	v37 =	vmul.f32 v59, v55  }
0x18d: {  	v28 =	vmul.f32 v5, v36;
	v31 =	vld [tilespmem:s8+$0xFFFFFF40];
	[tilespmem:s10+$0x20] =	vst v30;
	v63 =	vmul.f32 v60, v49  }
0x18e: {  	v29 =	vmul.f32 v5, v29;
	v36 =	vld [tilespmem:s8+$0x30];
	[tilespmem:s10+$0x70] =	vst v37;
	v38 =	vmul.f32 v46, v27  }
0x18f: {  	s11 =	simm.s32 $0x8;
	s12 =	simm.s32 $0x5640;
	v30 =	vmul.f32 v5, v61;
	v27 =	vmul.f32 v5, v62;
	v37 =	vld [tilespmem:s8+$0x80];
	[tilespmem:s10+$0xFFFFFEE0] =	vst v63  }
.LBB2_5:
0x190: {  	v39 =	vld [tilespmem:s12+$0x130];
	v34 =	vmul.f32 v5, v34;
	v32 =	vmul.f32 v5, v32;
	[tilespmem:s10+$0xC0] =	vst v38;
	s9 =	sadd.s32 $0x80, s9  }
0x191: {  	s11 =	sadd.s32 $0x8, s11;
	v25 =	vperm.xlane v25, v3;
	v16 =	vmul.f32 v5, v16;
	v38 =	vld [tilespmem:s9+$0x30]  }
0x192: {  	v18 =	vperm.xlane v18, v3;
	v20 =	vperm.xlane v20, v3;
	p0 =	slt.u32 s11, $0x78;
	v40 =	vld [tilespmem:s9+$0xFFFFFFC0]  }
0x193: {  	v21 =	vperm.xlane v21, v3;
	v23 =	vperm.xlane v23, v3;
	v41 =	vld [tilespmem:s12+$0xFFFFFF50]  }
0x194: {  	v24 =	vperm.xlane v24, v3;
	v22 =	vperm.xlane v22, v3;
	v42 =	vld [tilespmem:s9+$0xFFFFFFD0]  }
0x195: {  	v17 =	vmul.f32 v17, v8;
	v18 =	vmul.f32 v31, v18;
	v8 =	vmov v25;
	v43 =	vld [tilespmem:s12+$0xFFFFFFA0]  }
0x196: {  	v20 =	vmul.f32 v33, v20;
	v21 =	vmul.f32 v35, v21;
	v25 =	vld [tilespmem:s9+$0xFFFFFFE0];
	v31 =	vadd.f32 v38, v39  }
0x197: {  	v23 =	vmul.f32 v36, v23;
	v24 =	vmul.f32 v37, v24;
	v33 =	vld [tilespmem:s12+$0xFFFFFFF0];
	[tilespmem:s6+$0xFFFFFEF0] =	vst v17  }
0x198: {  	v17 =	vld [tilespmem:s9+$0xFFFFFFF0];
	v35 =	vmul.f32 $2.000000030e-01, v31;
	[tilespmem:s10+$0xFFFFFF40] =	vst v18;
	v18 =	vmul.f32 v19, v7;
	v7 =	vmov v22  }
0x199: {  	v26 =	vmul.f32 v26, v15;
	v15 =	vmul.f32 v28, v9;
	v19 =	vadd.f32 v42, v41;
	v22 =	vld [tilespmem:s12+$0x40];
	[tilespmem:s10+$0xFFFFFF90] =	vst v20  }
0x19a: {  	v28 =	vmul.f32 v29, v10;
	v20 =	vld [tilespmem:s9+$0x0];
	v35 =	vmax.f32 v31, v35;
	[tilespmem:s10+$0xFFFFFFE0] =	vst v21;
	v21 =	vmul.f32 v30, v11  }
0x19b: {  	v9 =	vmovc v41;
	v10 =	vmovc v43;
	v29 =	vmul.f32 $2.000000030e-01, v19;
	v25 =	vadd.f32 v25, v43;
	v30 =	vld [tilespmem:s12+$0x90];
	v31 =	vmul.f32 $1.442695020e+00, v35;
	[tilespmem:s10+$0x30] =	vst v23  }
0x19c: {  	v27 =	vmul.f32 v27, v12;
	v23 =	vld [tilespmem:s9+$0x10];
	[tilespmem:s10+$0x80] =	vst v24;
	v24 =	vmul.f32 v34, v14;
	v11 =	vmov v33  }
0x19d: {  	v35 =	vmul.f32 $2.000000030e-01, v25;
	v17 =	vadd.f32 v17, v11;
	v33 =	vld [tilespmem:s12+$0xE0];
	(erf) = vpow2.f32 v31;
	[tilespmem:s6+$0xD0] =	vst v18;
	s6 =	smov.u32 s10  }
0x19e: {  	v16 =	vmul.f32 v16, v6;
	v34 =	vmax.f32 v19, v29;
	v29 =	vmul.f32 v32, v13;
	v18 =	vld [tilespmem:s9+$0x20];
	[tilespmem:s10+$0xFFFFFF50] =	vst v15  }
0x19f: {  	v6 =	vmovc v39;
	v15 =	vld [tilespmem:s12+$0xFFFFFF00];
	v31 =	vmax.f32 v25, v35;
	v32 =	vmul.f32 $2.000000030e-01, v17;
	v19 =	vadd.f32 v20, v22;
	[tilespmem:s10+$0xFFFFFFA0] =	vst v28  }
0x1a0: {  	v12 =	vmovc v22;
	v20 =	vmul.f32 $1.442695020e+00, v34;
	v28 =	vld [tilespmem:s12+$0xFFFFFEC0];
	v25 =	vmul.f32 $1.442695020e+00, v31;
	[tilespmem:s10+$0xFFFFFFF0] =	vst v21;
	v14 =	vmov v30  }
0x1a1: {  	v21 =	vld [tilespmem:s12+$0xFFFFFF10];
	v30 =	vmax.f32 v17, v32;
	v17 =	vmul.f32 $2.000000030e-01, v19;
	v22 =	vadd.f32 v23, v14;
	[tilespmem:s10+$0x40] =	vst v27  }
0x1a2: {  	v23 =	vld [tilespmem:s12+$0xFFFFFF60];
	v27 =	vmul.f32 $1.442695020e+00, v30;
	(erf) = vpow2.f32 v20;
	[tilespmem:s10+$0x90] =	vst v24;
	v13 =	vmov v33  }
0x1a3: {  	v30 =	vld [tilespmem:s12+$0xFFFFFFB0];
	v17 =	vmax.f32 v19, v17;
	v19 =	vmul.f32 $2.000000030e-01, v22;
	v18 =	vadd.f32 v18, v13;
	[tilespmem:s10+$0x130] =	vst v16  }
0x1a4: {  	v16 =	vadd.f32 v40, v15;
	v17 =	vmul.f32 $1.442695020e+00, v17;
	v20 =	vld [tilespmem:s12+$0xF0];
	(erf) = vpow2.f32 v25  }
0x1a5: {  	v25 =	vld [tilespmem:s12+$0x0];
	v19 =	vmax.f32 v22, v19;
	v22 =	vmul.f32 $2.000000030e-01, v18;
	(erf) = vpow2.f32 v27  }
0x1a6: {  	v24 =	vmul.f32 $2.000000030e-01, v16;
	v19 =	vmul.f32 $1.442695020e+00, v19;
	v27 =	vld [tilespmem:s12+$0x50];
	v31 =	vpop (erf)  }
0x1a7: {  	v18 =	vmax.f32 v18, v22;
	v32 =	vld [tilespmem:s12+$0xA0];
	v22 =	vperm.xlane v31, v0;
	(erf) = vpow2.f32 v17  }
0x1a8: {  	v16 =	vmax.f32 v16, v24;
	v33 =	vmul.f32 $1.442695020e+00, v18;
	(erf) = vpow2.f32 v19;
	v17 =	vld [tilespmem:s8+$0xFFFFFEF0];
	[tilespmem:s10+$0xFFFFFF00] =	vst v26  }
0x1a9: {  	v24 =	vmul.f32 $1.442695020e+00, v16;
	v20 =	vmul.f32 v20, v22;
	v19 =	vld [tilespmem:s8+$0xD0];
	[tilespmem:s10+$0xE0] =	vst v29;
	s8 =	smov.u32 s12  }
0x1aa: {  	v16 =	vperm.xlane v31, v4;
	s10 =	sadd.s32 $0x280, s10;
	(erf) = vpow2.f32 v33  }
0x1ab: {  	[tilespmem:s10+$0xF0] =	vst v20;
	(erf) = vpow2.f32 v24;
	v18 =	vpop (erf)  }
0x1ac: {  	v22 =	vperm.xlane v18, v0;
	v26 =	vperm.xlane v18, v1;
	v24 =	vld [tilespmem:s12+$0x100]  }
0x1ad: {  	v29 =	vperm.xlane v18, v2;
	v35 =	vperm.xlane v18, v4;
	v20 =	vpop (erf)  }
0x1ae: {  	v22 =	vmul.f32 v21, v22;
	v33 =	vperm.xlane v20, v0;
	v21 =	vpop (erf)  }
0x1af: {  	v36 =	vperm.xlane v31, v1;
	v34 =	vperm.xlane v21, v0  }
0x1b0: {  	v37 =	vperm.xlane v20, v1;
	[tilespmem:s10+$0xFFFFFF10] =	vst v22;
	v41 =	vmul.f32 v23, v33;
	v23 =	vpop (erf)  }
0x1b1: {  	v33 =	vld [tilespmem:s12+$0xFFFFFF20];
	v38 =	vperm.xlane v23, v0;
	v36 =	vmul.f32 v24, v36;
	v24 =	vpop (erf)  }
0x1b2: {  	v30 =	vmul.f32 v30, v34;
	[tilespmem:s10+$0xFFFFFF60] =	vst v41;
	v34 =	vperm.xlane v24, v0  }
0x1b3: {  	v40 =	vperm.xlane v21, v1;
	v39 =	vld [tilespmem:s12+$0xFFFFFF70];
	v38 =	vmul.f32 v25, v38;
	[tilespmem:s10+$0x100] =	vst v36;
	v22 =	vpop (erf)  }
0x1b4: {  	[tilespmem:s10+$0xFFFFFFB0] =	vst v30;
	v27 =	vmul.f32 v27, v34;
	v30 =	vperm.xlane v22, v0;
	v34 =	vld [tilespmem:s12+$0x110];
	v25 =	vpop (erf)  }
0x1b5: {  	v36 =	vperm.xlane v25, v0;
	v41 =	vperm.xlane v25, v1;
	v42 =	vld [tilespmem:s12+$0xFFFFFFC0];
	[tilespmem:s10+$0x0] =	vst v38  }
0x1b6: {  	v38 =	vperm.xlane v23, v1;
	v43 =	vld [tilespmem:s12+$0x10];
	[tilespmem:s10+$0x50] =	vst v27;
	v27 =	vmul.f32 v32, v30  }
0x1b7: {  	v32 =	vperm.xlane v31, v2;
	v28 =	vmul.f32 v28, v36;
	v30 =	vld [tilespmem:s12+$0x60]  }
0x1b8: {  	v44 =	vperm.xlane v22, v1;
	v36 =	vperm.xlane v24, v1;
	[tilespmem:s10+$0xA0] =	vst v27  }
0x1b9: {  	v26 =	vmul.f32 v33, v26;
	[tilespmem:s10+$0xFFFFFEC0] =	vst v28;
	v27 =	vld [tilespmem:s12+$0xB0];
	v28 =	vmul.f32 v34, v32  }
0x1ba: {  	v33 =	vmul.f32 v39, v37;
	v32 =	vld [tilespmem:s12+$0xFFFFFED0];
	v34 =	vmul.f32 v42, v40  }
0x1bb: {  	v37 =	vperm.xlane v25, v2;
	v38 =	vmul.f32 v43, v38;
	[tilespmem:s10+$0x110] =	vst v28  }
0x1bc: {  	[tilespmem:s10+$0xFFFFFF20] =	vst v26;
	v26 =	vperm.xlane v20, v2;
	v28 =	vmul.f32 v30, v36;
	v30 =	vld [tilespmem:s12+$0x120]  }
0x1bd: {  	v39 =	vperm.xlane v23, v2;
	v36 =	vld [tilespmem:s12+$0xFFFFFF30];
	[tilespmem:s10+$0xFFFFFF70] =	vst v33;
	v33 =	vperm.xlane v21, v2  }
0x1be: {  	v42 =	vperm.xlane v24, v2;
	v40 =	vld [tilespmem:s12+$0xFFFFFF80];
	[tilespmem:s10+$0xFFFFFFC0] =	vst v34;
	v27 =	vmul.f32 v27, v44  }
0x1bf: {  	v31 =	vperm.xlane v31, v3;
	v32 =	vmul.f32 v32, v41;
	v34 =	vld [tilespmem:s12+$0xFFFFFFD0];
	[tilespmem:s10+$0x10] =	vst v38  }
0x1c0: {  	v43 =	vperm.xlane v22, v2;
	v38 =	vperm.xlane v25, v4;
	v41 =	vld [tilespmem:s12+$0x20];
	[tilespmem:s10+$0x60] =	vst v28  }
0x1c1: {  	v44 =	vperm.xlane v20, v4;
	[tilespmem:s10+$0xFFFFFED0] =	vst v32;
	v28 =	vld [tilespmem:s12+$0x70];
	v30 =	vmul.f32 v30, v31  }
0x1c2: {  	v46 =	vperm.xlane v21, v4;
	v45 =	vld [tilespmem:s12+$0xFFFFFEE0];
	v29 =	vmul.f32 v36, v29;
	[tilespmem:s10+$0xB0] =	vst v27  }
0x1c3: {  	v27 =	vperm.xlane v23, v4;
	v26 =	vmul.f32 v40, v26;
	v40 =	vld [tilespmem:s12+$0xC0];
	[tilespmem:s10+$0x120] =	vst v30  }
0x1c4: {  	[tilespmem:s10+$0xFFFFFF30] =	vst v29;
	v29 =	vmul.f32 v34, v33;
	v34 =	vperm.xlane v24, v4  }
.Ltmp1:
0x1c5: {  	v32 =	vperm.xlane v22, v4;
	v31 =	vld [tilespmem:s12+$0xFFFFFF40];
	[tilespmem:s10+$0xFFFFFF80] =	vst v26;
	v30 =	vmul.f32 v41, v39;
	(pc) =	sbr.rel @p0 .LBB2_5-.Ltmp1, $4  }
0x1c6: {  	v26 =	vmul.f32 v5, v38;
	v33 =	vld [tilespmem:s12+$0xFFFFFF90];
	[tilespmem:s10+$0xFFFFFFD0] =	vst v29;
	v38 =	vmul.f32 v28, v42  }
0x1c7: {  	v28 =	vmul.f32 v5, v35;
	v37 =	vmul.f32 v45, v37;
	v35 =	vld [tilespmem:s12+$0xFFFFFFE0];
	[tilespmem:s10+$0x20] =	vst v30  }
0x1c8: {  	v29 =	vmul.f32 v5, v44;
	v36 =	vld [tilespmem:s12+$0x30];
	[tilespmem:s10+$0x70] =	vst v38;
	v38 =	vmul.f32 v40, v43  }
0x1c9: {  	v27 =	vmul.f32 v5, v27;
	v30 =	vmul.f32 v5, v46;
	s12 =	sadd.s32 $0x280, s12;
	[tilespmem:s10+$0xFFFFFEE0] =	vst v37;
	v37 =	vld [tilespmem:s8+$0x80]  }
0x1ca: {  	v8 =	vmul.f32 v17, v8  }
0x1cb: {  	[tilespmem:s10+$0xC0] =	vst v38;
	v7 =	vmul.f32 v19, v7  }
0x1cc: {  	v9 =	vmul.f32 v28, v9;
	[tilespmem:s6+$0xFFFFFEF0] =	vst v8  }
0x1cd: {  	v55 =	vmul.f32 v29, v10;
	[tilespmem:s6+$0xD0] =	vst v7  }
0x1ce: {  	v63 =	vmul.f32 v26, v15;
	[tilespmem:s10+$0xFFFFFF50] =	vst v9  }
0x1cf: {  	v18 =	vperm.xlane v18, v3;
	v56 =	vmul.f32 v30, v11;
	[tilespmem:s10+$0xFFFFFFA0] =	vst v55  }
0x1d0: {  	v20 =	vperm.xlane v20, v3;
	v59 =	vld [tilespmem:s8+$0xFFFFFEF0];
	v58 =	vmul.f32 v27, v12;
	[tilespmem:s10+$0xFFFFFF00] =	vst v63  }
0x1d1: {  	v51 =	vperm.xlane v21, v3;
	v18 =	vmul.f32 v31, v18;
	[tilespmem:s10+$0xFFFFFFF0] =	vst v56  }
0x1d2: {  	v57 =	vmul.f32 v5, v16;
	v20 =	vmul.f32 v33, v20;
	[tilespmem:s10+$0x40] =	vst v58  }
0x1d3: {  	v61 =	vmul.f32 v5, v32;
	v17 =	vmul.f32 v35, v51;
	[tilespmem:s10+$0xFFFFFF40] =	vst v18  }
0x1d4: {  	v7 =	vmul.f32 v5, v34;
	v6 =	vmul.f32 v57, v6;
	[tilespmem:s10+$0xFFFFFF90] =	vst v20  }
0x1d5: {  	v52 =	vperm.xlane v23, v3;
	v60 =	vld [tilespmem:s8+$0xD0];
	v12 =	vmul.f32 v61, v13;
	[tilespmem:s10+$0xFFFFFFE0] =	vst v17  }
0x1d6: {  	v53 =	vperm.xlane v24, v3;
	v7 =	vmul.f32 v7, v14;
	[tilespmem:s10+$0x130] =	vst v6  }
0x1d7: {  	v62 =	vperm.xlane v25, v3;
	s0 =	sadd.s32 $0x1, s0;
	v54 =	vmul.f32 v36, v52;
	[tilespmem:s10+$0xE0] =	vst v12  }
0x1d8: {  	p0 =	sne.s32 s0, $0x14;
	v8 =	vmul.f32 v37, v53;
	[tilespmem:s10+$0x90] =	vst v7;
	v7 =	vperm.xlane v22, v3  }
.Ltmp2:
0x1d9: {  	[tilespmem:s10+$0x30] =	vst v54;
	v6 =	vmul.f32 v59, v62;
	(pc) =	sbr.rel @p0 .LBB2_2-.Ltmp2, $4  }
0x1da: {  	[tilespmem:s10+$0x80] =	vst v8;
	v7 =	vmul.f32 v60, v7  }
0x1db: {  	s16 =	sand.u32 $0x3FFFFF80, s16;
	[tilespmem:s10+$0xFFFFFEF0] =	vst v6  }
0x1dc: {  	s6 =	sadd.s32 $0x1400, s16;
	[tilespmem:s10+$0xD0] =	vst v7  }
0x1dd: {  	[spmem:s3] =	stream.indirect.scatter.add.f32 [tilespmem:s29], [sflag:$0x5], $0x50, s6, s20, $0xb8;
	[tilespmem:$0x1C800] =	vst v63  }
0x1de: {  	_ =	swait.ge [sflag:s25], $0x2800  }
0x1df: {  	[sflag:s25] =	ssyncset.done $0x0  }
0x1e0: {  	[sflag:s25] =	ssyncadd.s32 $0xFFFFD800  }
0x1e1: {  	_ =	swait.ge [sflag:s25], $0x800  }
0x1e2: {  	[sflag:s25] =	ssyncset.done $0x0  }
0x1e3: {  	[sflag:s25] =	ssyncadd.s32 $0xFFFFF800  }
0x1e4: {  	_ =	swait.ge [sflag:s30], $0x2800  }
0x1e5: {  	[sflag:s30] =	ssyncset.done $0x0  }
0x1e6: {  	[sflag:s30] =	ssyncadd.s32 $0xFFFFD800  }
0x1e7: {  	s0 =	stileid.u32;
	_ =	swait.ge [sflag:s31], $0x2800  }
0x1e8: {  	s6 =	sshrl.u32 s7, $0x3;
	s1 =	sadd.s32 $0x1, s1;
	[sflag:s31] =	ssyncset.done $0x0  }
0x1e9: {  	s0 =	sshll.u32 s0, $0x6;
	p0 =	sne.s32 s1, s15;
	[sflag:s31] =	ssyncadd.s32 $0xFFFFD800  }
.Ltmp3:
0x1ea: {  	s0 =	sor.u32 $0x1C06, s0;
	[bflag:$0x0] =	sbarrier.arrive $0xFFFF;
	(pc) =	sbr.rel @p0 .LBB2_1-.Ltmp3, $4  }
0x1eb: {  	[hbm:s14], [sflag:s0] =	dma.local [spmem:s6], $0x1900  }
0x1ec: {  	_ =	swait.ge [sflag:s18], $0x1900  }
0x1ed: {  	[sflag:s18] =	ssyncset.done $0x0  }
0x1ee: {  	[sflag:s18] =	ssyncadd.s32 $0xFFFFE700  }
0x1ef: {  	_ =	sfence.sel $0x180000  }
0x1f0: {  	[bflag:$0x0] =	sbarrier.arrive $0xFFFF  }
0x1f1: {  	_ =	strace $0x90000047  }
0x1f2: {  	s0 =	stileid.u32;
	[bflag:$0x2] =	sbarrier.arrive $0xFFFF  }
0x1f3: {  	p0 =	sne.s32 s0, $0x0;
	s0 =	rddreg [dreg:$0x3]  }
0x1f4: {  	s0 =	sadd.s32 @!p0 $0x100000, s0  }
0x1f5: {  	[sflag:s0] =	ssyncadd.tile.s32 @!p0 $0x1;
	_ =	shalt  }
.Lfunc_end2:
_tile_overlayer_lowered:
.L_overlay_start_2:
0x1f6: {  	(tag) =	ssettag $0x2  }
0x1f7: {  	s0 =	rddreg [dreg:$0x0];
	s2 =	stileid.u32  }
0x1f8: {  	s1 =	rddreg [dreg:$0x1];
	p0 =	sne.s32 s2, $0x0  }
0x1f9: {  	s3 =	rddreg [dreg:$0x2];
	[bflag:$0x3] =	sbarrier.arrive $0xFFFF;
	s2 =	simm.s32 @!p0 $0x1C06  }
0x1fa: {  	[timem:s3], [sflag:s2] =	dma.local @!p0 [hbm:s0], s1  }
0x1fb: {  	s0 =	simm.s32 @!p0 $0x6  }
0x1fc: {  	_ =	swait.ge @!p0 [sflag:s0], s1  }
0x1fd: {  	s1 =	ssub.s32 @!p0 $0x0, s1;
	[sflag:s0] =	ssyncset.done @!p0 $0x0  }
0x1fe: {  	[sflag:s0] =	ssyncadd.s32 @!p0 s1  }
0x1ff: {  	[bflag:$0x3] =	sbarrier.arrive $0xFFFF  }
0x200: {  	_ =	shalt  }

</sc_bundles>
